<compile_context>
chip_gen: v7x
topology: tpu7x:2x2x1
jax: 0.10.2.dev20260603
libtpu: 0.0.44.dev20260713+nightly
codegen_flags: <defaults>
</compile_context>

<pallas_src>
import functools

import jax
import jax.numpy as jnp
from jax import lax
from jax.experimental import pallas as pl
from jax.experimental.pallas import tpu as pltpu
from jax.experimental.pallas import tpu_sc as plsc

N_FIELDS = 26
VOCAB = 100000
EMB_DIM = 32
BATCH = 16384

ROWS = BATCH * N_FIELDS
NUM_CORES = 2
NUM_SUBCORES = 16
NW = NUM_CORES * NUM_SUBCORES
ROWS_PER_W = ROWS // NW
IDX_W = 128
G = 8
BLOCK = G * IDX_W
NBLK = ROWS_PER_W // BLOCK

VB = 50176
NSQ = VB // 512
NVB = -(-VOCAB // VB)
SQ_F = NVB * NSQ
RPF = SQ_F * 128
SROWS = N_FIELDS * RPF * 4


def _relayout_body(t_ref, o_ref):
    x = t_ref[0]
    for k in range(NSQ):
        xa = x[:, 512 * k:512 * (k + 1)]
        sq = jnp.concatenate(
            [xa[:, 128 * a:128 * (a + 1)] for a in range(4)], axis=0
        )
        o_ref[0, k] = sq.T


_relayout = pl.pallas_call(
    _relayout_body,
    grid=(N_FIELDS, NVB),
    in_specs=[pl.BlockSpec((1, EMB_DIM, VB), lambda f, t: (f, 0, t))],
    out_specs=pl.BlockSpec((1, NSQ, 128, 128), lambda f, t: (f, t, 0, 0)),
    out_shape=jax.ShapeDtypeStruct((N_FIELDS, SQ_F, 128, 128), jnp.float32),
)


def _make_gather():
    mesh = plsc.VectorSubcoreMesh(core_axis_name="c", subcore_axis_name="s")

    @functools.partial(
        pl.kernel,
        mesh=mesh,
        compiler_params=pltpu.CompilerParams(use_tc_tiling_on_sc=False),
        out_type=jax.ShapeDtypeStruct((ROWS, EMB_DIM), jnp.float32),
        scratch_types=[
            pltpu.VMEM((G, IDX_W), jnp.int32),
            pltpu.VMEM((BLOCK, EMB_DIM), jnp.float32),
            pltpu.SemaphoreType.DMA,
        ],
    )
    def gather_kernel(tab_hbm, idx_hbm, out_hbm, idx_v, rows_v, sem):
        wid = lax.axis_index("s") * NUM_CORES + lax.axis_index("c")
        row0 = wid * ROWS_PER_W
        iblk0 = row0 // IDX_W

        def body(blk, carry):
            base = row0 + blk * BLOCK
            irow = pl.multiple_of(iblk0 + blk * G, 8)
            pltpu.sync_copy(idx_hbm.at[pl.ds(irow, G), :], idx_v)
            handles = [
                pltpu.async_copy(
                    tab_hbm.at[idx_v.at[g]],
                    rows_v.at[pl.ds(g * IDX_W, IDX_W)],
                    sem,
                )
                for g in range(G)
            ]
            for h in handles:
                h.wait()
            pltpu.sync_copy(rows_v, out_hbm.at[pl.ds(base, BLOCK)])
            return carry

        lax.fori_loop(0, NBLK, body, 0)

    return gather_kernel


_gather = _make_gather()


@jax.jit
def kernel(x, tables):
    tab_lin = _relayout(tables.transpose(0, 2, 1)).reshape(SROWS, EMB_DIM)
    v = x.astype(jnp.int32)
    f = jnp.arange(N_FIELDS, dtype=jnp.int32)[None, :]
    rows = 4 * (f * RPF + 128 * (v // 512) + (v % 128)) + (v // 128) % 4
    flat_idx = rows.reshape(ROWS // IDX_W, IDX_W)
    out = _gather(tab_lin, flat_idx)
    return out.reshape(BATCH, N_FIELDS * EMB_DIM)

# --- scband reference (transcript-rebuilt; emitter-appended) ---
"""Pipeline reference for scband-auto-embedding-18923625906601 (READ-ONLY COPY).

The authoritative reference and input builder live on the scoring server;
editing this copy changes nothing except your own understanding.
"""

import jax, jax.numpy as jnp
import numpy as np

N_FIELDS = 26
VOCAB = 100000
EMB_DIM = 32
BATCH = 16384

def setup_inputs(seed: int = 0) -> dict:
    key = jax.random.key(seed)
    k_idx, k_tab = jax.random.split(key)
    x = jax.random.randint(k_idx, (BATCH, N_FIELDS), 0, VOCAB, dtype=jnp.int64 if jax.config.jax_enable_x64 else jnp.int32)
    tables = jax.random.normal(k_tab, (N_FIELDS, VOCAB, EMB_DIM), dtype=jnp.float32) * 0.01
    return {"x": x, "tables": tables}

def reference(x, tables):
    # Faithful translation: one embedding lookup per field, then concat on last dim.
    outs = []
    for i in range(N_FIELDS):
        outs.append(jnp.take(tables[i], x[..., i], axis=0))
    out = jnp.concatenate(outs, axis=-1)
    return out

if __name__ == "__main__":
    import jax
    _d = setup_inputs()
    print(jax.jit(kernel)(*tuple(_d.values())))

</pallas_src>

<mosaic_0001>
#map = affine_map<(d0, d1) -> (0, 0)>
module attributes {stable_mosaic.version = 14 : i64} {
  func.func @gather_kernel(%arg0: i32, %arg1: i32, %arg2: memref<2609152x32xf32, #tpu.memory_space<hbm>>, %arg3: memref<3328x128xi32, #tpu.memory_space<hbm>>, %arg4: memref<425984x32xf32, #tpu.memory_space<hbm>>, %arg5: memref<8x128xi32, #tpu.memory_space<vmem>>, %arg6: memref<1024x32xf32, #tpu.memory_space<vmem>>, %arg7: memref<!tpu.dma_semaphore, #tpu.memory_space<semaphore_mem>>) attributes {dimension_semantics = [#tpu.dimension_semantics<core_parallel>, #tpu.dimension_semantics<subcore_parallel>], iteration_bounds = array<i64: 2, 16>, scalar_prefetch = 0 : i64, scratch_operands = 3 : i64, tpu.core_type = #tpu.core_type<sc_vector_subcore>, window_params = [{transform_indices = #map}, {transform_indices = #map}, {transform_indices = #map}]} {
    %mul3A = arith.constant 2 : i32
    %mul3A_0 = arith.muli %arg1, %mul3A : i32
    %add3A = arith.addi %mul3A_0, %arg0 : i32
    %mul3A_1 = arith.constant 13312 : i32
    %mul3A_2 = arith.muli %add3A, %mul3A_1 : i32
    %jit3A = arith.constant 128 : i32
    %div3A = arith.divsi %mul3A_2, %jit3A : i32
    %sign3A = arith.constant 0 : i32
    %sign3A_3 = arith.cmpi sgt, %mul3A_2, %sign3A : i32
    %sign3A_4 = arith.extui %sign3A_3 : i1 to i32
    %sign3A_5 = arith.constant 0 : i32
    %sign3A_6 = arith.cmpi slt, %mul3A_2, %sign3A_5 : i32
    %sign3A_7 = arith.extui %sign3A_6 : i1 to i32
    %sign3A_8 = arith.subi %sign3A_4, %sign3A_7 : i32
    %sign3A_9 = arith.constant 0 : i32
    %sign3A_10 = arith.cmpi sgt, %jit3A, %sign3A_9 : i32
    %sign3A_11 = arith.extui %sign3A_10 : i1 to i32
    %sign3A_12 = arith.constant 0 : i32
    %sign3A_13 = arith.cmpi slt, %jit3A, %sign3A_12 : i32
    %sign3A_14 = arith.extui %sign3A_13 : i1 to i32
    %sign3A_15 = arith.subi %sign3A_11, %sign3A_14 : i32
    %ne3A = arith.cmpi ne, %sign3A_8, %sign3A_15 : i32
    %rem3A = arith.remsi %mul3A_2, %jit3A : i32
    %ne3A_16 = arith.constant 0 : i32
    %ne3A_17 = arith.cmpi ne, %rem3A, %ne3A_16 : i32
    %and3A = arith.andi %ne3A, %ne3A_17 : i1
    %sub3A = arith.constant 1 : i32
    %sub3A_18 = arith.subi %div3A, %sub3A : i32
    %select_n3A = arith.select %and3A, %sub3A_18, %div3A : i32
    %scan3A = arith.constant 0 : i32
    %scan3A_19 = arith.constant 0 : i32
    %scan3A_20 = arith.constant 13 : i32
    %scan3A_21 = arith.addi %scan3A_19, %scan3A_20 : i32
    %scan3A_22 = arith.constant 1 : i32
    scf.for %scan3A_24 = %scan3A_19 to %scan3A_21 step %scan3A_22  : i32 {
      %mul3A_25 = arith.constant 1024 : i32
      %mul3A_26 = arith.muli %scan3A_24, %mul3A_25 : i32
      %add3A_27 = arith.addi %mul3A_2, %mul3A_26 : i32
      %mul3A_28 = arith.constant 8 : i32
      %mul3A_29 = arith.muli %scan3A_24, %mul3A_28 : i32
      %add3A_30 = arith.addi %select_n3A, %mul3A_29 : i32
      %multiple_of3A = tpu.assume_multiple %add3A_30, 8 : i32
      "tpu.region"() ({
        %run_scoped3A = tpu.sem_alloc : memref<!tpu.dma_semaphore, #tpu.memory_space<semaphore_mem>>
        %dma_start3A_189 = arith.constant 0 : i32
        %dma_start3A_190 = tpu.memref_slice %arg3[%multiple_of3A, %dma_start3A_189] : memref<3328x128xi32, #tpu.memory_space<hbm>> -> memref<8x128xi32, #tpu.memory_space<hbm>>
        %dma_start3A_191 = arith.constant 0 : i32
        %dma_start3A_192 = tpu.memref_slice %arg3[%multiple_of3A, %dma_start3A_191] : memref<3328x128xi32, #tpu.memory_space<hbm>> -> memref<8x128xi32, #tpu.memory_space<hbm>>
        tpu.enqueue_dma source(%dma_start3A_192 : memref<8x128xi32, #tpu.memory_space<hbm>>) target(%arg5 : memref<8x128xi32, #tpu.memory_space<vmem>>) target_semaphore(%run_scoped3A : memref<!tpu.dma_semaphore, #tpu.memory_space<semaphore_mem>>)
        %dma_wait3A_193 = arith.constant 0 : i32
        %dma_wait3A_194 = tpu.memref_slice %arg3[%multiple_of3A, %dma_wait3A_193] : memref<3328x128xi32, #tpu.memory_space<hbm>> -> memref<8x128xi32, #tpu.memory_space<hbm>>
        %dma_wait3A_195 = arith.constant 0 : i32
        %dma_wait3A_196 = tpu.memref_slice %arg3[%multiple_of3A, %dma_wait3A_195] : memref<3328x128xi32, #tpu.memory_space<hbm>> -> memref<8x128xi32, #tpu.memory_space<hbm>>
        tpu.wait_dma2 semaphore(%run_scoped3A : memref<!tpu.dma_semaphore, #tpu.memory_space<semaphore_mem>>) src(%dma_wait3A_196 : memref<8x128xi32, #tpu.memory_space<hbm>>) dst(%arg5 : memref<8x128xi32, #tpu.memory_space<vmem>>)
        tpu.yield
      }) : () -> ()
      %dma_start3A = arith.constant 0 : i32
      %dma_start3A_31 = arith.constant 0 : i32
      %dma_start3A_32 = arith.constant 0 : i32
      %dma_start3A_33 = tpu.memref_slice %arg6[%dma_start3A_31, %dma_start3A_32] : memref<1024x32xf32, #tpu.memory_space<vmem>> -> memref<128x32xf32, #tpu.memory_space<vmem>>
      %dma_start3A_34 = arith.constant 0 : i32
      %dma_start3A_35 = tpu.memref_slice %arg5[%dma_start3A, %dma_start3A_34] : memref<8x128xi32, #tpu.memory_space<vmem>> -> memref<1x128xi32, #tpu.memory_space<vmem>>
      %dma_start3A_36 = tpu.memref_squeeze %dma_start3A_35 : memref<1x128xi32, #tpu.memory_space<vmem>> -> memref<128xi32, #tpu.memory_space<vmem>>
      %dma_start3A_37 = arith.constant 0 : i32
      %dma_start3A_38 = arith.constant 0 : i32
      %dma_start3A_39 = tpu.memref_slice %arg2[%dma_start3A_37, %dma_start3A_38] : memref<2609152x32xf32, #tpu.memory_space<hbm>> -> memref<2609152x32xf32, #tpu.memory_space<hbm>>
      tpu.enqueue_indirect_dma source(%dma_start3A_39 : memref<2609152x32xf32, #tpu.memory_space<hbm>>) target(%dma_start3A_33 : memref<128x32xf32, #tpu.memory_space<vmem>>) offsets(%dma_start3A_36 : memref<128xi32, #tpu.memory_space<vmem>>) semaphore(%arg7 : memref<!tpu.dma_semaphore, #tpu.memory_space<semaphore_mem>>)
      %dma_start3A_40 = arith.constant 1 : i32
      %dma_start3A_41 = arith.constant 128 : i32
      %dma_start3A_42 = arith.constant 0 : i32
      %dma_start3A_43 = tpu.memref_slice %arg6[%dma_start3A_41, %dma_start3A_42] : memref<1024x32xf32, #tpu.memory_space<vmem>> -> memref<128x32xf32, #tpu.memory_space<vmem>>
      %dma_start3A_44 = arith.constant 0 : i32
      %dma_start3A_45 = tpu.memref_slice %arg5[%dma_start3A_40, %dma_start3A_44] : memref<8x128xi32, #tpu.memory_space<vmem>> -> memref<1x128xi32, #tpu.memory_space<vmem>>
      %dma_start3A_46 = tpu.memref_squeeze %dma_start3A_45 : memref<1x128xi32, #tpu.memory_space<vmem>> -> memref<128xi32, #tpu.memory_space<vmem>>
      %dma_start3A_47 = arith.constant 0 : i32
      %dma_start3A_48 = arith.constant 0 : i32
      %dma_start3A_49 = tpu.memref_slice %arg2[%dma_start3A_47, %dma_start3A_48] : memref<2609152x32xf32, #tpu.memory_space<hbm>> -> memref<2609152x32xf32, #tpu.memory_space<hbm>>
      tpu.enqueue_indirect_dma source(%dma_start3A_49 : memref<2609152x32xf32, #tpu.memory_space<hbm>>) target(%dma_start3A_43 : memref<128x32xf32, #tpu.memory_space<vmem>>) offsets(%dma_start3A_46 : memref<128xi32, #tpu.memory_space<vmem>>) semaphore(%arg7 : memref<!tpu.dma_semaphore, #tpu.memory_space<semaphore_mem>>)
      %dma_start3A_50 = arith.constant 2 : i32
      %dma_start3A_51 = arith.constant 256 : i32
      %dma_start3A_52 = arith.constant 0 : i32
      %dma_start3A_53 = tpu.memref_slice %arg6[%dma_start3A_51, %dma_start3A_52] : memref<1024x32xf32, #tpu.memory_space<vmem>> -> memref<128x32xf32, #tpu.memory_space<vmem>>
      %dma_start3A_54 = arith.constant 0 : i32
      %dma_start3A_55 = tpu.memref_slice %arg5[%dma_start3A_50, %dma_start3A_54] : memref<8x128xi32, #tpu.memory_space<vmem>> -> memref<1x128xi32, #tpu.memory_space<vmem>>
      %dma_start3A_56 = tpu.memref_squeeze %dma_start3A_55 : memref<1x128xi32, #tpu.memory_space<vmem>> -> memref<128xi32, #tpu.memory_space<vmem>>
      %dma_start3A_57 = arith.constant 0 : i32
      %dma_start3A_58 = arith.constant 0 : i32
      %dma_start3A_59 = tpu.memref_slice %arg2[%dma_start3A_57, %dma_start3A_58] : memref<2609152x32xf32, #tpu.memory_space<hbm>> -> memref<2609152x32xf32, #tpu.memory_space<hbm>>
      tpu.enqueue_indirect_dma source(%dma_start3A_59 : memref<2609152x32xf32, #tpu.memory_space<hbm>>) target(%dma_start3A_53 : memref<128x32xf32, #tpu.memory_space<vmem>>) offsets(%dma_start3A_56 : memref<128xi32, #tpu.memory_space<vmem>>) semaphore(%arg7 : memref<!tpu.dma_semaphore, #tpu.memory_space<semaphore_mem>>)
      %dma_start3A_60 = arith.constant 3 : i32
      %dma_start3A_61 = arith.constant 384 : i32
      %dma_start3A_62 = arith.constant 0 : i32
      %dma_start3A_63 = tpu.memref_slice %arg6[%dma_start3A_61, %dma_start3A_62] : memref<1024x32xf32, #tpu.memory_space<vmem>> -> memref<128x32xf32, #tpu.memory_space<vmem>>
      %dma_start3A_64 = arith.constant 0 : i32
      %dma_start3A_65 = tpu.memref_slice %arg5[%dma_start3A_60, %dma_start3A_64] : memref<8x128xi32, #tpu.memory_space<vmem>> -> memref<1x128xi32, #tpu.memory_space<vmem>>
      %dma_start3A_66 = tpu.memref_squeeze %dma_start3A_65 : memref<1x128xi32, #tpu.memory_space<vmem>> -> memref<128xi32, #tpu.memory_space<vmem>>
      %dma_start3A_67 = arith.constant 0 : i32
      %dma_start3A_68 = arith.constant 0 : i32
      %dma_start3A_69 = tpu.memref_slice %arg2[%dma_start3A_67, %dma_start3A_68] : memref<2609152x32xf32, #tpu.memory_space<hbm>> -> memref<2609152x32xf32, #tpu.memory_space<hbm>>
      tpu.enqueue_indirect_dma source(%dma_start3A_69 : memref<2609152x32xf32, #tpu.memory_space<hbm>>) target(%dma_start3A_63 : memref<128x32xf32, #tpu.memory_space<vmem>>) offsets(%dma_start3A_66 : memref<128xi32, #tpu.memory_space<vmem>>) semaphore(%arg7 : memref<!tpu.dma_semaphore, #tpu.memory_space<semaphore_mem>>)
      %dma_start3A_70 = arith.constant 4 : i32
      %dma_start3A_71 = arith.constant 512 : i32
      %dma_start3A_72 = arith.constant 0 : i32
      %dma_start3A_73 = tpu.memref_slice %arg6[%dma_start3A_71, %dma_start3A_72] : memref<1024x32xf32, #tpu.memory_space<vmem>> -> memref<128x32xf32, #tpu.memory_space<vmem>>
      %dma_start3A_74 = arith.constant 0 : i32
      %dma_start3A_75 = tpu.memref_slice %arg5[%dma_start3A_70, %dma_start3A_74] : memref<8x128xi32, #tpu.memory_space<vmem>> -> memref<1x128xi32, #tpu.memory_space<vmem>>
      %dma_start3A_76 = tpu.memref_squeeze %dma_start3A_75 : memref<1x128xi32, #tpu.memory_space<vmem>> -> memref<128xi32, #tpu.memory_space<vmem>>
      %dma_start3A_77 = arith.constant 0 : i32
      %dma_start3A_78 = arith.constant 0 : i32
      %dma_start3A_79 = tpu.memref_slice %arg2[%dma_start3A_77, %dma_start3A_78] : memref<2609152x32xf32, #tpu.memory_space<hbm>> -> memref<2609152x32xf32, #tpu.memory_space<hbm>>
      tpu.enqueue_indirect_dma source(%dma_start3A_79 : memref<2609152x32xf32, #tpu.memory_space<hbm>>) target(%dma_start3A_73 : memref<128x32xf32, #tpu.memory_space<vmem>>) offsets(%dma_start3A_76 : memref<128xi32, #tpu.memory_space<vmem>>) semaphore(%arg7 : memref<!tpu.dma_semaphore, #tpu.memory_space<semaphore_mem>>)
      %dma_start3A_80 = arith.constant 5 : i32
      %dma_start3A_81 = arith.constant 640 : i32
      %dma_start3A_82 = arith.constant 0 : i32
      %dma_start3A_83 = tpu.memref_slice %arg6[%dma_start3A_81, %dma_start3A_82] : memref<1024x32xf32, #tpu.memory_space<vmem>> -> memref<128x32xf32, #tpu.memory_space<vmem>>
      %dma_start3A_84 = arith.constant 0 : i32
      %dma_start3A_85 = tpu.memref_slice %arg5[%dma_start3A_80, %dma_start3A_84] : memref<8x128xi32, #tpu.memory_space<vmem>> -> memref<1x128xi32, #tpu.memory_space<vmem>>
      %dma_start3A_86 = tpu.memref_squeeze %dma_start3A_85 : memref<1x128xi32, #tpu.memory_space<vmem>> -> memref<128xi32, #tpu.memory_space<vmem>>
      %dma_start3A_87 = arith.constant 0 : i32
      %dma_start3A_88 = arith.constant 0 : i32
      %dma_start3A_89 = tpu.memref_slice %arg2[%dma_start3A_87, %dma_start3A_88] : memref<2609152x32xf32, #tpu.memory_space<hbm>> -> memref<2609152x32xf32, #tpu.memory_space<hbm>>
      tpu.enqueue_indirect_dma source(%dma_start3A_89 : memref<2609152x32xf32, #tpu.memory_space<hbm>>) target(%dma_start3A_83 : memref<128x32xf32, #tpu.memory_space<vmem>>) offsets(%dma_start3A_86 : memref<128xi32, #tpu.memory_space<vmem>>) semaphore(%arg7 : memref<!tpu.dma_semaphore, #tpu.memory_space<semaphore_mem>>)
      %dma_start3A_90 = arith.constant 6 : i32
      %dma_start3A_91 = arith.constant 768 : i32
      %dma_start3A_92 = arith.constant 0 : i32
      %dma_start3A_93 = tpu.memref_slice %arg6[%dma_start3A_91, %dma_start3A_92] : memref<1024x32xf32, #tpu.memory_space<vmem>> -> memref<128x32xf32, #tpu.memory_space<vmem>>
      %dma_start3A_94 = arith.constant 0 : i32
      %dma_start3A_95 = tpu.memref_slice %arg5[%dma_start3A_90, %dma_start3A_94] : memref<8x128xi32, #tpu.memory_space<vmem>> -> memref<1x128xi32, #tpu.memory_space<vmem>>
      %dma_start3A_96 = tpu.memref_squeeze %dma_start3A_95 : memref<1x128xi32, #tpu.memory_space<vmem>> -> memref<128xi32, #tpu.memory_space<vmem>>
      %dma_start3A_97 = arith.constant 0 : i32
      %dma_start3A_98 = arith.constant 0 : i32
      %dma_start3A_99 = tpu.memref_slice %arg2[%dma_start3A_97, %dma_start3A_98] : memref<2609152x32xf32, #tpu.memory_space<hbm>> -> memref<2609152x32xf32, #tpu.memory_space<hbm>>
      tpu.enqueue_indirect_dma source(%dma_start3A_99 : memref<2609152x32xf32, #tpu.memory_space<hbm>>) target(%dma_start3A_93 : memref<128x32xf32, #tpu.memory_space<vmem>>) offsets(%dma_start3A_96 : memref<128xi32, #tpu.memory_space<vmem>>) semaphore(%arg7 : memref<!tpu.dma_semaphore, #tpu.memory_space<semaphore_mem>>)
      %dma_start3A_100 = arith.constant 7 : i32
      %dma_start3A_101 = arith.constant 896 : i32
      %dma_start3A_102 = arith.constant 0 : i32
      %dma_start3A_103 = tpu.memref_slice %arg6[%dma_start3A_101, %dma_start3A_102] : memref<1024x32xf32, #tpu.memory_space<vmem>> -> memref<128x32xf32, #tpu.memory_space<vmem>>
      %dma_start3A_104 = arith.constant 0 : i32
      %dma_start3A_105 = tpu.memref_slice %arg5[%dma_start3A_100, %dma_start3A_104] : memref<8x128xi32, #tpu.memory_space<vmem>> -> memref<1x128xi32, #tpu.memory_space<vmem>>
      %dma_start3A_106 = tpu.memref_squeeze %dma_start3A_105 : memref<1x128xi32, #tpu.memory_space<vmem>> -> memref<128xi32, #tpu.memory_space<vmem>>
      %dma_start3A_107 = arith.constant 0 : i32
      %dma_start3A_108 = arith.constant 0 : i32
      %dma_start3A_109 = tpu.memref_slice %arg2[%dma_start3A_107, %dma_start3A_108] : memref<2609152x32xf32, #tpu.memory_space<hbm>> -> memref<2609152x32xf32, #tpu.memory_space<hbm>>
      tpu.enqueue_indirect_dma source(%dma_start3A_109 : memref<2609152x32xf32, #tpu.memory_space<hbm>>) target(%dma_start3A_103 : memref<128x32xf32, #tpu.memory_space<vmem>>) offsets(%dma_start3A_106 : memref<128xi32, #tpu.memory_space<vmem>>) semaphore(%arg7 : memref<!tpu.dma_semaphore, #tpu.memory_space<semaphore_mem>>)
      %dma_wait3A = arith.constant 0 : i32
      %dma_wait3A_110 = arith.constant 0 : i32
      %dma_wait3A_111 = arith.constant 0 : i32
      %dma_wait3A_112 = tpu.memref_slice %arg6[%dma_wait3A_110, %dma_wait3A_111] : memref<1024x32xf32, #tpu.memory_space<vmem>> -> memref<128x32xf32, #tpu.memory_space<vmem>>
      %dma_wait3A_113 = arith.constant 0 : i32
      %dma_wait3A_114 = tpu.memref_slice %arg5[%dma_wait3A, %dma_wait3A_113] : memref<8x128xi32, #tpu.memory_space<vmem>> -> memref<1x128xi32, #tpu.memory_space<vmem>>
      %dma_wait3A_115 = tpu.memref_squeeze %dma_wait3A_114 : memref<1x128xi32, #tpu.memory_space<vmem>> -> memref<128xi32, #tpu.memory_space<vmem>>
      %dma_wait3A_116 = arith.constant 0 : i32
      %dma_wait3A_117 = arith.constant 0 : i32
      %dma_wait3A_118 = tpu.memref_slice %arg2[%dma_wait3A_116, %dma_wait3A_117] : memref<2609152x32xf32, #tpu.memory_space<hbm>> -> memref<2609152x32xf32, #tpu.memory_space<hbm>>
      tpu.wait_indirect_dma semaphore(%arg7 : memref<!tpu.dma_semaphore, #tpu.memory_space<semaphore_mem>>) src(%dma_wait3A_118 : memref<2609152x32xf32, #tpu.memory_space<hbm>>) dst(%dma_wait3A_112 : memref<128x32xf32, #tpu.memory_space<vmem>>)
      %dma_wait3A_119 = arith.constant 1 : i32
      %dma_wait3A_120 = arith.constant 128 : i32
      %dma_wait3A_121 = arith.constant 0 : i32
      %dma_wait3A_122 = tpu.memref_slice %arg6[%dma_wait3A_120, %dma_wait3A_121] : memref<1024x32xf32, #tpu.memory_space<vmem>> -> memref<128x32xf32, #tpu.memory_space<vmem>>
      %dma_wait3A_123 = arith.constant 0 : i32
      %dma_wait3A_124 = tpu.memref_slice %arg5[%dma_wait3A_119, %dma_wait3A_123] : memref<8x128xi32, #tpu.memory_space<vmem>> -> memref<1x128xi32, #tpu.memory_space<vmem>>
      %dma_wait3A_125 = tpu.memref_squeeze %dma_wait3A_124 : memref<1x128xi32, #tpu.memory_space<vmem>> -> memref<128xi32, #tpu.memory_space<vmem>>
      %dma_wait3A_126 = arith.constant 0 : i32
      %dma_wait3A_127 = arith.constant 0 : i32
      %dma_wait3A_128 = tpu.memref_slice %arg2[%dma_wait3A_126, %dma_wait3A_127] : memref<2609152x32xf32, #tpu.memory_space<hbm>> -> memref<2609152x32xf32, #tpu.memory_space<hbm>>
      tpu.wait_indirect_dma semaphore(%arg7 : memref<!tpu.dma_semaphore, #tpu.memory_space<semaphore_mem>>) src(%dma_wait3A_128 : memref<2609152x32xf32, #tpu.memory_space<hbm>>) dst(%dma_wait3A_122 : memref<128x32xf32, #tpu.memory_space<vmem>>)
      %dma_wait3A_129 = arith.constant 2 : i32
      %dma_wait3A_130 = arith.constant 256 : i32
      %dma_wait3A_131 = arith.constant 0 : i32
      %dma_wait3A_132 = tpu.memref_slice %arg6[%dma_wait3A_130, %dma_wait3A_131] : memref<1024x32xf32, #tpu.memory_space<vmem>> -> memref<128x32xf32, #tpu.memory_space<vmem>>
      %dma_wait3A_133 = arith.constant 0 : i32
      %dma_wait3A_134 = tpu.memref_slice %arg5[%dma_wait3A_129, %dma_wait3A_133] : memref<8x128xi32, #tpu.memory_space<vmem>> -> memref<1x128xi32, #tpu.memory_space<vmem>>
      %dma_wait3A_135 = tpu.memref_squeeze %dma_wait3A_134 : memref<1x128xi32, #tpu.memory_space<vmem>> -> memref<128xi32, #tpu.memory_space<vmem>>
      %dma_wait3A_136 = arith.constant 0 : i32
      %dma_wait3A_137 = arith.constant 0 : i32
      %dma_wait3A_138 = tpu.memref_slice %arg2[%dma_wait3A_136, %dma_wait3A_137] : memref<2609152x32xf32, #tpu.memory_space<hbm>> -> memref<2609152x32xf32, #tpu.memory_space<hbm>>
      tpu.wait_indirect_dma semaphore(%arg7 : memref<!tpu.dma_semaphore, #tpu.memory_space<semaphore_mem>>) src(%dma_wait3A_138 : memref<2609152x32xf32, #tpu.memory_space<hbm>>) dst(%dma_wait3A_132 : memref<128x32xf32, #tpu.memory_space<vmem>>)
      %dma_wait3A_139 = arith.constant 3 : i32
      %dma_wait3A_140 = arith.constant 384 : i32
      %dma_wait3A_141 = arith.constant 0 : i32
      %dma_wait3A_142 = tpu.memref_slice %arg6[%dma_wait3A_140, %dma_wait3A_141] : memref<1024x32xf32, #tpu.memory_space<vmem>> -> memref<128x32xf32, #tpu.memory_space<vmem>>
      %dma_wait3A_143 = arith.constant 0 : i32
      %dma_wait3A_144 = tpu.memref_slice %arg5[%dma_wait3A_139, %dma_wait3A_143] : memref<8x128xi32, #tpu.memory_space<vmem>> -> memref<1x128xi32, #tpu.memory_space<vmem>>
      %dma_wait3A_145 = tpu.memref_squeeze %dma_wait3A_144 : memref<1x128xi32, #tpu.memory_space<vmem>> -> memref<128xi32, #tpu.memory_space<vmem>>
      %dma_wait3A_146 = arith.constant 0 : i32
      %dma_wait3A_147 = arith.constant 0 : i32
      %dma_wait3A_148 = tpu.memref_slice %arg2[%dma_wait3A_146, %dma_wait3A_147] : memref<2609152x32xf32, #tpu.memory_space<hbm>> -> memref<2609152x32xf32, #tpu.memory_space<hbm>>
      tpu.wait_indirect_dma semaphore(%arg7 : memref<!tpu.dma_semaphore, #tpu.memory_space<semaphore_mem>>) src(%dma_wait3A_148 : memref<2609152x32xf32, #tpu.memory_space<hbm>>) dst(%dma_wait3A_142 : memref<128x32xf32, #tpu.memory_space<vmem>>)
      %dma_wait3A_149 = arith.constant 4 : i32
      %dma_wait3A_150 = arith.constant 512 : i32
      %dma_wait3A_151 = arith.constant 0 : i32
      %dma_wait3A_152 = tpu.memref_slice %arg6[%dma_wait3A_150, %dma_wait3A_151] : memref<1024x32xf32, #tpu.memory_space<vmem>> -> memref<128x32xf32, #tpu.memory_space<vmem>>
      %dma_wait3A_153 = arith.constant 0 : i32
      %dma_wait3A_154 = tpu.memref_slice %arg5[%dma_wait3A_149, %dma_wait3A_153] : memref<8x128xi32, #tpu.memory_space<vmem>> -> memref<1x128xi32, #tpu.memory_space<vmem>>
      %dma_wait3A_155 = tpu.memref_squeeze %dma_wait3A_154 : memref<1x128xi32, #tpu.memory_space<vmem>> -> memref<128xi32, #tpu.memory_space<vmem>>
      %dma_wait3A_156 = arith.constant 0 : i32
      %dma_wait3A_157 = arith.constant 0 : i32
      %dma_wait3A_158 = tpu.memref_slice %arg2[%dma_wait3A_156, %dma_wait3A_157] : memref<2609152x32xf32, #tpu.memory_space<hbm>> -> memref<2609152x32xf32, #tpu.memory_space<hbm>>
      tpu.wait_indirect_dma semaphore(%arg7 : memref<!tpu.dma_semaphore, #tpu.memory_space<semaphore_mem>>) src(%dma_wait3A_158 : memref<2609152x32xf32, #tpu.memory_space<hbm>>) dst(%dma_wait3A_152 : memref<128x32xf32, #tpu.memory_space<vmem>>)
      %dma_wait3A_159 = arith.constant 5 : i32
      %dma_wait3A_160 = arith.constant 640 : i32
      %dma_wait3A_161 = arith.constant 0 : i32
      %dma_wait3A_162 = tpu.memref_slice %arg6[%dma_wait3A_160, %dma_wait3A_161] : memref<1024x32xf32, #tpu.memory_space<vmem>> -> memref<128x32xf32, #tpu.memory_space<vmem>>
      %dma_wait3A_163 = arith.constant 0 : i32
      %dma_wait3A_164 = tpu.memref_slice %arg5[%dma_wait3A_159, %dma_wait3A_163] : memref<8x128xi32, #tpu.memory_space<vmem>> -> memref<1x128xi32, #tpu.memory_space<vmem>>
      %dma_wait3A_165 = tpu.memref_squeeze %dma_wait3A_164 : memref<1x128xi32, #tpu.memory_space<vmem>> -> memref<128xi32, #tpu.memory_space<vmem>>
      %dma_wait3A_166 = arith.constant 0 : i32
      %dma_wait3A_167 = arith.constant 0 : i32
      %dma_wait3A_168 = tpu.memref_slice %arg2[%dma_wait3A_166, %dma_wait3A_167] : memref<2609152x32xf32, #tpu.memory_space<hbm>> -> memref<2609152x32xf32, #tpu.memory_space<hbm>>
      tpu.wait_indirect_dma semaphore(%arg7 : memref<!tpu.dma_semaphore, #tpu.memory_space<semaphore_mem>>) src(%dma_wait3A_168 : memref<2609152x32xf32, #tpu.memory_space<hbm>>) dst(%dma_wait3A_162 : memref<128x32xf32, #tpu.memory_space<vmem>>)
      %dma_wait3A_169 = arith.constant 6 : i32
      %dma_wait3A_170 = arith.constant 768 : i32
      %dma_wait3A_171 = arith.constant 0 : i32
      %dma_wait3A_172 = tpu.memref_slice %arg6[%dma_wait3A_170, %dma_wait3A_171] : memref<1024x32xf32, #tpu.memory_space<vmem>> -> memref<128x32xf32, #tpu.memory_space<vmem>>
      %dma_wait3A_173 = arith.constant 0 : i32
      %dma_wait3A_174 = tpu.memref_slice %arg5[%dma_wait3A_169, %dma_wait3A_173] : memref<8x128xi32, #tpu.memory_space<vmem>> -> memref<1x128xi32, #tpu.memory_space<vmem>>
      %dma_wait3A_175 = tpu.memref_squeeze %dma_wait3A_174 : memref<1x128xi32, #tpu.memory_space<vmem>> -> memref<128xi32, #tpu.memory_space<vmem>>
      %dma_wait3A_176 = arith.constant 0 : i32
      %dma_wait3A_177 = arith.constant 0 : i32
      %dma_wait3A_178 = tpu.memref_slice %arg2[%dma_wait3A_176, %dma_wait3A_177] : memref<2609152x32xf32, #tpu.memory_space<hbm>> -> memref<2609152x32xf32, #tpu.memory_space<hbm>>
      tpu.wait_indirect_dma semaphore(%arg7 : memref<!tpu.dma_semaphore, #tpu.memory_space<semaphore_mem>>) src(%dma_wait3A_178 : memref<2609152x32xf32, #tpu.memory_space<hbm>>) dst(%dma_wait3A_172 : memref<128x32xf32, #tpu.memory_space<vmem>>)
      %dma_wait3A_179 = arith.constant 7 : i32
      %dma_wait3A_180 = arith.constant 896 : i32
      %dma_wait3A_181 = arith.constant 0 : i32
      %dma_wait3A_182 = tpu.memref_slice %arg6[%dma_wait3A_180, %dma_wait3A_181] : memref<1024x32xf32, #tpu.memory_space<vmem>> -> memref<128x32xf32, #tpu.memory_space<vmem>>
      %dma_wait3A_183 = arith.constant 0 : i32
      %dma_wait3A_184 = tpu.memref_slice %arg5[%dma_wait3A_179, %dma_wait3A_183] : memref<8x128xi32, #tpu.memory_space<vmem>> -> memref<1x128xi32, #tpu.memory_space<vmem>>
      %dma_wait3A_185 = tpu.memref_squeeze %dma_wait3A_184 : memref<1x128xi32, #tpu.memory_space<vmem>> -> memref<128xi32, #tpu.memory_space<vmem>>
      %dma_wait3A_186 = arith.constant 0 : i32
      %dma_wait3A_187 = arith.constant 0 : i32
      %dma_wait3A_188 = tpu.memref_slice %arg2[%dma_wait3A_186, %dma_wait3A_187] : memref<2609152x32xf32, #tpu.memory_space<hbm>> -> memref<2609152x32xf32, #tpu.memory_space<hbm>>
      tpu.wait_indirect_dma semaphore(%arg7 : memref<!tpu.dma_semaphore, #tpu.memory_space<semaphore_mem>>) src(%dma_wait3A_188 : memref<2609152x32xf32, #tpu.memory_space<hbm>>) dst(%dma_wait3A_182 : memref<128x32xf32, #tpu.memory_space<vmem>>)
      "tpu.region"() ({
        %run_scoped3A = tpu.sem_alloc : memref<!tpu.dma_semaphore, #tpu.memory_space<semaphore_mem>>
        %dma_start3A_189 = arith.constant 0 : i32
        %dma_start3A_190 = tpu.memref_slice %arg4[%add3A_27, %dma_start3A_189] : memref<425984x32xf32, #tpu.memory_space<hbm>> -> memref<1024x32xf32, #tpu.memory_space<hbm>>
        %dma_start3A_191 = arith.constant 0 : i32
        %dma_start3A_192 = tpu.memref_slice %arg4[%add3A_27, %dma_start3A_191] : memref<425984x32xf32, #tpu.memory_space<hbm>> -> memref<1024x32xf32, #tpu.memory_space<hbm>>
        tpu.enqueue_dma source(%arg6 : memref<1024x32xf32, #tpu.memory_space<vmem>>) target(%dma_start3A_192 : memref<1024x32xf32, #tpu.memory_space<hbm>>) target_semaphore(%run_scoped3A : memref<!tpu.dma_semaphore, #tpu.memory_space<semaphore_mem>>)
        %dma_wait3A_193 = arith.constant 0 : i32
        %dma_wait3A_194 = tpu.memref_slice %arg4[%add3A_27, %dma_wait3A_193] : memref<425984x32xf32, #tpu.memory_space<hbm>> -> memref<1024x32xf32, #tpu.memory_space<hbm>>
        %dma_wait3A_195 = arith.constant 0 : i32
        %dma_wait3A_196 = tpu.memref_slice %arg4[%add3A_27, %dma_wait3A_195] : memref<425984x32xf32, #tpu.memory_space<hbm>> -> memref<1024x32xf32, #tpu.memory_space<hbm>>
        tpu.wait_dma2 semaphore(%run_scoped3A : memref<!tpu.dma_semaphore, #tpu.memory_space<semaphore_mem>>) src(%arg6 : memref<1024x32xf32, #tpu.memory_space<vmem>>) dst(%dma_wait3A_196 : memref<1024x32xf32, #tpu.memory_space<hbm>>)
        tpu.yield
      }) : () -> ()
    }
    %scan3A_23 = arith.constant 13 : i32
    return
  }
}

module attributes {stable_mosaic.version = 14 : i64} {
  func.func @_relayout_body(%arg0: i32, %arg1: i32, %arg2: memref<1x32x50176xf32, #tpu.memory_space<vmem>>, %arg3: memref<1x98x128x128xf32, #tpu.memory_space<vmem>>) attributes {dimension_semantics = [#tpu.dimension_semantics<arbitrary>, #tpu.dimension_semantics<arbitrary>], iteration_bounds = array<i64: 26, 2>, scalar_prefetch = 0 : i64, scratch_operands = 0 : i64, tpu.core_type = #tpu.core_type<tc>, window_params = [{transform_indices = @transform_0, window_bounds = array<i64: 1, 32, 50176>}, {transform_indices = @transform_1, window_bounds = array<i64: 1, 98, 128, 128>}]} {
    %get3A = arith.constant 0 : index
    %get3A_0 = arith.constant 0 : index
    %get3A_1 = arith.constant 0 : index
    %get3A_2 = vector.load %arg2[%get3A, %get3A_0, %get3A_1] : memref<1x32x50176xf32, #tpu.memory_space<vmem>>, vector<1x32x50176xf32>
    %get3A_3 = vector.shape_cast %get3A_2 : vector<1x32x50176xf32> to vector<32x50176xf32>
    %slice3A = vector.extract_strided_slice %get3A_3 {offsets = [0, 0], sizes = [32, 512], strides = [1, 1]} : vector<32x50176xf32> to vector<32x512xf32>
    %slice3A_4 = vector.extract_strided_slice %slice3A {offsets = [0, 0], sizes = [32, 128], strides = [1, 1]} : vector<32x512xf32> to vector<32x128xf32>
    %slice3A_5 = vector.extract_strided_slice %slice3A {offsets = [0, 128], sizes = [32, 128], strides = [1, 1]} : vector<32x512xf32> to vector<32x128xf32>
    %slice3A_6 = vector.extract_strided_slice %slice3A {offsets = [0, 256], sizes = [32, 128], strides = [1, 1]} : vector<32x512xf32> to vector<32x128xf32>
    %slice3A_7 = vector.extract_strided_slice %slice3A {offsets = [0, 384], sizes = [32, 128], strides = [1, 1]} : vector<32x512xf32> to vector<32x128xf32>
    %concatenate3A = tpu.concatenate %slice3A_4, %slice3A_5, %slice3A_6, %slice3A_7 in 0 : vector<32x128xf32>, vector<32x128xf32>, vector<32x128xf32>, vector<32x128xf32> -> vector<128x128xf32>
    %transpose3A = tpu.transpose %concatenate3A, [1, 0] : vector<128x128xf32> -> vector<128x128xf32>
    %swap3A = arith.constant 0 : index
    %swap3A_8 = arith.constant 0 : index
    %swap3A_9 = arith.constant 0 : index
    %swap3A_10 = arith.constant 0 : index
    %swap3A_11 = vector.load %arg3[%swap3A, %swap3A_8, %swap3A_9, %swap3A_10] : memref<1x98x128x128xf32, #tpu.memory_space<vmem>>, vector<1x1x128x128xf32>
    %swap3A_12 = vector.shape_cast %swap3A_11 : vector<1x1x128x128xf32> to vector<128x128xf32>
    %swap3A_13 = vector.shape_cast %transpose3A : vector<128x128xf32> to vector<1x1x128x128xf32>
    tpu.vector_store %arg3[%swap3A, %swap3A_8, %swap3A_9, %swap3A_10], %swap3A_13 {strides = array<i32>} : memref<1x98x128x128xf32, #tpu.memory_space<vmem>>, vector<1x1x128x128xf32>,
    %slice3A_14 = vector.extract_strided_slice %get3A_3 {offsets = [0, 512], sizes = [32, 512], strides = [1, 1]} : vector<32x50176xf32> to vector<32x512xf32>
    %slice3A_15 = vector.extract_strided_slice %slice3A_14 {offsets = [0, 0], sizes = [32, 128], strides = [1, 1]} : vector<32x512xf32> to vector<32x128xf32>
    %slice3A_16 = vector.extract_strided_slice %slice3A_14 {offsets = [0, 128], sizes = [32, 128], strides = [1, 1]} : vector<32x512xf32> to vector<32x128xf32>
    %slice3A_17 = vector.extract_strided_slice %slice3A_14 {offsets = [0, 256], sizes = [32, 128], strides = [1, 1]} : vector<32x512xf32> to vector<32x128xf32>
    %slice3A_18 = vector.extract_strided_slice %slice3A_14 {offsets = [0, 384], sizes = [32, 128], strides = [1, 1]} : vector<32x512xf32> to vector<32x128xf32>
    %concatenate3A_19 = tpu.concatenate %slice3A_15, %slice3A_16, %slice3A_17, %slice3A_18 in 0 : vector<32x128xf32>, vector<32x128xf32>, vector<32x128xf32>, vector<32x128xf32> -> vector<128x128xf32>
    %transpose3A_20 = tpu.transpose %concatenate3A_19, [1, 0] : vector<128x128xf32> -> vector<128x128xf32>
    %swap3A_21 = arith.constant 0 : index
    %swap3A_22 = arith.constant 1 : index
    %swap3A_23 = arith.constant 0 : index
    %swap3A_24 = arith.constant 0 : index
    %swap3A_25 = vector.load %arg3[%swap3A_21, %swap3A_22, %swap3A_23, %swap3A_24] : memref<1x98x128x128xf32, #tpu.memory_space<vmem>>, vector<1x1x128x128xf32>
    %swap3A_26 = vector.shape_cast %swap3A_25 : vector<1x1x128x128xf32> to vector<128x128xf32>
    %swap3A_27 = vector.shape_cast %transpose3A_20 : vector<128x128xf32> to vector<1x1x128x128xf32>
    tpu.vector_store %arg3[%swap3A_21, %swap3A_22, %swap3A_23, %swap3A_24], %swap3A_27 {strides = array<i32>} : memref<1x98x128x128xf32, #tpu.memory_space<vmem>>, vector<1x1x128x128xf32>,
    %slice3A_28 = vector.extract_strided_slice %get3A_3 {offsets = [0, 1024], sizes = [32, 512], strides = [1, 1]} : vector<32x50176xf32> to vector<32x512xf32>
    %slice3A_29 = vector.extract_strided_slice %slice3A_28 {offsets = [0, 0], sizes = [32, 128], strides = [1, 1]} : vector<32x512xf32> to vector<32x128xf32>
    %slice3A_30 = vector.extract_strided_slice %slice3A_28 {offsets = [0, 128], sizes = [32, 128], strides = [1, 1]} : vector<32x512xf32> to vector<32x128xf32>
    %slice3A_31 = vector.extract_strided_slice %slice3A_28 {offsets = [0, 256], sizes = [32, 128], strides = [1, 1]} : vector<32x512xf32> to vector<32x128xf32>
    %slice3A_32 = vector.extract_strided_slice %slice3A_28 {offsets = [0, 384], sizes = [32, 128], strides = [1, 1]} : vector<32x512xf32> to vector<32x128xf32>
    %concatenate3A_33 = tpu.concatenate %slice3A_29, %slice3A_30, %slice3A_31, %slice3A_32 in 0 : vector<32x128xf32>, vector<32x128xf32>, vector<32x128xf32>, vector<32x128xf32> -> vector<128x128xf32>
    %transpose3A_34 = tpu.transpose %concatenate3A_33, [1, 0] : vector<128x128xf32> -> vector<128x128xf32>
    %swap3A_35 = arith.constant 0 : index
    %swap3A_36 = arith.constant 2 : index
    %swap3A_37 = arith.constant 0 : index
    %swap3A_38 = arith.constant 0 : index
    %swap3A_39 = vector.load %arg3[%swap3A_35, %swap3A_36, %swap3A_37, %swap3A_38] : memref<1x98x128x128xf32, #tpu.memory_space<vmem>>, vector<1x1x128x128xf32>
    %swap3A_40 = vector.shape_cast %swap3A_39 : vector<1x1x128x128xf32> to vector<128x128xf32>
    %swap3A_41 = vector.shape_cast %transpose3A_34 : vector<128x128xf32> to vector<1x1x128x128xf32>
    tpu.vector_store %arg3[%swap3A_35, %swap3A_36, %swap3A_37, %swap3A_38], %swap3A_41 {strides = array<i32>} : memref<1x98x128x128xf32, #tpu.memory_space<vmem>>, vector<1x1x128x128xf32>,
    %slice3A_42 = vector.extract_strided_slice %get3A_3 {offsets = [0, 1536], sizes = [32, 512], strides = [1, 1]} : vector<32x50176xf32> to vector<32x512xf32>
    %slice3A_43 = vector.extract_strided_slice %slice3A_42 {offsets = [0, 0], sizes = [32, 128], strides = [1, 1]} : vector<32x512xf32> to vector<32x128xf32>
    %slice3A_44 = vector.extract_strided_slice %slice3A_42 {offsets = [0, 128], sizes = [32, 128], strides = [1, 1]} : vector<32x512xf32> to vector<32x128xf32>
    %slice3A_45 = vector.extract_strided_slice %slice3A_42 {offsets = [0, 256], sizes = [32, 128], strides = [1, 1]} : vector<32x512xf32> to vector<32x128xf32>
    %slice3A_46 = vector.extract_strided_slice %slice3A_42 {offsets = [0, 384], sizes = [32, 128], strides = [1, 1]} : vector<32x512xf32> to vector<32x128xf32>
    %concatenate3A_47 = tpu.concatenate %slice3A_43, %slice3A_44, %slice3A_45, %slice3A_46 in 0 : vector<32x128xf32>, vector<32x128xf32>, vector<32x128xf32>, vector<32x128xf32> -> vector<128x128xf32>
    %transpose3A_48 = tpu.transpose %concatenate3A_47, [1, 0] : vector<128x128xf32> -> vector<128x128xf32>
    %swap3A_49 = arith.constant 0 : index
    %swap3A_50 = arith.constant 3 : index
    %swap3A_51 = arith.constant 0 : index
    %swap3A_52 = arith.constant 0 : index
    %swap3A_53 = vector.load %arg3[%swap3A_49, %swap3A_50, %swap3A_51, %swap3A_52] : memref<1x98x128x128xf32, #tpu.memory_space<vmem>>, vector<1x1x128x128xf32>
    %swap3A_54 = vector.shape_cast %swap3A_53 : vector<1x1x128x128xf32> to vector<128x128xf32>
    %swap3A_55 = vector.shape_cast %transpose3A_48 : vector<128x128xf32> to vector<1x1x128x128xf32>
    tpu.vector_store %arg3[%swap3A_49, %swap3A_50, %swap3A_51, %swap3A_52], %swap3A_55 {strides = array<i32>} : memref<1x98x128x128xf32, #tpu.memory_space<vmem>>, vector<1x1x128x128xf32>,
    %slice3A_56 = vector.extract_strided_slice %get3A_3 {offsets = [0, 2048], sizes = [32, 512], strides = [1, 1]} : vector<32x50176xf32> to vector<32x512xf32>
    %slice3A_57 = vector.extract_strided_slice %slice3A_56 {offsets = [0, 0], sizes = [32, 128], strides = [1, 1]} : vector<32x512xf32> to vector<32x128xf32>
    %slice3A_58 = vector.extract_strided_slice %slice3A_56 {offsets = [0, 128], sizes = [32, 128], strides = [1, 1]} : vector<32x512xf32> to vector<32x128xf32>
    %slice3A_59 = vector.extract_strided_slice %slice3A_56 {offsets = [0, 256], sizes = [32, 128], strides = [1, 1]} : vector<32x512xf32> to vector<32x128xf32>
    %slice3A_60 = vector.extract_strided_slice %slice3A_56 {offsets = [0, 384], sizes = [32, 128], strides = [1, 1]} : vector<32x512xf32> to vector<32x128xf32>
    %concatenate3A_61 = tpu.concatenate %slice3A_57, %slice3A_58, %slice3A_59, %slice3A_60 in 0 : vector<32x128xf32>, vector<32x128xf32>, vector<32x128xf32>, vector<32x128xf32> -> vector<128x128xf32>
    %transpose3A_62 = tpu.transpose %concatenate3A_61, [1, 0] : vector<128x128xf32> -> vector<128x128xf32>
    %swap3A_63 = arith.constant 0 : index
    %swap3A_64 = arith.constant 4 : index
    %swap3A_65 = arith.constant 0 : index
    %swap3A_66 = arith.constant 0 : index
    %swap3A_67 = vector.load %arg3[%swap3A_63, %swap3A_64, %swap3A_65, %swap3A_66] : memref<1x98x128x128xf32, #tpu.memory_space<vmem>>, vector<1x1x128x128xf32>
    %swap3A_68 = vector.shape_cast %swap3A_67 : vector<1x1x128x128xf32> to vector<128x128xf32>
    %swap3A_69 = vector.shape_cast %transpose3A_62 : vector<128x128xf32> to vector<1x1x128x128xf32>
    tpu.vector_store %arg3[%swap3A_63, %swap3A_64, %swap3A_65, %swap3A_66], %swap3A_69 {strides = array<i32>} : memref<1x98x128x128xf32, #tpu.memory_space<vmem>>, vector<1x1x128x128xf32>,
    %slice3A_70 = vector.extract_strided_slice %get3A_3 {offsets = [0, 2560], sizes = [32, 512], strides = [1, 1]} : vector<32x50176xf32> to vector<32x512xf32>
    %slice3A_71 = vector.extract_strided_slice %slice3A_70 {offsets = [0, 0], sizes = [32, 128], strides = [1, 1]} : vector<32x512xf32> to vector<32x128xf32>
    %slice3A_72 = vector.extract_strided_slice %slice3A_70 {offsets = [0, 128], sizes = [32, 128], strides = [1, 1]} : vector<32x512xf32> to vector<32x128xf32>
    %slice3A_73 = vector.extract_strided_slice %slice3A_70 {offsets = [0, 256], sizes = [32, 128], strides = [1, 1]} : vector<32x512xf32> to vector<32x128xf32>
    %slice3A_74 = vector.extract_strided_slice %slice3A_70 {offsets = [0, 384], sizes = [32, 128], strides = [1, 1]} : vector<32x512xf32> to vector<32x128xf32>
    %concatenate3A_75 = tpu.concatenate %slice3A_71, %slice3A_72, %slice3A_73, %slice3A_74 in 0 : vector<32x128xf32>, vector<32x128xf32>, vector<32x128xf32>, vector<32x128xf32> -> vector<128x128xf32>
    %transpose3A_76 = tpu.transpose %concatenate3A_75, [1, 0] : vector<128x128xf32> -> vector<128x128xf32>
    %swap3A_77 = arith.constant 0 : index
    %swap3A_78 = arith.constant 5 : index
    %swap3A_79 = arith.constant 0 : index
    %swap3A_80 = arith.constant 0 : index
    %swap3A_81 = vector.load %arg3[%swap3A_77, %swap3A_78, %swap3A_79, %swap3A_80] : memref<1x98x128x128xf32, #tpu.memory_space<vmem>>, vector<1x1x128x128xf32>
    %swap3A_82 = vector.shape_cast %swap3A_81 : vector<1x1x128x128xf32> to vector<128x128xf32>
    %swap3A_83 = vector.shape_cast %transpose3A_76 : vector<128x128xf32> to vector<1x1x128x128xf32>
    tpu.vector_store %arg3[%swap3A_77, %swap3A_78, %swap3A_79, %swap3A_80], %swap3A_83 {strides = array<i32>} : memref<1x98x128x128xf32, #tpu.memory_space<vmem>>, vector<1x1x128x128xf32>,
    %slice3A_84 = vector.extract_strided_slice %get3A_3 {offsets = [0, 3072], sizes = [32, 512], strides = [1, 1]} : vector<32x50176xf32> to vector<32x512xf32>
    %slice3A_85 = vector.extract_strided_slice %slice3A_84 {offsets = [0, 0], sizes = [32, 128], strides = [1, 1]} : vector<32x512xf32> to vector<32x128xf32>
    %slice3A_86 = vector.extract_strided_slice %slice3A_84 {offsets = [0, 128], sizes = [32, 128], strides = [1, 1]} : vector<32x512xf32> to vector<32x128xf32>
    %slice3A_87 = vector.extract_strided_slice %slice3A_84 {offsets = [0, 256], sizes = [32, 128], strides = [1, 1]} : vector<32x512xf32> to vector<32x128xf32>
    %slice3A_88 = vector.extract_strided_slice %slice3A_84 {offsets = [0, 384], sizes = [32, 128], strides = [1, 1]} : vector<32x512xf32> to vector<32x128xf32>
    %concatenate3A_89 = tpu.concatenate %slice3A_85, %slice3A_86, %slice3A_87, %slice3A_88 in 0 : vector<32x128xf32>, vector<32x128xf32>, vector<32x128xf32>, vector<32x128xf32> -> vector<128x128xf32>
    %transpose3A_90 = tpu.transpose %concatenate3A_89, [1, 0] : vector<128x128xf32> -> vector<128x128xf32>
    %swap3A_91 = arith.constant 0 : index
    %swap3A_92 = arith.constant 6 : index
    %swap3A_93 = arith.constant 0 : index
    %swap3A_94 = arith.constant 0 : index
    %swap3A_95 = vector.load %arg3[%swap3A_91, %swap3A_92, %swap3A_93, %swap3A_94] : memref<1x98x128x128xf32, #tpu.memory_space<vmem>>, vector<1x1x128x128xf32>
    %swap3A_96 = vector.shape_cast %swap3A_95 : vector<1x1x128x128xf32> to vector<128x128xf32>
    %swap3A_97 = vector.shape_cast %transpose3A_90 : vector<128x128xf32> to vector<1x1x128x128xf32>
    tpu.vector_store %arg3[%swap3A_91, %swap3A_92, %swap3A_93, %swap3A_94], %swap3A_97 {strides = array<i32>} : memref<1x98x128x128xf32, #tpu.memory_space<vmem>>, vector<1x1x128x128xf32>,
    %slice3A_98 = vector.extract_strided_slice %get3A_3 {offsets = [0, 3584], sizes = [32, 512], strides = [1, 1]} : vector<32x50176xf32> to vector<32x512xf32>
    %slice3A_99 = vector.extract_strided_slice %slice3A_98 {offsets = [0, 0], sizes = [32, 128], strides = [1, 1]} : vector<32x512xf32> to vector<32x128xf32>
    %slice3A_100 = vector.extract_strided_slice %slice3A_98 {offsets = [0, 128], sizes = [32, 128], strides = [1, 1]} : vector<32x512xf32> to vector<32x128xf32>
    %slice3A_101 = vector.extract_strided_slice %slice3A_98 {offsets = [0, 256], sizes = [32, 128], strides = [1, 1]} : vector<32x512xf32> to vector<32x128xf32>
    %slice3A_102 = vector.extract_strided_slice %slice3A_98 {offsets = [0, 384], sizes = [32, 128], strides = [1, 1]} : vector<32x512xf32> to vector<32x128xf32>
    %concatenate3A_103 = tpu.concatenate %slice3A_99, %slice3A_100, %slice3A_101, %slice3A_102 in 0 : vector<32x128xf32>, vector<32x128xf32>, vector<32x128xf32>, vector<32x128xf32> -> vector<128x128xf32>
    %transpose3A_104 = tpu.transpose %concatenate3A_103, [1, 0] : vector<128x128xf32> -> vector<128x128xf32>
    %swap3A_105 = arith.constant 0 : index
    %swap3A_106 = arith.constant 7 : index
    %swap3A_107 = arith.constant 0 : index
    %swap3A_108 = arith.constant 0 : index
    %swap3A_109 = vector.load %arg3[%swap3A_105, %swap3A_106, %swap3A_107, %swap3A_108] : memref<1x98x128x128xf32, #tpu.memory_space<vmem>>, vector<1x1x128x128xf32>
    %swap3A_110 = vector.shape_cast %swap3A_109 : vector<1x1x128x128xf32> to vector<128x128xf32>
    %swap3A_111 = vector.shape_cast %transpose3A_104 : vector<128x128xf32> to vector<1x1x128x128xf32>
    tpu.vector_store %arg3[%swap3A_105, %swap3A_106, %swap3A_107, %swap3A_108], %swap3A_111 {strides = array<i32>} : memref<1x98x128x128xf32, #tpu.memory_space<vmem>>, vector<1x1x128x128xf32>,
    %slice3A_112 = vector.extract_strided_slice %get3A_3 {offsets = [0, 4096], sizes = [32, 512], strides = [1, 1]} : vector<32x50176xf32> to vector<32x512xf32>
    %slice3A_113 = vector.extract_strided_slice %slice3A_112 {offsets = [0, 0], sizes = [32, 128], strides = [1, 1]} : vector<32x512xf32> to vector<32x128xf32>
    %slice3A_114 = vector.extract_strided_slice %slice3A_112 {offsets = [0, 128], sizes = [32, 128], strides = [1, 1]} : vector<32x512xf32> to vector<32x128xf32>
    %slice3A_115 = vector.extract_strided_slice %slice3A_112 {offsets = [0, 256], sizes = [32, 128], strides = [1, 1]} : vector<32x512xf32> to vector<32x128xf32>
    %slice3A_116 = vector.extract_strided_slice %slice3A_112 {offsets = [0, 384], sizes = [32, 128], strides = [1, 1]} : vector<32x512xf32> to vector<32x128xf32>
    %concatenate3A_117 = tpu.concatenate %slice3A_113, %slice3A_114, %slice3A_115, %slice3A_116 in 0 : vector<32x128xf32>, vector<32x128xf32>, vector<32x128xf32>, vector<32x128xf32> -> vector<128x128xf32>
    %transpose3A_118 = tpu.transpose %concatenate3A_117, [1, 0] : vector<128x128xf32> -> vector<128x128xf32>
    %swap3A_119 = arith.constant 0 : index
    %swap3A_120 = arith.constant 8 : index
    %swap3A_121 = arith.constant 0 : index
    %swap3A_122 = arith.constant 0 : index
    %swap3A_123 = vector.load %arg3[%swap3A_119, %swap3A_120, %swap3A_121, %swap3A_122] : memref<1x98x128x128xf32, #tpu.memory_space<vmem>>, vector<1x1x128x128xf32>
    %swap3A_124 = vector.shape_cast %swap3A_123 : vector<1x1x128x128xf32> to vector<128x128xf32>
    %swap3A_125 = vector.shape_cast %transpose3A_118 : vector<128x128xf32> to vector<1x1x128x128xf32>
    tpu.vector_store %arg3[%swap3A_119, %swap3A_120, %swap3A_121, %swap3A_122], %swap3A_125 {strides = array<i32>} : memref<1x98x128x128xf32, #tpu.memory_space<vmem>>, vector<1x1x128x128xf32>,
    %slice3A_126 = vector.extract_strided_slice %get3A_3 {offsets = [0, 4608], sizes = [32, 512], strides = [1, 1]} : vector<32x50176xf32> to vector<32x512xf32>
    %slice3A_127 = vector.extract_strided_slice %slice3A_126 {offsets = [0, 0], sizes = [32, 128], strides = [1, 1]} : vector<32x512xf32> to vector<32x128xf32>
    %slice3A_128 = vector.extract_strided_slice %slice3A_126 {offsets = [0, 128], sizes = [32, 128], strides = [1, 1]} : vector<32x512xf32> to vector<32x128xf32>
    %slice3A_129 = vector.extract_strided_slice %slice3A_126 {offsets = [0, 256], sizes = [32, 128], strides = [1, 1]} : vector<32x512xf32> to vector<32x128xf32>
    %slice3A_130 = vector.extract_strided_slice %slice3A_126 {offsets = [0, 384], sizes = [32, 128], strides = [1, 1]} : vector<32x512xf32> to vector<32x128xf32>
    %concatenate3A_131 = tpu.concatenate %slice3A_127, %slice3A_128, %slice3A_129, %slice3A_130 in 0 : vector<32x128xf32>, vector<32x128xf32>, vector<32x128xf32>, vector<32x128xf32> -> vector<128x128xf32>
    %transpose3A_132 = tpu.transpose %concatenate3A_131, [1, 0] : vector<128x128xf32> -> vector<128x128xf32>
    %swap3A_133 = arith.constant 0 : index
    %swap3A_134 = arith.constant 9 : index
    %swap3A_135 = arith.constant 0 : index
    %swap3A_136 = arith.constant 0 : index
    %swap3A_137 = vector.load %arg3[%swap3A_133, %swap3A_134, %swap3A_135, %swap3A_136] : memref<1x98x128x128xf32, #tpu.memory_space<vmem>>, vector<1x1x128x128xf32>
    %swap3A_138 = vector.shape_cast %swap3A_137 : vector<1x1x128x128xf32> to vector<128x128xf32>
    %swap3A_139 = vector.shape_cast %transpose3A_132 : vector<128x128xf32> to vector<1x1x128x128xf32>
    tpu.vector_store %arg3[%swap3A_133, %swap3A_134, %swap3A_135, %swap3A_136], %swap3A_139 {strides = array<i32>} : memref<1x98x128x128xf32, #tpu.memory_space<vmem>>, vector<1x1x128x128xf32>,
    %slice3A_140 = vector.extract_strided_slice %get3A_3 {offsets = [0, 5120], sizes = [32, 512], strides = [1, 1]} : vector<32x50176xf32> to vector<32x512xf32>
    %slice3A_141 = vector.extract_strided_slice %slice3A_140 {offsets = [0, 0], sizes = [32, 128], strides = [1, 1]} : vector<32x512xf32> to vector<32x128xf32>
    %slice3A_142 = vector.extract_strided_slice %slice3A_140 {offsets = [0, 128], sizes = [32, 128], strides = [1, 1]} : vector<32x512xf32> to vector<32x128xf32>
    %slice3A_143 = vector.extract_strided_slice %slice3A_140 {offsets = [0, 256], sizes = [32, 128], strides = [1, 1]} : vector<32x512xf32> to vector<32x128xf32>
    %slice3A_144 = vector.extract_strided_slice %slice3A_140 {offsets = [0, 384], sizes = [32, 128], strides = [1, 1]} : vector<32x512xf32> to vector<32x128xf32>
    %concatenate3A_145 = tpu.concatenate %slice3A_141, %slice3A_142, %slice3A_143, %slice3A_144 in 0 : vector<32x128xf32>, vector<32x128xf32>, vector<32x128xf32>, vector<32x128xf32> -> vector<128x128xf32>
    %transpose3A_146 = tpu.transpose %concatenate3A_145, [1, 0] : vector<128x128xf32> -> vector<128x128xf32>
    %swap3A_147 = arith.constant 0 : index
    %swap3A_148 = arith.constant 10 : index
    %swap3A_149 = arith.constant 0 : index
    %swap3A_150 = arith.constant 0 : index
    %swap3A_151 = vector.load %arg3[%swap3A_147, %swap3A_148, %swap3A_149, %swap3A_150] : memref<1x98x128x128xf32, #tpu.memory_space<vmem>>, vector<1x1x128x128xf32>
    %swap3A_152 = vector.shape_cast %swap3A_151 : vector<1x1x128x128xf32> to vector<128x128xf32>
    %swap3A_153 = vector.shape_cast %transpose3A_146 : vector<128x128xf32> to vector<1x1x128x128xf32>
    tpu.vector_store %arg3[%swap3A_147, %swap3A_148, %swap3A_149, %swap3A_150], %swap3A_153 {strides = array<i32>} : memref<1x98x128x128xf32, #tpu.memory_space<vmem>>, vector<1x1x128x128xf32>,
    %slice3A_154 = vector.extract_strided_slice %get3A_3 {offsets = [0, 5632], sizes = [32, 512], strides = [1, 1]} : vector<32x50176xf32> to vector<32x512xf32>
    %slice3A_155 = vector.extract_strided_slice %slice3A_154 {offsets = [0, 0], sizes = [32, 128], strides = [1, 1]} : vector<32x512xf32> to vector<32x128xf32>
    %slice3A_156 = vector.extract_strided_slice %slice3A_154 {offsets = [0, 128], sizes = [32, 128], strides = [1, 1]} : vector<32x512xf32> to vector<32x128xf32>
    %slice3A_157 = vector.extract_strided_slice %slice3A_154 {offsets = [0, 256], sizes = [32, 128], strides = [1, 1]} : vector<32x512xf32> to vector<32x128xf32>
    %slice3A_158 = vector.extract_strided_slice %slice3A_154 {offsets = [0, 384], sizes = [32, 128], strides = [1, 1]} : vector<32x512xf32> to vector<32x128xf32>
    %concatenate3A_159 = tpu.concatenate %slice3A_155, %slice3A_156, %slice3A_157, %slice3A_158 in 0 : vector<32x128xf32>, vector<32x128xf32>, vector<32x128xf32>, vector<32x128xf32> -> vector<128x128xf32>
    %transpose3A_160 = tpu.transpose %concatenate3A_159, [1, 0] : vector<128x128xf32> -> vector<128x128xf32>
    %swap3A_161 = arith.constant 0 : index
    %swap3A_162 = arith.constant 11 : index
    %swap3A_163 = arith.constant 0 : index
    %swap3A_164 = arith.constant 0 : index
    %swap3A_165 = vector.load %arg3[%swap3A_161, %swap3A_162, %swap3A_163, %swap3A_164] : memref<1x98x128x128xf32, #tpu.memory_space<vmem>>, vector<1x1x128x128xf32>
    %swap3A_166 = vector.shape_cast %swap3A_165 : vector<1x1x128x128xf32> to vector<128x128xf32>
    %swap3A_167 = vector.shape_cast %transpose3A_160 : vector<128x128xf32> to vector<1x1x128x128xf32>
    tpu.vector_store %arg3[%swap3A_161, %swap3A_162, %swap3A_163, %swap3A_164], %swap3A_167 {strides = array<i32>} : memref<1x98x128x128xf32, #tpu.memory_space<vmem>>, vector<1x1x128x128xf32>,
    %slice3A_168 = vector.extract_strided_slice %get3A_3 {offsets = [0, 6144], sizes = [32, 512], strides = [1, 1]} : vector<32x50176xf32> to vector<32x512xf32>
    %slice3A_169 = vector.extract_strided_slice %slice3A_168 {offsets = [0, 0], sizes = [32, 128], strides = [1, 1]} : vector<32x512xf32> to vector<32x128xf32>
    %slice3A_170 = vector.extract_strided_slice %slice3A_168 {offsets = [0, 128], sizes = [32, 128], strides = [1, 1]} : vector<32x512xf32> to vector<32x128xf32>
    %slice3A_171 = vector.extract_strided_slice %slice3A_168 {offsets = [0, 256], sizes = [32, 128], strides = [1, 1]} : vector<32x512xf32> to vector<32x128xf32>
    %slice3A_172 = vector.extract_strided_slice %slice3A_168 {offsets = [0, 384], sizes = [32, 128], strides = [1, 1]} : vector<32x512xf32> to vector<32x128xf32>
    %concatenate3A_173 = tpu.concatenate %slice3A_169, %slice3A_170, %slice3A_171, %slice3A_172 in 0 : vector<32x128xf32>, vector<32x128xf32>, vector<32x128xf32>, vector<32x128xf32> -> vector<128x128xf32>
    %transpose3A_174 = tpu.transpose %concatenate3A_173, [1, 0] : vector<128x128xf32> -> vector<128x128xf32>
    %swap3A_175 = arith.constant 0 : index
    %swap3A_176 = arith.constant 12 : index
    %swap3A_177 = arith.constant 0 : index
    %swap3A_178 = arith.constant 0 : index
    %swap3A_179 = vector.load %arg3[%swap3A_175, %swap3A_176, %swap3A_177, %swap3A_178] : memref<1x98x128x128xf32, #tpu.memory_space<vmem>>, vector<1x1x128x128xf32>
    %swap3A_180 = vector.shape_cast %swap3A_179 : vector<1x1x128x128xf32> to vector<128x128xf32>
    %swap3A_181 = vector.shape_cast %transpose3A_174 : vector<128x128xf32> to vector<1x1x128x128xf32>
    tpu.vector_store %arg3[%swap3A_175, %swap3A_176, %swap3A_177, %swap3A_178], %swap3A_181 {strides = array<i32>} : memref<1x98x128x128xf32, #tpu.memory_space<vmem>>, vector<1x1x128x128xf32>,
    %slice3A_182 = vector.extract_strided_slice %get3A_3 {offsets = [0, 6656], sizes = [32, 512], strides = [1, 1]} : vector<32x50176xf32> to vector<32x512xf32>
    %slice3A_183 = vector.extract_strided_slice %slice3A_182 {offsets = [0, 0], sizes = [32, 128], strides = [1, 1]} : vector<32x512xf32> to vector<32x128xf32>
    %slice3A_184 = vector.extract_strided_slice %slice3A_182 {offsets = [0, 128], sizes = [32, 128], strides = [1, 1]} : vector<32x512xf32> to vector<32x128xf32>
    %slice3A_185 = vector.extract_strided_slice %slice3A_182 {offsets = [0, 256], sizes = [32, 128], strides = [1, 1]} : vector<32x512xf32> to vector<32x128xf32>
    %slice3A_186 = vector.extract_strided_slice %slice3A_182 {offsets = [0, 384], sizes = [32, 128], strides = [1, 1]} : vector<32x512xf32> to vector<32x128xf32>
    %concatenate3A_187 = tpu.concatenate %slice3A_183, %slice3A_184, %slice3A_185, %slice3A_186 in 0 : vector<32x128xf32>, vector<32x128xf32>, vector<32x128xf32>, vector<32x128xf32> -> vector<128x128xf32>
    %transpose3A_188 = tpu.transpose %concatenate3A_187, [1, 0] : vector<128x128xf32> -> vector<128x128xf32>
    %swap3A_189 = arith.constant 0 : index
    %swap3A_190 = arith.constant 13 : index
    %swap3A_191 = arith.constant 0 : index
    %swap3A_192 = arith.constant 0 : index
    %swap3A_193 = vector.load %arg3[%swap3A_189, %swap3A_190, %swap3A_191, %swap3A_192] : memref<1x98x128x128xf32, #tpu.memory_space<vmem>>, vector<1x1x128x128xf32>
    %swap3A_194 = vector.shape_cast %swap3A_193 : vector<1x1x128x128xf32> to vector<128x128xf32>
    %swap3A_195 = vector.shape_cast %transpose3A_188 : vector<128x128xf32> to vector<1x1x128x128xf32>
    tpu.vector_store %arg3[%swap3A_189, %swap3A_190, %swap3A_191, %swap3A_192], %swap3A_195 {strides = array<i32>} : memref<1x98x128x128xf32, #tpu.memory_space<vmem>>, vector<1x1x128x128xf32>,
    %slice3A_196 = vector.extract_strided_slice %get3A_3 {offsets = [0, 7168], sizes = [32, 512], strides = [1, 1]} : vector<32x50176xf32> to vector<32x512xf32>
    %slice3A_197 = vector.extract_strided_slice %slice3A_196 {offsets = [0, 0], sizes = [32, 128], strides = [1, 1]} : vector<32x512xf32> to vector<32x128xf32>
    %slice3A_198 = vector.extract_strided_slice %slice3A_196 {offsets = [0, 128], sizes = [32, 128], strides = [1, 1]} : vector<32x512xf32> to vector<32x128xf32>
    %slice3A_199 = vector.extract_strided_slice %slice3A_196 {offsets = [0, 256], sizes = [32, 128], strides = [1, 1]} : vector<32x512xf32> to vector<32x128xf32>
    %slice3A_200 = vector.extract_strided_slice %slice3A_196 {offsets = [0, 384], sizes = [32, 128], strides = [1, 1]} : vector<32x512xf32> to vector<32x128xf32>
    %concatenate3A_201 = tpu.concatenate %slice3A_197, %slice3A_198, %slice3A_199, %slice3A_200 in 0 : vector<32x128xf32>, vector<32x128xf32>, vector<32x128xf32>, vector<32x128xf32> -> vector<128x128xf32>
    %transpose3A_202 = tpu.transpose %concatenate3A_201, [1, 0] : vector<128x128xf32> -> vector<128x128xf32>
    %swap3A_203 = arith.constant 0 : index
    %swap3A_204 = arith.constant 14 : index
    %swap3A_205 = arith.constant 0 : index
    %swap3A_206 = arith.constant 0 : index
    %swap3A_207 = vector.load %arg3[%swap3A_203, %swap3A_204, %swap3A_205, %swap3A_206] : memref<1x98x128x128xf32, #tpu.memory_space<vmem>>, vector<1x1x128x128xf32>
    %swap3A_208 = vector.shape_cast %swap3A_207 : vector<1x1x128x128xf32> to vector<128x128xf32>
    %swap3A_209 = vector.shape_cast %transpose3A_202 : vector<128x128xf32> to vector<1x1x128x128xf32>
    tpu.vector_store %arg3[%swap3A_203, %swap3A_204, %swap3A_205, %swap3A_206], %swap3A_209 {strides = array<i32>} : memref<1x98x128x128xf32, #tpu.memory_space<vmem>>, vector<1x1x128x128xf32>,
    %slice3A_210 = vector.extract_strided_slice %get3A_3 {offsets = [0, 7680], sizes = [32, 512], strides = [1, 1]} : vector<32x50176xf32> to vector<32x512xf32>
    %slice3A_211 = vector.extract_strided_slice %slice3A_210 {offsets = [0, 0], sizes = [32, 128], strides = [1, 1]} : vector<32x512xf32> to vector<32x128xf32>
    %slice3A_212 = vector.extract_strided_slice %slice3A_210 {offsets = [0, 128], sizes = [32, 128], strides = [1, 1]} : vector<32x512xf32> to vector<32x128xf32>
    %slice3A_213 = vector.extract_strided_slice %slice3A_210 {offsets = [0, 256], sizes = [32, 128], strides = [1, 1]} : vector<32x512xf32> to vector<32x128xf32>
    %slice3A_214 = vector.extract_strided_slice %slice3A_210 {offsets = [0, 384], sizes = [32, 128], strides = [1, 1]} : vector<32x512xf32> to vector<32x128xf32>
    %concatenate3A_215 = tpu.concatenate %slice3A_211, %slice3A_212, %slice3A_213, %slice3A_214 in 0 : vector<32x128xf32>, vector<32x128xf32>, vector<32x128xf32>, vector<32x128xf32> -> vector<128x128xf32>
    %transpose3A_216 = tpu.transpose %concatenate3A_215, [1, 0] : vector<128x128xf32> -> vector<128x128xf32>
    %swap3A_217 = arith.constant 0 : index
    %swap3A_218 = arith.constant 15 : index
    %swap3A_219 = arith.constant 0 : index
    %swap3A_220 = arith.constant 0 : index
    %swap3A_221 = vector.load %arg3[%swap3A_217, %swap3A_218, %swap3A_219, %swap3A_220] : memref<1x98x128x128xf32, #tpu.memory_space<vmem>>, vector<1x1x128x128xf32>
    %swap3A_222 = vector.shape_cast %swap3A_221 : vector<1x1x128x128xf32> to vector<128x128xf32>
    %swap3A_223 = vector.shape_cast %transpose3A_216 : vector<128x128xf32> to vector<1x1x128x128xf32>
    tpu.vector_store %arg3[%swap3A_217, %swap3A_218, %swap3A_219, %swap3A_220], %swap3A_223 {strides = array<i32>} : memref<1x98x128x128xf32, #tpu.memory_space<vmem>>, vector<1x1x128x128xf32>,
    %slice3A_224 = vector.extract_strided_slice %get3A_3 {offsets = [0, 8192], sizes = [32, 512], strides = [1, 1]} : vector<32x50176xf32> to vector<32x512xf32>
    %slice3A_225 = vector.extract_strided_slice %slice3A_224 {offsets = [0, 0], sizes = [32, 128], strides = [1, 1]} : vector<32x512xf32> to vector<32x128xf32>
    %slice3A_226 = vector.extract_strided_slice %slice3A_224 {offsets = [0, 128], sizes = [32, 128], strides = [1, 1]} : vector<32x512xf32> to vector<32x128xf32>
    %slice3A_227 = vector.extract_strided_slice %slice3A_224 {offsets = [0, 256], sizes = [32, 128], strides = [1, 1]} : vector<32x512xf32> to vector<32x128xf32>
    %slice3A_228 = vector.extract_strided_slice %slice3A_224 {offsets = [0, 384], sizes = [32, 128], strides = [1, 1]} : vector<32x512xf32> to vector<32x128xf32>
    %concatenate3A_229 = tpu.concatenate %slice3A_225, %slice3A_226, %slice3A_227, %slice3A_228 in 0 : vector<32x128xf32>, vector<32x128xf32>, vector<32x128xf32>, vector<32x128xf32> -> vector<128x128xf32>
    %transpose3A_230 = tpu.transpose %concatenate3A_229, [1, 0] : vector<128x128xf32> -> vector<128x128xf32>
    %swap3A_231 = arith.constant 0 : index
    %swap3A_232 = arith.constant 16 : index
    %swap3A_233 = arith.constant 0 : index
    %swap3A_234 = arith.constant 0 : index
    %swap3A_235 = vector.load %arg3[%swap3A_231, %swap3A_232, %swap3A_233, %swap3A_234] : memref<1x98x128x128xf32, #tpu.memory_space<vmem>>, vector<1x1x128x128xf32>
    %swap3A_236 = vector.shape_cast %swap3A_235 : vector<1x1x128x128xf32> to vector<128x128xf32>
    %swap3A_237 = vector.shape_cast %transpose3A_230 : vector<128x128xf32> to vector<1x1x128x128xf32>
    tpu.vector_store %arg3[%swap3A_231, %swap3A_232, %swap3A_233, %swap3A_234], %swap3A_237 {strides = array<i32>} : memref<1x98x128x128xf32, #tpu.memory_space<vmem>>, vector<1x1x128x128xf32>,
    %slice3A_238 = vector.extract_strided_slice %get3A_3 {offsets = [0, 8704], sizes = [32, 512], strides = [1, 1]} : vector<32x50176xf32> to vector<32x512xf32>
    %slice3A_239 = vector.extract_strided_slice %slice3A_238 {offsets = [0, 0], sizes = [32, 128], strides = [1, 1]} : vector<32x512xf32> to vector<32x128xf32>
    %slice3A_240 = vector.extract_strided_slice %slice3A_238 {offsets = [0, 128], sizes = [32, 128], strides = [1, 1]} : vector<32x512xf32> to vector<32x128xf32>
    %slice3A_241 = vector.extract_strided_slice %slice3A_238 {offsets = [0, 256], sizes = [32, 128], strides = [1, 1]} : vector<32x512xf32> to vector<32x128xf32>
    %slice3A_242 = vector.extract_strided_slice %slice3A_238 {offsets = [0, 384], sizes = [32, 128], strides = [1, 1]} : vector<32x512xf32> to vector<32x128xf32>
    %concatenate3A_243 = tpu.concatenate %slice3A_239, %slice3A_240, %slice3A_241, %slice3A_242 in 0 : vector<32x128xf32>, vector<32x128xf32>, vector<32x128xf32>, vector<32x128xf32> -> vector<128x128xf32>
    %transpose3A_244 = tpu.transpose %concatenate3A_243, [1, 0] : vector<128x128xf32> -> vector<128x128xf32>
    %swap3A_245 = arith.constant 0 : index
    %swap3A_246 = arith.constant 17 : index
    %swap3A_247 = arith.constant 0 : index
    %swap3A_248 = arith.constant 0 : index
    %swap3A_249 = vector.load %arg3[%swap3A_245, %swap3A_246, %swap3A_247, %swap3A_248] : memref<1x98x128x128xf32, #tpu.memory_space<vmem>>, vector<1x1x128x128xf32>
    %swap3A_250 = vector.shape_cast %swap3A_249 : vector<1x1x128x128xf32> to vector<128x128xf32>
    %swap3A_251 = vector.shape_cast %transpose3A_244 : vector<128x128xf32> to vector<1x1x128x128xf32>
    tpu.vector_store %arg3[%swap3A_245, %swap3A_246, %swap3A_247, %swap3A_248], %swap3A_251 {strides = array<i32>} : memref<1x98x128x128xf32, #tpu.memory_space<vmem>>, vector<1x1x128x128xf32>,
    %slice3A_252 = vector.extract_strided_slice %get3A_3 {offsets = [0, 9216], sizes = [32, 512], strides = [1, 1]} : vector<32x50176xf32> to vector<32x512xf32>
    %slice3A_253 = vector.extract_strided_slice %slice3A_252 {offsets = [0, 0], sizes = [32, 128], strides = [1, 1]} : vector<32x512xf32> to vector<32x128xf32>
    %slice3A_254 = vector.extract_strided_slice %slice3A_252 {offsets = [0, 128], sizes = [32, 128], strides = [1, 1]} : vector<32x512xf32> to vector<32x128xf32>
    %slice3A_255 = vector.extract_strided_slice %slice3A_252 {offsets = [0, 256], sizes = [32, 128], strides = [1, 1]} : vector<32x512xf32> to vector<32x128xf32>
    %slice3A_256 = vector.extract_strided_slice %slice3A_252 {offsets = [0, 384], sizes = [32, 128], strides = [1, 1]} : vector<32x512xf32> to vector<32x128xf32>
    %concatenate3A_257 = tpu.concatenate %slice3A_253, %slice3A_254, %slice3A_255, %slice3A_256 in 0 : vector<32x128xf32>, vector<32x128xf32>, vector<32x128xf32>, vector<32x128xf32> -> vector<128x128xf32>
    %transpose3A_258 = tpu.transpose %concatenate3A_257, [1, 0] : vector<128x128xf32> -> vector<128x128xf32>
    %swap3A_259 = arith.constant 0 : index
    %swap3A_260 = arith.constant 18 : index
    %swap3A_261 = arith.constant 0 : index
    %swap3A_262 = arith.constant 0 : index
    %swap3A_263 = vector.load %arg3[%swap3A_259, %swap3A_260, %swap3A_261, %swap3A_262] : memref<1x98x128x128xf32, #tpu.memory_space<vmem>>, vector<1x1x128x128xf32>
    %swap3A_264 = vector.shape_cast %swap3A_263 : vector<1x1x128x128xf32> to vector<128x128xf32>
    %swap3A_265 = vector.shape_cast %transpose3A_258 : vector<128x128xf32> to vector<1x1x128x128xf32>
    tpu.vector_store %arg3[%swap3A_259, %swap3A_260, %swap3A_261, %swap3A_262], %swap3A_265 {strides = array<i32>} : memref<1x98x128x128xf32, #tpu.memory_space<vmem>>, vector<1x1x128x128xf32>,
    %slice3A_266 = vector.extract_strided_slice %get3A_3 {offsets = [0, 9728], sizes = [32, 512], strides = [1, 1]} : vector<32x50176xf32> to vector<32x512xf32>
    %slice3A_267 = vector.extract_strided_slice %slice3A_266 {offsets = [0, 0], sizes = [32, 128], strides = [1, 1]} : vector<32x512xf32> to vector<32x128xf32>
    %slice3A_268 = vector.extract_strided_slice %slice3A_266 {offsets = [0, 128], sizes = [32, 128], strides = [1, 1]} : vector<32x512xf32> to vector<32x128xf32>
    %slice3A_269 = vector.extract_strided_slice %slice3A_266 {offsets = [0, 256], sizes = [32, 128], strides = [1, 1]} : vector<32x512xf32> to vector<32x128xf32>
    %slice3A_270 = vector.extract_strided_slice %slice3A_266 {offsets = [0, 384], sizes = [32, 128], strides = [1, 1]} : vector<32x512xf32> to vector<32x128xf32>
    %concatenate3A_271 = tpu.concatenate %slice3A_267, %slice3A_268, %slice3A_269, %slice3A_270 in 0 : vector<32x128xf32>, vector<32x128xf32>, vector<32x128xf32>, vector<32x128xf32> -> vector<128x128xf32>
    %transpose3A_272 = tpu.transpose %concatenate3A_271, [1, 0] : vector<128x128xf32> -> vector<128x128xf32>
    %swap3A_273 = arith.constant 0 : index
    %swap3A_274 = arith.constant 19 : index
    %swap3A_275 = arith.constant 0 : index
    %swap3A_276 = arith.constant 0 : index
    %swap3A_277 = vector.load %arg3[%swap3A_273, %swap3A_274, %swap3A_275, %swap3A_276] : memref<1x98x128x128xf32, #tpu.memory_space<vmem>>, vector<1x1x128x128xf32>
    %swap3A_278 = vector.shape_cast %swap3A_277 : vector<1x1x128x128xf32> to vector<128x128xf32>
    %swap3A_279 = vector.shape_cast %transpose3A_272 : vector<128x128xf32> to vector<1x1x128x128xf32>
    tpu.vector_store %arg3[%swap3A_273, %swap3A_274, %swap3A_275, %swap3A_276], %swap3A_279 {strides = array<i32>} : memref<1x98x128x128xf32, #tpu.memory_space<vmem>>, vector<1x1x128x128xf32>,
    %slice3A_280 = vector.extract_strided_slice %get3A_3 {offsets = [0, 10240], sizes = [32, 512], strides = [1, 1]} : vector<32x50176xf32> to vector<32x512xf32>
    %slice3A_281 = vector.extract_strided_slice %slice3A_280 {offsets = [0, 0], sizes = [32, 128], strides = [1, 1]} : vector<32x512xf32> to vector<32x128xf32>
    %slice3A_282 = vector.extract_strided_slice %slice3A_280 {offsets = [0, 128], sizes = [32, 128], strides = [1, 1]} : vector<32x512xf32> to vector<32x128xf32>
    %slice3A_283 = vector.extract_strided_slice %slice3A_280 {offsets = [0, 256], sizes = [32, 128], strides = [1, 1]} : vector<32x512xf32> to vector<32x128xf32>
    %slice3A_284 = vector.extract_strided_slice %slice3A_280 {offsets = [0, 384], sizes = [32, 128], strides = [1, 1]} : vector<32x512xf32> to vector<32x128xf32>
    %concatenate3A_285 = tpu.concatenate %slice3A_281, %slice3A_282, %slice3A_283, %slice3A_284 in 0 : vector<32x128xf32>, vector<32x128xf32>, vector<32x128xf32>, vector<32x128xf32> -> vector<128x128xf32>
    %transpose3A_286 = tpu.transpose %concatenate3A_285, [1, 0] : vector<128x128xf32> -> vector<128x128xf32>
    %swap3A_287 = arith.constant 0 : index
    %swap3A_288 = arith.constant 20 : index
    %swap3A_289 = arith.constant 0 : index
    %swap3A_290 = arith.constant 0 : index
    %swap3A_291 = vector.load %arg3[%swap3A_287, %swap3A_288, %swap3A_289, %swap3A_290] : memref<1x98x128x128xf32, #tpu.memory_space<vmem>>, vector<1x1x128x128xf32>
    %swap3A_292 = vector.shape_cast %swap3A_291 : vector<1x1x128x128xf32> to vector<128x128xf32>
    %swap3A_293 = vector.shape_cast %transpose3A_286 : vector<128x128xf32> to vector<1x1x128x128xf32>
    tpu.vector_store %arg3[%swap3A_287, %swap3A_288, %swap3A_289, %swap3A_290], %swap3A_293 {strides = array<i32>} : memref<1x98x128x128xf32, #tpu.memory_space<vmem>>, vector<1x1x128x128xf32>,
    %slice3A_294 = vector.extract_strided_slice %get3A_3 {offsets = [0, 10752], sizes = [32, 512], strides = [1, 1]} : vector<32x50176xf32> to vector<32x512xf32>
    %slice3A_295 = vector.extract_strided_slice %slice3A_294 {offsets = [0, 0], sizes = [32, 128], strides = [1, 1]} : vector<32x512xf32> to vector<32x128xf32>
    %slice3A_296 = vector.extract_strided_slice %slice3A_294 {offsets = [0, 128], sizes = [32, 128], strides = [1, 1]} : vector<32x512xf32> to vector<32x128xf32>
    %slice3A_297 = vector.extract_strided_slice %slice3A_294 {offsets = [0, 256], sizes = [32, 128], strides = [1, 1]} : vector<32x512xf32> to vector<32x128xf32>
    %slice3A_298 = vector.extract_strided_slice %slice3A_294 {offsets = [0, 384], sizes = [32, 128], strides = [1, 1]} : vector<32x512xf32> to vector<32x128xf32>
    %concatenate3A_299 = tpu.concatenate %slice3A_295, %slice3A_296, %slice3A_297, %slice3A_298 in 0 : vector<32x128xf32>, vector<32x128xf32>, vector<32x128xf32>, vector<32x128xf32> -> vector<128x128xf32>
    %transpose3A_300 = tpu.transpose %concatenate3A_299, [1, 0] : vector<128x128xf32> -> vector<128x128xf32>
    %swap3A_301 = arith.constant 0 : index
    %swap3A_302 = arith.constant 21 : index
    %swap3A_303 = arith.constant 0 : index
    %swap3A_304 = arith.constant 0 : index
    %swap3A_305 = vector.load %arg3[%swap3A_301, %swap3A_302, %swap3A_303, %swap3A_304] : memref<1x98x128x128xf32, #tpu.memory_space<vmem>>, vector<1x1x128x128xf32>
    %swap3A_306 = vector.shape_cast %swap3A_305 : vector<1x1x128x128xf32> to vector<128x128xf32>
    %swap3A_307 = vector.shape_cast %transpose3A_300 : vector<128x128xf32> to vector<1x1x128x128xf32>
    tpu.vector_store %arg3[%swap3A_301, %swap3A_302, %swap3A_303, %swap3A_304], %swap3A_307 {strides = array<i32>} : memref<1x98x128x128xf32, #tpu.memory_space<vmem>>, vector<1x1x128x128xf32>,
    %slice3A_308 = vector.extract_strided_slice %get3A_3 {offsets = [0, 11264], sizes = [32, 512], strides = [1, 1]} : vector<32x50176xf32> to vector<32x512xf32>
    %slice3A_309 = vector.extract_strided_slice %slice3A_308 {offsets = [0, 0], sizes = [32, 128], strides = [1, 1]} : vector<32x512xf32> to vector<32x128xf32>
    %slice3A_310 = vector.extract_strided_slice %slice3A_308 {offsets = [0, 128], sizes = [32, 128], strides = [1, 1]} : vector<32x512xf32> to vector<32x128xf32>
    %slice3A_311 = vector.extract_strided_slice %slice3A_308 {offsets = [0, 256], sizes = [32, 128], strides = [1, 1]} : vector<32x512xf32> to vector<32x128xf32>
    %slice3A_312 = vector.extract_strided_slice %slice3A_308 {offsets = [0, 384], sizes = [32, 128], strides = [1, 1]} : vector<32x512xf32> to vector<32x128xf32>
    %concatenate3A_313 = tpu.concatenate %slice3A_309, %slice3A_310, %slice3A_311, %slice3A_312 in 0 : vector<32x128xf32>, vector<32x128xf32>, vector<32x128xf32>, vector<32x128xf32> -> vector<128x128xf32>
    %transpose3A_314 = tpu.transpose %concatenate3A_313, [1, 0] : vector<128x128xf32> -> vector<128x128xf32>
    %swap3A_315 = arith.constant 0 : index
    %swap3A_316 = arith.constant 22 : index
    %swap3A_317 = arith.constant 0 : index
    %swap3A_318 = arith.constant 0 : index
    %swap3A_319 = vector.load %arg3[%swap3A_315, %swap3A_316, %swap3A_317, %swap3A_318] : memref<1x98x128x128xf32, #tpu.memory_space<vmem>>, vector<1x1x128x128xf32>
    %swap3A_320 = vector.shape_cast %swap3A_319 : vector<1x1x128x128xf32> to vector<128x128xf32>
    %swap3A_321 = vector.shape_cast %transpose3A_314 : vector<128x128xf32> to vector<1x1x128x128xf32>
    tpu.vector_store %arg3[%swap3A_315, %swap3A_316, %swap3A_317, %swap3A_318], %swap3A_321 {strides = array<i32>} : memref<1x98x128x128xf32, #tpu.memory_space<vmem>>, vector<1x1x128x128xf32>,
    %slice3A_322 = vector.extract_strided_slice %get3A_3 {offsets = [0, 11776], sizes = [32, 512], strides = [1, 1]} : vector<32x50176xf32> to vector<32x512xf32>
    %slice3A_323 = vector.extract_strided_slice %slice3A_322 {offsets = [0, 0], sizes = [32, 128], strides = [1, 1]} : vector<32x512xf32> to vector<32x128xf32>
    %slice3A_324 = vector.extract_strided_slice %slice3A_322 {offsets = [0, 128], sizes = [32, 128], strides = [1, 1]} : vector<32x512xf32> to vector<32x128xf32>
    %slice3A_325 = vector.extract_strided_slice %slice3A_322 {offsets = [0, 256], sizes = [32, 128], strides = [1, 1]} : vector<32x512xf32> to vector<32x128xf32>
    %slice3A_326 = vector.extract_strided_slice %slice3A_322 {offsets = [0, 384], sizes = [32, 128], strides = [1, 1]} : vector<32x512xf32> to vector<32x128xf32>
    %concatenate3A_327 = tpu.concatenate %slice3A_323, %slice3A_324, %slice3A_325, %slice3A_326 in 0 : vector<32x128xf32>, vector<32x128xf32>, vector<32x128xf32>, vector<32x128xf32> -> vector<128x128xf32>
    %transpose3A_328 = tpu.transpose %concatenate3A_327, [1, 0] : vector<128x128xf32> -> vector<128x128xf32>
    %swap3A_329 = arith.constant 0 : index
    %swap3A_330 = arith.constant 23 : index
    %swap3A_331 = arith.constant 0 : index
    %swap3A_332 = arith.constant 0 : index
    %swap3A_333 = vector.load %arg3[%swap3A_329, %swap3A_330, %swap3A_331, %swap3A_332] : memref<1x98x128x128xf32, #tpu.memory_space<vmem>>, vector<1x1x128x128xf32>
    %swap3A_334 = vector.shape_cast %swap3A_333 : vector<1x1x128x128xf32> to vector<128x128xf32>
    %swap3A_335 = vector.shape_cast %transpose3A_328 : vector<128x128xf32> to vector<1x1x128x128xf32>
    tpu.vector_store %arg3[%swap3A_329, %swap3A_330, %swap3A_331, %swap3A_332], %swap3A_335 {strides = array<i32>} : memref<1x98x128x128xf32, #tpu.memory_space<vmem>>, vector<1x1x128x128xf32>,
    %slice3A_336 = vector.extract_strided_slice %get3A_3 {offsets = [0, 12288], sizes = [32, 512], strides = [1, 1]} : vector<32x50176xf32> to vector<32x512xf32>
    %slice3A_337 = vector.extract_strided_slice %slice3A_336 {offsets = [0, 0], sizes = [32, 128], strides = [1, 1]} : vector<32x512xf32> to vector<32x128xf32>
    %slice3A_338 = vector.extract_strided_slice %slice3A_336 {offsets = [0, 128], sizes = [32, 128], strides = [1, 1]} : vector<32x512xf32> to vector<32x128xf32>
    %slice3A_339 = vector.extract_strided_slice %slice3A_336 {offsets = [0, 256], sizes = [32, 128], strides = [1, 1]} : vector<32x512xf32> to vector<32x128xf32>
    %slice3A_340 = vector.extract_strided_slice %slice3A_336 {offsets = [0, 384], sizes = [32, 128], strides = [1, 1]} : vector<32x512xf32> to vector<32x128xf32>
    %concatenate3A_341 = tpu.concatenate %slice3A_337, %slice3A_338, %slice3A_339, %slice3A_340 in 0 : vector<32x128xf32>, vector<32x128xf32>, vector<32x128xf32>, vector<32x128xf32> -> vector<128x128xf32>
    %transpose3A_342 = tpu.transpose %concatenate3A_341, [1, 0] : vector<128x128xf32> -> vector<128x128xf32>
    %swap3A_343 = arith.constant 0 : index
    %swap3A_344 = arith.constant 24 : index
    %swap3A_345 = arith.constant 0 : index
    %swap3A_346 = arith.constant 0 : index
    %swap3A_347 = vector.load %arg3[%swap3A_343, %swap3A_344, %swap3A_345, %swap3A_346] : memref<1x98x128x128xf32, #tpu.memory_space<vmem>>, vector<1x1x128x128xf32>
    %swap3A_348 = vector.shape_cast %swap3A_347 : vector<1x1x128x128xf32> to vector<128x128xf32>
    %swap3A_349 = vector.shape_cast %transpose3A_342 : vector<128x128xf32> to vector<1x1x128x128xf32>
    tpu.vector_store %arg3[%swap3A_343, %swap3A_344, %swap3A_345, %swap3A_346], %swap3A_349 {strides = array<i32>} : memref<1x98x128x128xf32, #tpu.memory_space<vmem>>, vector<1x1x128x128xf32>,
    %slice3A_350 = vector.extract_strided_slice %get3A_3 {offsets = [0, 12800], sizes = [32, 512], strides = [1, 1]} : vector<32x50176xf32> to vector<32x512xf32>
    %slice3A_351 = vector.extract_strided_slice %slice3A_350 {offsets = [0, 0], sizes = [32, 128], strides = [1, 1]} : vector<32x512xf32> to vector<32x128xf32>
    %slice3A_352 = vector.extract_strided_slice %slice3A_350 {offsets = [0, 128], sizes = [32, 128], strides = [1, 1]} : vector<32x512xf32> to vector<32x128xf32>
    %slice3A_353 = vector.extract_strided_slice %slice3A_350 {offsets = [0, 256], sizes = [32, 128], strides = [1, 1]} : vector<32x512xf32> to vector<32x128xf32>
    %slice3A_354 = vector.extract_strided_slice %slice3A_350 {offsets = [0, 384], sizes = [32, 128], strides = [1, 1]} : vector<32x512xf32> to vector<32x128xf32>
    %concatenate3A_355 = tpu.concatenate %slice3A_351, %slice3A_352, %slice3A_353, %slice3A_354 in 0 : vector<32x128xf32>, vector<32x128xf32>, vector<32x128xf32>, vector<32x128xf32> -> vector<128x128xf32>
    %transpose3A_356 = tpu.transpose %concatenate3A_355, [1, 0] : vector<128x128xf32> -> vector<128x128xf32>
    %swap3A_357 = arith.constant 0 : index
    %swap3A_358 = arith.constant 25 : index
    %swap3A_359 = arith.constant 0 : index
    %swap3A_360 = arith.constant 0 : index
    %swap3A_361 = vector.load %arg3[%swap3A_357, %swap3A_358, %swap3A_359, %swap3A_360] : memref<1x98x128x128xf32, #tpu.memory_space<vmem>>, vector<1x1x128x128xf32>
    %swap3A_362 = vector.shape_cast %swap3A_361 : vector<1x1x128x128xf32> to vector<128x128xf32>
    %swap3A_363 = vector.shape_cast %transpose3A_356 : vector<128x128xf32> to vector<1x1x128x128xf32>
    tpu.vector_store %arg3[%swap3A_357, %swap3A_358, %swap3A_359, %swap3A_360], %swap3A_363 {strides = array<i32>} : memref<1x98x128x128xf32, #tpu.memory_space<vmem>>, vector<1x1x128x128xf32>,
    %slice3A_364 = vector.extract_strided_slice %get3A_3 {offsets = [0, 13312], sizes = [32, 512], strides = [1, 1]} : vector<32x50176xf32> to vector<32x512xf32>
    %slice3A_365 = vector.extract_strided_slice %slice3A_364 {offsets = [0, 0], sizes = [32, 128], strides = [1, 1]} : vector<32x512xf32> to vector<32x128xf32>
    %slice3A_366 = vector.extract_strided_slice %slice3A_364 {offsets = [0, 128], sizes = [32, 128], strides = [1, 1]} : vector<32x512xf32> to vector<32x128xf32>
    %slice3A_367 = vector.extract_strided_slice %slice3A_364 {offsets = [0, 256], sizes = [32, 128], strides = [1, 1]} : vector<32x512xf32> to vector<32x128xf32>
    %slice3A_368 = vector.extract_strided_slice %slice3A_364 {offsets = [0, 384], sizes = [32, 128], strides = [1, 1]} : vector<32x512xf32> to vector<32x128xf32>
    %concatenate3A_369 = tpu.concatenate %slice3A_365, %slice3A_366, %slice3A_367, %slice3A_368 in 0 : vector<32x128xf32>, vector<32x128xf32>, vector<32x128xf32>, vector<32x128xf32> -> vector<128x128xf32>
    %transpose3A_370 = tpu.transpose %concatenate3A_369, [1, 0] : vector<128x128xf32> -> vector<128x128xf32>
    %swap3A_371 = arith.constant 0 : index
    %swap3A_372 = arith.constant 26 : index
    %swap3A_373 = arith.constant 0 : index
    %swap3A_374 = arith.constant 0 : index
    %swap3A_375 = vector.load %arg3[%swap3A_371, %swap3A_372, %swap3A_373, %swap3A_374] : memref<1x98x128x128xf32, #tpu.memory_space<vmem>>, vector<1x1x128x128xf32>
    %swap3A_376 = vector.shape_cast %swap3A_375 : vector<1x1x128x128xf32> to vector<128x128xf32>
    %swap3A_377 = vector.shape_cast %transpose3A_370 : vector<128x128xf32> to vector<1x1x128x128xf32>
    tpu.vector_store %arg3[%swap3A_371, %swap3A_372, %swap3A_373, %swap3A_374], %swap3A_377 {strides = array<i32>} : memref<1x98x128x128xf32, #tpu.memory_space<vmem>>, vector<1x1x128x128xf32>,
    %slice3A_378 = vector.extract_strided_slice %get3A_3 {offsets = [0, 13824], sizes = [32, 512], strides = [1, 1]} : vector<32x50176xf32> to vector<32x512xf32>
    %slice3A_379 = vector.extract_strided_slice %slice3A_378 {offsets = [0, 0], sizes = [32, 128], strides = [1, 1]} : vector<32x512xf32> to vector<32x128xf32>
    %slice3A_380 = vector.extract_strided_slice %slice3A_378 {offsets = [0, 128], sizes = [32, 128], strides = [1, 1]} : vector<32x512xf32> to vector<32x128xf32>
    %slice3A_381 = vector.extract_strided_slice %slice3A_378 {offsets = [0, 256], sizes = [32, 128], strides = [1, 1]} : vector<32x512xf32> to vector<32x128xf32>
    %slice3A_382 = vector.extract_strided_slice %slice3A_378 {offsets = [0, 384], sizes = [32, 128], strides = [1, 1]} : vector<32x512xf32> to vector<32x128xf32>
    %concatenate3A_383 = tpu.concatenate %slice3A_379, %slice3A_380, %slice3A_381, %slice3A_382 in 0 : vector<32x128xf32>, vector<32x128xf32>, vector<32x128xf32>, vector<32x128xf32> -> vector<128x128xf32>
    %transpose3A_384 = tpu.transpose %concatenate3A_383, [1, 0] : vector<128x128xf32> -> vector<128x128xf32>
    %swap3A_385 = arith.constant 0 : index
    %swap3A_386 = arith.constant 27 : index
    %swap3A_387 = arith.constant 0 : index
    %swap3A_388 = arith.constant 0 : index
    %swap3A_389 = vector.load %arg3[%swap3A_385, %swap3A_386, %swap3A_387, %swap3A_388] : memref<1x98x128x128xf32, #tpu.memory_space<vmem>>, vector<1x1x128x128xf32>
    %swap3A_390 = vector.shape_cast %swap3A_389 : vector<1x1x128x128xf32> to vector<128x128xf32>
    %swap3A_391 = vector.shape_cast %transpose3A_384 : vector<128x128xf32> to vector<1x1x128x128xf32>
    tpu.vector_store %arg3[%swap3A_385, %swap3A_386, %swap3A_387, %swap3A_388], %swap3A_391 {strides = array<i32>} : memref<1x98x128x128xf32, #tpu.memory_space<vmem>>, vector<1x1x128x128xf32>,
    %slice3A_392 = vector.extract_strided_slice %get3A_3 {offsets = [0, 14336], sizes = [32, 512], strides = [1, 1]} : vector<32x50176xf32> to vector<32x512xf32>
    %slice3A_393 = vector.extract_strided_slice %slice3A_392 {offsets = [0, 0], sizes = [32, 128], strides = [1, 1]} : vector<32x512xf32> to vector<32x128xf32>
    %slice3A_394 = vector.extract_strided_slice %slice3A_392 {offsets = [0, 128], sizes = [32, 128], strides = [1, 1]} : vector<32x512xf32> to vector<32x128xf32>
    %slice3A_395 = vector.extract_strided_slice %slice3A_392 {offsets = [0, 256], sizes = [32, 128], strides = [1, 1]} : vector<32x512xf32> to vector<32x128xf32>
    %slice3A_396 = vector.extract_strided_slice %slice3A_392 {offsets = [0, 384], sizes = [32, 128], strides = [1, 1]} : vector<32x512xf32> to vector<32x128xf32>
    %concatenate3A_397 = tpu.concatenate %slice3A_393, %slice3A_394, %slice3A_395, %slice3A_396 in 0 : vector<32x128xf32>, vector<32x128xf32>, vector<32x128xf32>, vector<32x128xf32> -> vector<128x128xf32>
    %transpose3A_398 = tpu.transpose %concatenate3A_397, [1, 0] : vector<128x128xf32> -> vector<128x128xf32>
    %swap3A_399 = arith.constant 0 : index
    %swap3A_400 = arith.constant 28 : index
    %swap3A_401 = arith.constant 0 : index
    %swap3A_402 = arith.constant 0 : index
    %swap3A_403 = vector.load %arg3[%swap3A_399, %swap3A_400, %swap3A_401, %swap3A_402] : memref<1x98x128x128xf32, #tpu.memory_space<vmem>>, vector<1x1x128x128xf32>
    %swap3A_404 = vector.shape_cast %swap3A_403 : vector<1x1x128x128xf32> to vector<128x128xf32>
    %swap3A_405 = vector.shape_cast %transpose3A_398 : vector<128x128xf32> to vector<1x1x128x128xf32>
    tpu.vector_store %arg3[%swap3A_399, %swap3A_400, %swap3A_401, %swap3A_402], %swap3A_405 {strides = array<i32>} : memref<1x98x128x128xf32, #tpu.memory_space<vmem>>, vector<1x1x128x128xf32>,
    %slice3A_406 = vector.extract_strided_slice %get3A_3 {offsets = [0, 14848], sizes = [32, 512], strides = [1, 1]} : vector<32x50176xf32> to vector<32x512xf32>
    %slice3A_407 = vector.extract_strided_slice %slice3A_406 {offsets = [0, 0], sizes = [32, 128], strides = [1, 1]} : vector<32x512xf32> to vector<32x128xf32>
    %slice3A_408 = vector.extract_strided_slice %slice3A_406 {offsets = [0, 128], sizes = [32, 128], strides = [1, 1]} : vector<32x512xf32> to vector<32x128xf32>
    %slice3A_409 = vector.extract_strided_slice %slice3A_406 {offsets = [0, 256], sizes = [32, 128], strides = [1, 1]} : vector<32x512xf32> to vector<32x128xf32>
    %slice3A_410 = vector.extract_strided_slice %slice3A_406 {offsets = [0, 384], sizes = [32, 128], strides = [1, 1]} : vector<32x512xf32> to vector<32x128xf32>
    %concatenate3A_411 = tpu.concatenate %slice3A_407, %slice3A_408, %slice3A_409, %slice3A_410 in 0 : vector<32x128xf32>, vector<32x128xf32>, vector<32x128xf32>, vector<32x128xf32> -> vector<128x128xf32>
    %transpose3A_412 = tpu.transpose %concatenate3A_411, [1, 0] : vector<128x128xf32> -> vector<128x128xf32>
    %swap3A_413 = arith.constant 0 : index
    %swap3A_414 = arith.constant 29 : index
    %swap3A_415 = arith.constant 0 : index
    %swap3A_416 = arith.constant 0 : index
    %swap3A_417 = vector.load %arg3[%swap3A_413, %swap3A_414, %swap3A_415, %swap3A_416] : memref<1x98x128x128xf32, #tpu.memory_space<vmem>>, vector<1x1x128x128xf32>
    %swap3A_418 = vector.shape_cast %swap3A_417 : vector<1x1x128x128xf32> to vector<128x128xf32>
    %swap3A_419 = vector.shape_cast %transpose3A_412 : vector<128x128xf32> to vector<1x1x128x128xf32>
    tpu.vector_store %arg3[%swap3A_413, %swap3A_414, %swap3A_415, %swap3A_416], %swap3A_419 {strides = array<i32>} : memref<1x98x128x128xf32, #tpu.memory_space<vmem>>, vector<1x1x128x128xf32>,
    %slice3A_420 = vector.extract_strided_slice %get3A_3 {offsets = [0, 15360], sizes = [32, 512], strides = [1, 1]} : vector<32x50176xf32> to vector<32x512xf32>
    %slice3A_421 = vector.extract_strided_slice %slice3A_420 {offsets = [0, 0], sizes = [32, 128], strides = [1, 1]} : vector<32x512xf32> to vector<32x128xf32>
    %slice3A_422 = vector.extract_strided_slice %slice3A_420 {offsets = [0, 128], sizes = [32, 128], strides = [1, 1]} : vector<32x512xf32> to vector<32x128xf32>
    %slice3A_423 = vector.extract_strided_slice %slice3A_420 {offsets = [0, 256], sizes = [32, 128], strides = [1, 1]} : vector<32x512xf32> to vector<32x128xf32>
    %slice3A_424 = vector.extract_strided_slice %slice3A_420 {offsets = [0, 384], sizes = [32, 128], strides = [1, 1]} : vector<32x512xf32> to vector<32x128xf32>
    %concatenate3A_425 = tpu.concatenate %slice3A_421, %slice3A_422, %slice3A_423, %slice3A_424 in 0 : vector<32x128xf32>, vector<32x128xf32>, vector<32x128xf32>, vector<32x128xf32> -> vector<128x128xf32>
    %transpose3A_426 = tpu.transpose %concatenate3A_425, [1, 0] : vector<128x128xf32> -> vector<128x128xf32>
    %swap3A_427 = arith.constant 0 : index
    %swap3A_428 = arith.constant 30 : index
    %swap3A_429 = arith.constant 0 : index
    %swap3A_430 = arith.constant 0 : index
    %swap3A_431 = vector.load %arg3[%swap3A_427, %swap3A_428, %swap3A_429, %swap3A_430] : memref<1x98x128x128xf32, #tpu.memory_space<vmem>>, vector<1x1x128x128xf32>
    %swap3A_432 = vector.shape_cast %swap3A_431 : vector<1x1x128x128xf32> to vector<128x128xf32>
    %swap3A_433 = vector.shape_cast %transpose3A_426 : vector<128x128xf32> to vector<1x1x128x128xf32>
    tpu.vector_store %arg3[%swap3A_427, %swap3A_428, %swap3A_429, %swap3A_430], %swap3A_433 {strides = array<i32>} : memref<1x98x128x128xf32, #tpu.memory_space<vmem>>, vector<1x1x128x128xf32>,
    %slice3A_434 = vector.extract_strided_slice %get3A_3 {offsets = [0, 15872], sizes = [32, 512], strides = [1, 1]} : vector<32x50176xf32> to vector<32x512xf32>
    %slice3A_435 = vector.extract_strided_slice %slice3A_434 {offsets = [0, 0], sizes = [32, 128], strides = [1, 1]} : vector<32x512xf32> to vector<32x128xf32>
    %slice3A_436 = vector.extract_strided_slice %slice3A_434 {offsets = [0, 128], sizes = [32, 128], strides = [1, 1]} : vector<32x512xf32> to vector<32x128xf32>
    %slice3A_437 = vector.extract_strided_slice %slice3A_434 {offsets = [0, 256], sizes = [32, 128], strides = [1, 1]} : vector<32x512xf32> to vector<32x128xf32>
    %slice3A_438 = vector.extract_strided_slice %slice3A_434 {offsets = [0, 384], sizes = [32, 128], strides = [1, 1]} : vector<32x512xf32> to vector<32x128xf32>
    %concatenate3A_439 = tpu.concatenate %slice3A_435, %slice3A_436, %slice3A_437, %slice3A_438 in 0 : vector<32x128xf32>, vector<32x128xf32>, vector<32x128xf32>, vector<32x128xf32> -> vector<128x128xf32>
    %transpose3A_440 = tpu.transpose %concatenate3A_439, [1, 0] : vector<128x128xf32> -> vector<128x128xf32>
    %swap3A_441 = arith.constant 0 : index
    %swap3A_442 = arith.constant 31 : index
    %swap3A_443 = arith.constant 0 : index
    %swap3A_444 = arith.constant 0 : index
    %swap3A_445 = vector.load %arg3[%swap3A_441, %swap3A_442, %swap3A_443, %swap3A_444] : memref<1x98x128x128xf32, #tpu.memory_space<vmem>>, vector<1x1x128x128xf32>
    %swap3A_446 = vector.shape_cast %swap3A_445 : vector<1x1x128x128xf32> to vector<128x128xf32>
    %swap3A_447 = vector.shape_cast %transpose3A_440 : vector<128x128xf32> to vector<1x1x128x128xf32>
    tpu.vector_store %arg3[%swap3A_441, %swap3A_442, %swap3A_443, %swap3A_444], %swap3A_447 {strides = array<i32>} : memref<1x98x128x128xf32, #tpu.memory_space<vmem>>, vector<1x1x128x128xf32>,
    %slice3A_448 = vector.extract_strided_slice %get3A_3 {offsets = [0, 16384], sizes = [32, 512], strides = [1, 1]} : vector<32x50176xf32> to vector<32x512xf32>
    %slice3A_449 = vector.extract_strided_slice %slice3A_448 {offsets = [0, 0], sizes = [32, 128], strides = [1, 1]} : vector<32x512xf32> to vector<32x128xf32>
    %slice3A_450 = vector.extract_strided_slice %slice3A_448 {offsets = [0, 128], sizes = [32, 128], strides = [1, 1]} : vector<32x512xf32> to vector<32x128xf32>
    %slice3A_451 = vector.extract_strided_slice %slice3A_448 {offsets = [0, 256], sizes = [32, 128], strides = [1, 1]} : vector<32x512xf32> to vector<32x128xf32>
    %slice3A_452 = vector.extract_strided_slice %slice3A_448 {offsets = [0, 384], sizes = [32, 128], strides = [1, 1]} : vector<32x512xf32> to vector<32x128xf32>
    %concatenate3A_453 = tpu.concatenate %slice3A_449, %slice3A_450, %slice3A_451, %slice3A_452 in 0 : vector<32x128xf32>, vector<32x128xf32>, vector<32x128xf32>, vector<32x128xf32> -> vector<128x128xf32>
    %transpose3A_454 = tpu.transpose %concatenate3A_453, [1, 0] : vector<128x128xf32> -> vector<128x128xf32>
    %swap3A_455 = arith.constant 0 : index
    %swap3A_456 = arith.constant 32 : index
    %swap3A_457 = arith.constant 0 : index
    %swap3A_458 = arith.constant 0 : index
    %swap3A_459 = vector.load %arg3[%swap3A_455, %swap3A_456, %swap3A_457, %swap3A_458] : memref<1x98x128x128xf32, #tpu.memory_space<vmem>>, vector<1x1x128x128xf32>
    %swap3A_460 = vector.shape_cast %swap3A_459 : vector<1x1x128x128xf32> to vector<128x128xf32>
    %swap3A_461 = vector.shape_cast %transpose3A_454 : vector<128x128xf32> to vector<1x1x128x128xf32>
    tpu.vector_store %arg3[%swap3A_455, %swap3A_456, %swap3A_457, %swap3A_458], %swap3A_461 {strides = array<i32>} : memref<1x98x128x128xf32, #tpu.memory_space<vmem>>, vector<1x1x128x128xf32>,
    %slice3A_462 = vector.extract_strided_slice %get3A_3 {offsets = [0, 16896], sizes = [32, 512], strides = [1, 1]} : vector<32x50176xf32> to vector<32x512xf32>
    %slice3A_463 = vector.extract_strided_slice %slice3A_462 {offsets = [0, 0], sizes = [32, 128], strides = [1, 1]} : vector<32x512xf32> to vector<32x128xf32>
    %slice3A_464 = vector.extract_strided_slice %slice3A_462 {offsets = [0, 128], sizes = [32, 128], strides = [1, 1]} : vector<32x512xf32> to vector<32x128xf32>
    %slice3A_465 = vector.extract_strided_slice %slice3A_462 {offsets = [0, 256], sizes = [32, 128], strides = [1, 1]} : vector<32x512xf32> to vector<32x128xf32>
    %slice3A_466 = vector.extract_strided_slice %slice3A_462 {offsets = [0, 384], sizes = [32, 128], strides = [1, 1]} : vector<32x512xf32> to vector<32x128xf32>
    %concatenate3A_467 = tpu.concatenate %slice3A_463, %slice3A_464, %slice3A_465, %slice3A_466 in 0 : vector<32x128xf32>, vector<32x128xf32>, vector<32x128xf32>, vector<32x128xf32> -> vector<128x128xf32>
    %transpose3A_468 = tpu.transpose %concatenate3A_467, [1, 0] : vector<128x128xf32> -> vector<128x128xf32>
    %swap3A_469 = arith.constant 0 : index
    %swap3A_470 = arith.constant 33 : index
    %swap3A_471 = arith.constant 0 : index
    %swap3A_472 = arith.constant 0 : index
    %swap3A_473 = vector.load %arg3[%swap3A_469, %swap3A_470, %swap3A_471, %swap3A_472] : memref<1x98x128x128xf32, #tpu.memory_space<vmem>>, vector<1x1x128x128xf32>
    %swap3A_474 = vector.shape_cast %swap3A_473 : vector<1x1x128x128xf32> to vector<128x128xf32>
    %swap3A_475 = vector.shape_cast %transpose3A_468 : vector<128x128xf32> to vector<1x1x128x128xf32>
    tpu.vector_store %arg3[%swap3A_469, %swap3A_470, %swap3A_471, %swap3A_472], %swap3A_475 {strides = array<i32>} : memref<1x98x128x128xf32, #tpu.memory_space<vmem>>, vector<1x1x128x128xf32>,
    %slice3A_476 = vector.extract_strided_slice %get3A_3 {offsets = [0, 17408], sizes = [32, 512], strides = [1, 1]} : vector<32x50176xf32> to vector<32x512xf32>
    %slice3A_477 = vector.extract_strided_slice %slice3A_476 {offsets = [0, 0], sizes = [32, 128], strides = [1, 1]} : vector<32x512xf32> to vector<32x128xf32>
    %slice3A_478 = vector.extract_strided_slice %slice3A_476 {offsets = [0, 128], sizes = [32, 128], strides = [1, 1]} : vector<32x512xf32> to vector<32x128xf32>
    %slice3A_479 = vector.extract_strided_slice %slice3A_476 {offsets = [0, 256], sizes = [32, 128], strides = [1, 1]} : vector<32x512xf32> to vector<32x128xf32>
    %slice3A_480 = vector.extract_strided_slice %slice3A_476 {offsets = [0, 384], sizes = [32, 128], strides = [1, 1]} : vector<32x512xf32> to vector<32x128xf32>
    %concatenate3A_481 = tpu.concatenate %slice3A_477, %slice3A_478, %slice3A_479, %slice3A_480 in 0 : vector<32x128xf32>, vector<32x128xf32>, vector<32x128xf32>, vector<32x128xf32> -> vector<128x128xf32>
    %transpose3A_482 = tpu.transpose %concatenate3A_481, [1, 0] : vector<128x128xf32> -> vector<128x128xf32>
    %swap3A_483 = arith.constant 0 : index
    %swap3A_484 = arith.constant 34 : index
    %swap3A_485 = arith.constant 0 : index
    %swap3A_486 = arith.constant 0 : index
    %swap3A_487 = vector.load %arg3[%swap3A_483, %swap3A_484, %swap3A_485, %swap3A_486] : memref<1x98x128x128xf32, #tpu.memory_space<vmem>>, vector<1x1x128x128xf32>
    %swap3A_488 = vector.shape_cast %swap3A_487 : vector<1x1x128x128xf32> to vector<128x128xf32>
    %swap3A_489 = vector.shape_cast %transpose3A_482 : vector<128x128xf32> to vector<1x1x128x128xf32>
    tpu.vector_store %arg3[%swap3A_483, %swap3A_484, %swap3A_485, %swap3A_486], %swap3A_489 {strides = array<i32>} : memref<1x98x128x128xf32, #tpu.memory_space<vmem>>, vector<1x1x128x128xf32>,
    %slice3A_490 = vector.extract_strided_slice %get3A_3 {offsets = [0, 17920], sizes = [32, 512], strides = [1, 1]} : vector<32x50176xf32> to vector<32x512xf32>
    %slice3A_491 = vector.extract_strided_slice %slice3A_490 {offsets = [0, 0], sizes = [32, 128], strides = [1, 1]} : vector<32x512xf32> to vector<32x128xf32>
    %slice3A_492 = vector.extract_strided_slice %slice3A_490 {offsets = [0, 128], sizes = [32, 128], strides = [1, 1]} : vector<32x512xf32> to vector<32x128xf32>
    %slice3A_493 = vector.extract_strided_slice %slice3A_490 {offsets = [0, 256], sizes = [32, 128], strides = [1, 1]} : vector<32x512xf32> to vector<32x128xf32>
    %slice3A_494 = vector.extract_strided_slice %slice3A_490 {offsets = [0, 384], sizes = [32, 128], strides = [1, 1]} : vector<32x512xf32> to vector<32x128xf32>
    %concatenate3A_495 = tpu.concatenate %slice3A_491, %slice3A_492, %slice3A_493, %slice3A_494 in 0 : vector<32x128xf32>, vector<32x128xf32>, vector<32x128xf32>, vector<32x128xf32> -> vector<128x128xf32>
    %transpose3A_496 = tpu.transpose %concatenate3A_495, [1, 0] : vector<128x128xf32> -> vector<128x128xf32>
    %swap3A_497 = arith.constant 0 : index
    %swap3A_498 = arith.constant 35 : index
    %swap3A_499 = arith.constant 0 : index
    %swap3A_500 = arith.constant 0 : index
    %swap3A_501 = vector.load %arg3[%swap3A_497, %swap3A_498, %swap3A_499, %swap3A_500] : memref<1x98x128x128xf32, #tpu.memory_space<vmem>>, vector<1x1x128x128xf32>
    %swap3A_502 = vector.shape_cast %swap3A_501 : vector<1x1x128x128xf32> to vector<128x128xf32>
    %swap3A_503 = vector.shape_cast %transpose3A_496 : vector<128x128xf32> to vector<1x1x128x128xf32>
    tpu.vector_store %arg3[%swap3A_497, %swap3A_498, %swap3A_499, %swap3A_500], %swap3A_503 {strides = array<i32>} : memref<1x98x128x128xf32, #tpu.memory_space<vmem>>, vector<1x1x128x128xf32>,
    %slice3A_504 = vector.extract_strided_slice %get3A_3 {offsets = [0, 18432], sizes = [32, 512], strides = [1, 1]} : vector<32x50176xf32> to vector<32x512xf32>
    %slice3A_505 = vector.extract_strided_slice %slice3A_504 {offsets = [0, 0], sizes = [32, 128], strides = [1, 1]} : vector<32x512xf32> to vector<32x128xf32>
    %slice3A_506 = vector.extract_strided_slice %slice3A_504 {offsets = [0, 128], sizes = [32, 128], strides = [1, 1]} : vector<32x512xf32> to vector<32x128xf32>
    %slice3A_507 = vector.extract_strided_slice %slice3A_504 {offsets = [0, 256], sizes = [32, 128], strides = [1, 1]} : vector<32x512xf32> to vector<32x128xf32>
    %slice3A_508 = vector.extract_strided_slice %slice3A_504 {offsets = [0, 384], sizes = [32, 128], strides = [1, 1]} : vector<32x512xf32> to vector<32x128xf32>
    %concatenate3A_509 = tpu.concatenate %slice3A_505, %slice3A_506, %slice3A_507, %slice3A_508 in 0 : vector<32x128xf32>, vector<32x128xf32>, vector<32x128xf32>, vector<32x128xf32> -> vector<128x128xf32>
    %transpose3A_510 = tpu.transpose %concatenate3A_509, [1, 0] : vector<128x128xf32> -> vector<128x128xf32>
    %swap3A_511 = arith.constant 0 : index
    %swap3A_512 = arith.constant 36 : index
    %swap3A_513 = arith.constant 0 : index
    %swap3A_514 = arith.constant 0 : index
    %swap3A_515 = vector.load %arg3[%swap3A_511, %swap3A_512, %swap3A_513, %swap3A_514] : memref<1x98x128x128xf32, #tpu.memory_space<vmem>>, vector<1x1x128x128xf32>
    %swap3A_516 = vector.shape_cast %swap3A_515 : vector<1x1x128x128xf32> to vector<128x128xf32>
    %swap3A_517 = vector.shape_cast %transpose3A_510 : vector<128x128xf32> to vector<1x1x128x128xf32>
    tpu.vector_store %arg3[%swap3A_511, %swap3A_512, %swap3A_513, %swap3A_514], %swap3A_517 {strides = array<i32>} : memref<1x98x128x128xf32, #tpu.memory_space<vmem>>, vector<1x1x128x128xf32>,
    %slice3A_518 = vector.extract_strided_slice %get3A_3 {offsets = [0, 18944], sizes = [32, 512], strides = [1, 1]} : vector<32x50176xf32> to vector<32x512xf32>
    %slice3A_519 = vector.extract_strided_slice %slice3A_518 {offsets = [0, 0], sizes = [32, 128], strides = [1, 1]} : vector<32x512xf32> to vector<32x128xf32>
    %slice3A_520 = vector.extract_strided_slice %slice3A_518 {offsets = [0, 128], sizes = [32, 128], strides = [1, 1]} : vector<32x512xf32> to vector<32x128xf32>
    %slice3A_521 = vector.extract_strided_slice %slice3A_518 {offsets = [0, 256], sizes = [32, 128], strides = [1, 1]} : vector<32x512xf32> to vector<32x128xf32>
    %slice3A_522 = vector.extract_strided_slice %slice3A_518 {offsets = [0, 384], sizes = [32, 128], strides = [1, 1]} : vector<32x512xf32> to vector<32x128xf32>
    %concatenate3A_523 = tpu.concatenate %slice3A_519, %slice3A_520, %slice3A_521, %slice3A_522 in 0 : vector<32x128xf32>, vector<32x128xf32>, vector<32x128xf32>, vector<32x128xf32> -> vector<128x128xf32>
    %transpose3A_524 = tpu.transpose %concatenate3A_523, [1, 0] : vector<128x128xf32> -> vector<128x128xf32>
    %swap3A_525 = arith.constant 0 : index
    %swap3A_526 = arith.constant 37 : index
    %swap3A_527 = arith.constant 0 : index
    %swap3A_528 = arith.constant 0 : index
    %swap3A_529 = vector.load %arg3[%swap3A_525, %swap3A_526, %swap3A_527, %swap3A_528] : memref<1x98x128x128xf32, #tpu.memory_space<vmem>>, vector<1x1x128x128xf32>
    %swap3A_530 = vector.shape_cast %swap3A_529 : vector<1x1x128x128xf32> to vector<128x128xf32>
    %swap3A_531 = vector.shape_cast %transpose3A_524 : vector<128x128xf32> to vector<1x1x128x128xf32>
    tpu.vector_store %arg3[%swap3A_525, %swap3A_526, %swap3A_527, %swap3A_528], %swap3A_531 {strides = array<i32>} : memref<1x98x128x128xf32, #tpu.memory_space<vmem>>, vector<1x1x128x128xf32>,
    %slice3A_532 = vector.extract_strided_slice %get3A_3 {offsets = [0, 19456], sizes = [32, 512], strides = [1, 1]} : vector<32x50176xf32> to vector<32x512xf32>
    %slice3A_533 = vector.extract_strided_slice %slice3A_532 {offsets = [0, 0], sizes = [32, 128], strides = [1, 1]} : vector<32x512xf32> to vector<32x128xf32>
    %slice3A_534 = vector.extract_strided_slice %slice3A_532 {offsets = [0, 128], sizes = [32, 128], strides = [1, 1]} : vector<32x512xf32> to vector<32x128xf32>
    %slice3A_535 = vector.extract_strided_slice %slice3A_532 {offsets = [0, 256], sizes = [32, 128], strides = [1, 1]} : vector<32x512xf32> to vector<32x128xf32>
    %slice3A_536 = vector.extract_strided_slice %slice3A_532 {offsets = [0, 384], sizes = [32, 128], strides = [1, 1]} : vector<32x512xf32> to vector<32x128xf32>
    %concatenate3A_537 = tpu.concatenate %slice3A_533, %slice3A_534, %slice3A_535, %slice3A_536 in 0 : vector<32x128xf32>, vector<32x128xf32>, vector<32x128xf32>, vector<32x128xf32> -> vector<128x128xf32>
    %transpose3A_538 = tpu.transpose %concatenate3A_537, [1, 0] : vector<128x128xf32> -> vector<128x128xf32>
    %swap3A_539 = arith.constant 0 : index
    %swap3A_540 = arith.constant 38 : index
    %swap3A_541 = arith.constant 0 : index
    %swap3A_542 = arith.constant 0 : index
    %swap3A_543 = vector.load %arg3[%swap3A_539, %swap3A_540, %swap3A_541, %swap3A_542] : memref<1x98x128x128xf32, #tpu.memory_space<vmem>>, vector<1x1x128x128xf32>
    %swap3A_544 = vector.shape_cast %swap3A_543 : vector<1x1x128x128xf32> to vector<128x128xf32>
    %swap3A_545 = vector.shape_cast %transpose3A_538 : vector<128x128xf32> to vector<1x1x128x128xf32>
    tpu.vector_store %arg3[%swap3A_539, %swap3A_540, %swap3A_541, %swap3A_542], %swap3A_545 {strides = array<i32>} : memref<1x98x128x128xf32, #tpu.memory_space<vmem>>, vector<1x1x128x128xf32>,
    %slice3A_546 = vector.extract_strided_slice %get3A_3 {offsets = [0, 19968], sizes = [32, 512], strides = [1, 1]} : vector<32x50176xf32> to vector<32x512xf32>
    %slice3A_547 = vector.extract_strided_slice %slice3A_546 {offsets = [0, 0], sizes = [32, 128], strides = [1, 1]} : vector<32x512xf32> to vector<32x128xf32>
    %slice3A_548 = vector.extract_strided_slice %slice3A_546 {offsets = [0, 128], sizes = [32, 128], strides = [1, 1]} : vector<32x512xf32> to vector<32x128xf32>
    %slice3A_549 = vector.extract_strided_slice %slice3A_546 {offsets = [0, 256], sizes = [32, 128], strides = [1, 1]} : vector<32x512xf32> to vector<32x128xf32>
    %slice3A_550 = vector.extract_strided_slice %slice3A_546 {offsets = [0, 384], sizes = [32, 128], strides = [1, 1]} : vector<32x512xf32> to vector<32x128xf32>
    %concatenate3A_551 = tpu.concatenate %slice3A_547, %slice3A_548, %slice3A_549, %slice3A_550 in 0 : vector<32x128xf32>, vector<32x128xf32>, vector<32x128xf32>, vector<32x128xf32> -> vector<128x128xf32>
    %transpose3A_552 = tpu.transpose %concatenate3A_551, [1, 0] : vector<128x128xf32> -> vector<128x128xf32>
    %swap3A_553 = arith.constant 0 : index
    %swap3A_554 = arith.constant 39 : index
    %swap3A_555 = arith.constant 0 : index
    %swap3A_556 = arith.constant 0 : index
    %swap3A_557 = vector.load %arg3[%swap3A_553, %swap3A_554, %swap3A_555, %swap3A_556] : memref<1x98x128x128xf32, #tpu.memory_space<vmem>>, vector<1x1x128x128xf32>
    %swap3A_558 = vector.shape_cast %swap3A_557 : vector<1x1x128x128xf32> to vector<128x128xf32>
    %swap3A_559 = vector.shape_cast %transpose3A_552 : vector<128x128xf32> to vector<1x1x128x128xf32>
    tpu.vector_store %arg3[%swap3A_553, %swap3A_554, %swap3A_555, %swap3A_556], %swap3A_559 {strides = array<i32>} : memref<1x98x128x128xf32, #tpu.memory_space<vmem>>, vector<1x1x128x128xf32>,
    %slice3A_560 = vector.extract_strided_slice %get3A_3 {offsets = [0, 20480], sizes = [32, 512], strides = [1, 1]} : vector<32x50176xf32> to vector<32x512xf32>
    %slice3A_561 = vector.extract_strided_slice %slice3A_560 {offsets = [0, 0], sizes = [32, 128], strides = [1, 1]} : vector<32x512xf32> to vector<32x128xf32>
    %slice3A_562 = vector.extract_strided_slice %slice3A_560 {offsets = [0, 128], sizes = [32, 128], strides = [1, 1]} : vector<32x512xf32> to vector<32x128xf32>
    %slice3A_563 = vector.extract_strided_slice %slice3A_560 {offsets = [0, 256], sizes = [32, 128], strides = [1, 1]} : vector<32x512xf32> to vector<32x128xf32>
    %slice3A_564 = vector.extract_strided_slice %slice3A_560 {offsets = [0, 384], sizes = [32, 128], strides = [1, 1]} : vector<32x512xf32> to vector<32x128xf32>
    %concatenate3A_565 = tpu.concatenate %slice3A_561, %slice3A_562, %slice3A_563, %slice3A_564 in 0 : vector<32x128xf32>, vector<32x128xf32>, vector<32x128xf32>, vector<32x128xf32> -> vector<128x128xf32>
    %transpose3A_566 = tpu.transpose %concatenate3A_565, [1, 0] : vector<128x128xf32> -> vector<128x128xf32>
    %swap3A_567 = arith.constant 0 : index
    %swap3A_568 = arith.constant 40 : index
    %swap3A_569 = arith.constant 0 : index
    %swap3A_570 = arith.constant 0 : index
    %swap3A_571 = vector.load %arg3[%swap3A_567, %swap3A_568, %swap3A_569, %swap3A_570] : memref<1x98x128x128xf32, #tpu.memory_space<vmem>>, vector<1x1x128x128xf32>
    %swap3A_572 = vector.shape_cast %swap3A_571 : vector<1x1x128x128xf32> to vector<128x128xf32>
    %swap3A_573 = vector.shape_cast %transpose3A_566 : vector<128x128xf32> to vector<1x1x128x128xf32>
    tpu.vector_store %arg3[%swap3A_567, %swap3A_568, %swap3A_569, %swap3A_570], %swap3A_573 {strides = array<i32>} : memref<1x98x128x128xf32, #tpu.memory_space<vmem>>, vector<1x1x128x128xf32>,
    %slice3A_574 = vector.extract_strided_slice %get3A_3 {offsets = [0, 20992], sizes = [32, 512], strides = [1, 1]} : vector<32x50176xf32> to vector<32x512xf32>
    %slice3A_575 = vector.extract_strided_slice %slice3A_574 {offsets = [0, 0], sizes = [32, 128], strides = [1, 1]} : vector<32x512xf32> to vector<32x128xf32>
    %slice3A_576 = vector.extract_strided_slice %slice3A_574 {offsets = [0, 128], sizes = [32, 128], strides = [1, 1]} : vector<32x512xf32> to vector<32x128xf32>
    %slice3A_577 = vector.extract_strided_slice %slice3A_574 {offsets = [0, 256], sizes = [32, 128], strides = [1, 1]} : vector<32x512xf32> to vector<32x128xf32>
    %slice3A_578 = vector.extract_strided_slice %slice3A_574 {offsets = [0, 384], sizes = [32, 128], strides = [1, 1]} : vector<32x512xf32> to vector<32x128xf32>
    %concatenate3A_579 = tpu.concatenate %slice3A_575, %slice3A_576, %slice3A_577, %slice3A_578 in 0 : vector<32x128xf32>, vector<32x128xf32>, vector<32x128xf32>, vector<32x128xf32> -> vector<128x128xf32>
    %transpose3A_580 = tpu.transpose %concatenate3A_579, [1, 0] : vector<128x128xf32> -> vector<128x128xf32>
    %swap3A_581 = arith.constant 0 : index
    %swap3A_582 = arith.constant 41 : index
    %swap3A_583 = arith.constant 0 : index
    %swap3A_584 = arith.constant 0 : index
    %swap3A_585 = vector.load %arg3[%swap3A_581, %swap3A_582, %swap3A_583, %swap3A_584] : memref<1x98x128x128xf32, #tpu.memory_space<vmem>>, vector<1x1x128x128xf32>
    %swap3A_586 = vector.shape_cast %swap3A_585 : vector<1x1x128x128xf32> to vector<128x128xf32>
    %swap3A_587 = vector.shape_cast %transpose3A_580 : vector<128x128xf32> to vector<1x1x128x128xf32>
    tpu.vector_store %arg3[%swap3A_581, %swap3A_582, %swap3A_583, %swap3A_584], %swap3A_587 {strides = array<i32>} : memref<1x98x128x128xf32, #tpu.memory_space<vmem>>, vector<1x1x128x128xf32>,
    %slice3A_588 = vector.extract_strided_slice %get3A_3 {offsets = [0, 21504], sizes = [32, 512], strides = [1, 1]} : vector<32x50176xf32> to vector<32x512xf32>
    %slice3A_589 = vector.extract_strided_slice %slice3A_588 {offsets = [0, 0], sizes = [32, 128], strides = [1, 1]} : vector<32x512xf32> to vector<32x128xf32>
    %slice3A_590 = vector.extract_strided_slice %slice3A_588 {offsets = [0, 128], sizes = [32, 128], strides = [1, 1]} : vector<32x512xf32> to vector<32x128xf32>
    %slice3A_591 = vector.extract_strided_slice %slice3A_588 {offsets = [0, 256], sizes = [32, 128], strides = [1, 1]} : vector<32x512xf32> to vector<32x128xf32>
    %slice3A_592 = vector.extract_strided_slice %slice3A_588 {offsets = [0, 384], sizes = [32, 128], strides = [1, 1]} : vector<32x512xf32> to vector<32x128xf32>
    %concatenate3A_593 = tpu.concatenate %slice3A_589, %slice3A_590, %slice3A_591, %slice3A_592 in 0 : vector<32x128xf32>, vector<32x128xf32>, vector<32x128xf32>, vector<32x128xf32> -> vector<128x128xf32>
    %transpose3A_594 = tpu.transpose %concatenate3A_593, [1, 0] : vector<128x128xf32> -> vector<128x128xf32>
    %swap3A_595 = arith.constant 0 : index
    %swap3A_596 = arith.constant 42 : index
    %swap3A_597 = arith.constant 0 : index
    %swap3A_598 = arith.constant 0 : index
    %swap3A_599 = vector.load %arg3[%swap3A_595, %swap3A_596, %swap3A_597, %swap3A_598] : memref<1x98x128x128xf32, #tpu.memory_space<vmem>>, vector<1x1x128x128xf32>
    %swap3A_600 = vector.shape_cast %swap3A_599 : vector<1x1x128x128xf32> to vector<128x128xf32>
    %swap3A_601 = vector.shape_cast %transpose3A_594 : vector<128x128xf32> to vector<1x1x128x128xf32>
    tpu.vector_store %arg3[%swap3A_595, %swap3A_596, %swap3A_597, %swap3A_598], %swap3A_601 {strides = array<i32>} : memref<1x98x128x128xf32, #tpu.memory_space<vmem>>, vector<1x1x128x128xf32>,
    %slice3A_602 = vector.extract_strided_slice %get3A_3 {offsets = [0, 22016], sizes = [32, 512], strides = [1, 1]} : vector<32x50176xf32> to vector<32x512xf32>
    %slice3A_603 = vector.extract_strided_slice %slice3A_602 {offsets = [0, 0], sizes = [32, 128], strides = [1, 1]} : vector<32x512xf32> to vector<32x128xf32>
    %slice3A_604 = vector.extract_strided_slice %slice3A_602 {offsets = [0, 128], sizes = [32, 128], strides = [1, 1]} : vector<32x512xf32> to vector<32x128xf32>
    %slice3A_605 = vector.extract_strided_slice %slice3A_602 {offsets = [0, 256], sizes = [32, 128], strides = [1, 1]} : vector<32x512xf32> to vector<32x128xf32>
    %slice3A_606 = vector.extract_strided_slice %slice3A_602 {offsets = [0, 384], sizes = [32, 128], strides = [1, 1]} : vector<32x512xf32> to vector<32x128xf32>
    %concatenate3A_607 = tpu.concatenate %slice3A_603, %slice3A_604, %slice3A_605, %slice3A_606 in 0 : vector<32x128xf32>, vector<32x128xf32>, vector<32x128xf32>, vector<32x128xf32> -> vector<128x128xf32>
    %transpose3A_608 = tpu.transpose %concatenate3A_607, [1, 0] : vector<128x128xf32> -> vector<128x128xf32>
    %swap3A_609 = arith.constant 0 : index
    %swap3A_610 = arith.constant 43 : index
    %swap3A_611 = arith.constant 0 : index
    %swap3A_612 = arith.constant 0 : index
    %swap3A_613 = vector.load %arg3[%swap3A_609, %swap3A_610, %swap3A_611, %swap3A_612] : memref<1x98x128x128xf32, #tpu.memory_space<vmem>>, vector<1x1x128x128xf32>
    %swap3A_614 = vector.shape_cast %swap3A_613 : vector<1x1x128x128xf32> to vector<128x128xf32>
    %swap3A_615 = vector.shape_cast %transpose3A_608 : vector<128x128xf32> to vector<1x1x128x128xf32>
    tpu.vector_store %arg3[%swap3A_609, %swap3A_610, %swap3A_611, %swap3A_612], %swap3A_615 {strides = array<i32>} : memref<1x98x128x128xf32, #tpu.memory_space<vmem>>, vector<1x1x128x128xf32>,
    %slice3A_616 = vector.extract_strided_slice %get3A_3 {offsets = [0, 22528], sizes = [32, 512], strides = [1, 1]} : vector<32x50176xf32> to vector<32x512xf32>
    %slice3A_617 = vector.extract_strided_slice %slice3A_616 {offsets = [0, 0], sizes = [32, 128], strides = [1, 1]} : vector<32x512xf32> to vector<32x128xf32>
    %slice3A_618 = vector.extract_strided_slice %slice3A_616 {offsets = [0, 128], sizes = [32, 128], strides = [1, 1]} : vector<32x512xf32> to vector<32x128xf32>
    %slice3A_619 = vector.extract_strided_slice %slice3A_616 {offsets = [0, 256], sizes = [32, 128], strides = [1, 1]} : vector<32x512xf32> to vector<32x128xf32>
    %slice3A_620 = vector.extract_strided_slice %slice3A_616 {offsets = [0, 384], sizes = [32, 128], strides = [1, 1]} : vector<32x512xf32> to vector<32x128xf32>
    %concatenate3A_621 = tpu.concatenate %slice3A_617, %slice3A_618, %slice3A_619, %slice3A_620 in 0 : vector<32x128xf32>, vector<32x128xf32>, vector<32x128xf32>, vector<32x128xf32> -> vector<128x128xf32>
    %transpose3A_622 = tpu.transpose %concatenate3A_621, [1, 0] : vector<128x128xf32> -> vector<128x128xf32>
    %swap3A_623 = arith.constant 0 : index
    %swap3A_624 = arith.constant 44 : index
    %swap3A_625 = arith.constant 0 : index
    %swap3A_626 = arith.constant 0 : index
    %swap3A_627 = vector.load %arg3[%swap3A_623, %swap3A_624, %swap3A_625, %swap3A_626] : memref<1x98x128x128xf32, #tpu.memory_space<vmem>>, vector<1x1x128x128xf32>
    %swap3A_628 = vector.shape_cast %swap3A_627 : vector<1x1x128x128xf32> to vector<128x128xf32>
    %swap3A_629 = vector.shape_cast %transpose3A_622 : vector<128x128xf32> to vector<1x1x128x128xf32>
    tpu.vector_store %arg3[%swap3A_623, %swap3A_624, %swap3A_625, %swap3A_626], %swap3A_629 {strides = array<i32>} : memref<1x98x128x128xf32, #tpu.memory_space<vmem>>, vector<1x1x128x128xf32>,
    %slice3A_630 = vector.extract_strided_slice %get3A_3 {offsets = [0, 23040], sizes = [32, 512], strides = [1, 1]} : vector<32x50176xf32> to vector<32x512xf32>
    %slice3A_631 = vector.extract_strided_slice %slice3A_630 {offsets = [0, 0], sizes = [32, 128], strides = [1, 1]} : vector<32x512xf32> to vector<32x128xf32>
    %slice3A_632 = vector.extract_strided_slice %slice3A_630 {offsets = [0, 128], sizes = [32, 128], strides = [1, 1]} : vector<32x512xf32> to vector<32x128xf32>
    %slice3A_633 = vector.extract_strided_slice %slice3A_630 {offsets = [0, 256], sizes = [32, 128], strides = [1, 1]} : vector<32x512xf32> to vector<32x128xf32>
    %slice3A_634 = vector.extract_strided_slice %slice3A_630 {offsets = [0, 384], sizes = [32, 128], strides = [1, 1]} : vector<32x512xf32> to vector<32x128xf32>
    %concatenate3A_635 = tpu.concatenate %slice3A_631, %slice3A_632, %slice3A_633, %slice3A_634 in 0 : vector<32x128xf32>, vector<32x128xf32>, vector<32x128xf32>, vector<32x128xf32> -> vector<128x128xf32>
    %transpose3A_636 = tpu.transpose %concatenate3A_635, [1, 0] : vector<128x128xf32> -> vector<128x128xf32>
    %swap3A_637 = arith.constant 0 : index
    %swap3A_638 = arith.constant 45 : index
    %swap3A_639 = arith.constant 0 : index
    %swap3A_640 = arith.constant 0 : index
    %swap3A_641 = vector.load %arg3[%swap3A_637, %swap3A_638, %swap3A_639, %swap3A_640] : memref<1x98x128x128xf32, #tpu.memory_space<vmem>>, vector<1x1x128x128xf32>
    %swap3A_642 = vector.shape_cast %swap3A_641 : vector<1x1x128x128xf32> to vector<128x128xf32>
    %swap3A_643 = vector.shape_cast %transpose3A_636 : vector<128x128xf32> to vector<1x1x128x128xf32>
    tpu.vector_store %arg3[%swap3A_637, %swap3A_638, %swap3A_639, %swap3A_640], %swap3A_643 {strides = array<i32>} : memref<1x98x128x128xf32, #tpu.memory_space<vmem>>, vector<1x1x128x128xf32>,
    %slice3A_644 = vector.extract_strided_slice %get3A_3 {offsets = [0, 23552], sizes = [32, 512], strides = [1, 1]} : vector<32x50176xf32> to vector<32x512xf32>
    %slice3A_645 = vector.extract_strided_slice %slice3A_644 {offsets = [0, 0], sizes = [32, 128], strides = [1, 1]} : vector<32x512xf32> to vector<32x128xf32>
    %slice3A_646 = vector.extract_strided_slice %slice3A_644 {offsets = [0, 128], sizes = [32, 128], strides = [1, 1]} : vector<32x512xf32> to vector<32x128xf32>
    %slice3A_647 = vector.extract_strided_slice %slice3A_644 {offsets = [0, 256], sizes = [32, 128], strides = [1, 1]} : vector<32x512xf32> to vector<32x128xf32>
    %slice3A_648 = vector.extract_strided_slice %slice3A_644 {offsets = [0, 384], sizes = [32, 128], strides = [1, 1]} : vector<32x512xf32> to vector<32x128xf32>
    %concatenate3A_649 = tpu.concatenate %slice3A_645, %slice3A_646, %slice3A_647, %slice3A_648 in 0 : vector<32x128xf32>, vector<32x128xf32>, vector<32x128xf32>, vector<32x128xf32> -> vector<128x128xf32>
    %transpose3A_650 = tpu.transpose %concatenate3A_649, [1, 0] : vector<128x128xf32> -> vector<128x128xf32>
    %swap3A_651 = arith.constant 0 : index
    %swap3A_652 = arith.constant 46 : index
    %swap3A_653 = arith.constant 0 : index
    %swap3A_654 = arith.constant 0 : index
    %swap3A_655 = vector.load %arg3[%swap3A_651, %swap3A_652, %swap3A_653, %swap3A_654] : memref<1x98x128x128xf32, #tpu.memory_space<vmem>>, vector<1x1x128x128xf32>
    %swap3A_656 = vector.shape_cast %swap3A_655 : vector<1x1x128x128xf32> to vector<128x128xf32>
    %swap3A_657 = vector.shape_cast %transpose3A_650 : vector<128x128xf32> to vector<1x1x128x128xf32>
    tpu.vector_store %arg3[%swap3A_651, %swap3A_652, %swap3A_653, %swap3A_654], %swap3A_657 {strides = array<i32>} : memref<1x98x128x128xf32, #tpu.memory_space<vmem>>, vector<1x1x128x128xf32>,
    %slice3A_658 = vector.extract_strided_slice %get3A_3 {offsets = [0, 24064], sizes = [32, 512], strides = [1, 1]} : vector<32x50176xf32> to vector<32x512xf32>
    %slice3A_659 = vector.extract_strided_slice %slice3A_658 {offsets = [0, 0], sizes = [32, 128], strides = [1, 1]} : vector<32x512xf32> to vector<32x128xf32>
    %slice3A_660 = vector.extract_strided_slice %slice3A_658 {offsets = [0, 128], sizes = [32, 128], strides = [1, 1]} : vector<32x512xf32> to vector<32x128xf32>
    %slice3A_661 = vector.extract_strided_slice %slice3A_658 {offsets = [0, 256], sizes = [32, 128], strides = [1, 1]} : vector<32x512xf32> to vector<32x128xf32>
    %slice3A_662 = vector.extract_strided_slice %slice3A_658 {offsets = [0, 384], sizes = [32, 128], strides = [1, 1]} : vector<32x512xf32> to vector<32x128xf32>
    %concatenate3A_663 = tpu.concatenate %slice3A_659, %slice3A_660, %slice3A_661, %slice3A_662 in 0 : vector<32x128xf32>, vector<32x128xf32>, vector<32x128xf32>, vector<32x128xf32> -> vector<128x128xf32>
    %transpose3A_664 = tpu.transpose %concatenate3A_663, [1, 0] : vector<128x128xf32> -> vector<128x128xf32>
    %swap3A_665 = arith.constant 0 : index
    %swap3A_666 = arith.constant 47 : index
    %swap3A_667 = arith.constant 0 : index
    %swap3A_668 = arith.constant 0 : index
    %swap3A_669 = vector.load %arg3[%swap3A_665, %swap3A_666, %swap3A_667, %swap3A_668] : memref<1x98x128x128xf32, #tpu.memory_space<vmem>>, vector<1x1x128x128xf32>
    %swap3A_670 = vector.shape_cast %swap3A_669 : vector<1x1x128x128xf32> to vector<128x128xf32>
    %swap3A_671 = vector.shape_cast %transpose3A_664 : vector<128x128xf32> to vector<1x1x128x128xf32>
    tpu.vector_store %arg3[%swap3A_665, %swap3A_666, %swap3A_667, %swap3A_668], %swap3A_671 {strides = array<i32>} : memref<1x98x128x128xf32, #tpu.memory_space<vmem>>, vector<1x1x128x128xf32>,
    %slice3A_672 = vector.extract_strided_slice %get3A_3 {offsets = [0, 24576], sizes = [32, 512], strides = [1, 1]} : vector<32x50176xf32> to vector<32x512xf32>
    %slice3A_673 = vector.extract_strided_slice %slice3A_672 {offsets = [0, 0], sizes = [32, 128], strides = [1, 1]} : vector<32x512xf32> to vector<32x128xf32>
    %slice3A_674 = vector.extract_strided_slice %slice3A_672 {offsets = [0, 128], sizes = [32, 128], strides = [1, 1]} : vector<32x512xf32> to vector<32x128xf32>
    %slice3A_675 = vector.extract_strided_slice %slice3A_672 {offsets = [0, 256], sizes = [32, 128], strides = [1, 1]} : vector<32x512xf32> to vector<32x128xf32>
    %slice3A_676 = vector.extract_strided_slice %slice3A_672 {offsets = [0, 384], sizes = [32, 128], strides = [1, 1]} : vector<32x512xf32> to vector<32x128xf32>
    %concatenate3A_677 = tpu.concatenate %slice3A_673, %slice3A_674, %slice3A_675, %slice3A_676 in 0 : vector<32x128xf32>, vector<32x128xf32>, vector<32x128xf32>, vector<32x128xf32> -> vector<128x128xf32>
    %transpose3A_678 = tpu.transpose %concatenate3A_677, [1, 0] : vector<128x128xf32> -> vector<128x128xf32>
    %swap3A_679 = arith.constant 0 : index
    %swap3A_680 = arith.constant 48 : index
    %swap3A_681 = arith.constant 0 : index
    %swap3A_682 = arith.constant 0 : index
    %swap3A_683 = vector.load %arg3[%swap3A_679, %swap3A_680, %swap3A_681, %swap3A_682] : memref<1x98x128x128xf32, #tpu.memory_space<vmem>>, vector<1x1x128x128xf32>
    %swap3A_684 = vector.shape_cast %swap3A_683 : vector<1x1x128x128xf32> to vector<128x128xf32>
    %swap3A_685 = vector.shape_cast %transpose3A_678 : vector<128x128xf32> to vector<1x1x128x128xf32>
    tpu.vector_store %arg3[%swap3A_679, %swap3A_680, %swap3A_681, %swap3A_682], %swap3A_685 {strides = array<i32>} : memref<1x98x128x128xf32, #tpu.memory_space<vmem>>, vector<1x1x128x128xf32>,
    %slice3A_686 = vector.extract_strided_slice %get3A_3 {offsets = [0, 25088], sizes = [32, 512], strides = [1, 1]} : vector<32x50176xf32> to vector<32x512xf32>
    %slice3A_687 = vector.extract_strided_slice %slice3A_686 {offsets = [0, 0], sizes = [32, 128], strides = [1, 1]} : vector<32x512xf32> to vector<32x128xf32>
    %slice3A_688 = vector.extract_strided_slice %slice3A_686 {offsets = [0, 128], sizes = [32, 128], strides = [1, 1]} : vector<32x512xf32> to vector<32x128xf32>
    %slice3A_689 = vector.extract_strided_slice %slice3A_686 {offsets = [0, 256], sizes = [32, 128], strides = [1, 1]} : vector<32x512xf32> to vector<32x128xf32>
    %slice3A_690 = vector.extract_strided_slice %slice3A_686 {offsets = [0, 384], sizes = [32, 128], strides = [1, 1]} : vector<32x512xf32> to vector<32x128xf32>
    %concatenate3A_691 = tpu.concatenate %slice3A_687, %slice3A_688, %slice3A_689, %slice3A_690 in 0 : vector<32x128xf32>, vector<32x128xf32>, vector<32x128xf32>, vector<32x128xf32> -> vector<128x128xf32>
    %transpose3A_692 = tpu.transpose %concatenate3A_691, [1, 0] : vector<128x128xf32> -> vector<128x128xf32>
    %swap3A_693 = arith.constant 0 : index
    %swap3A_694 = arith.constant 49 : index
    %swap3A_695 = arith.constant 0 : index
    %swap3A_696 = arith.constant 0 : index
    %swap3A_697 = vector.load %arg3[%swap3A_693, %swap3A_694, %swap3A_695, %swap3A_696] : memref<1x98x128x128xf32, #tpu.memory_space<vmem>>, vector<1x1x128x128xf32>
    %swap3A_698 = vector.shape_cast %swap3A_697 : vector<1x1x128x128xf32> to vector<128x128xf32>
    %swap3A_699 = vector.shape_cast %transpose3A_692 : vector<128x128xf32> to vector<1x1x128x128xf32>
    tpu.vector_store %arg3[%swap3A_693, %swap3A_694, %swap3A_695, %swap3A_696], %swap3A_699 {strides = array<i32>} : memref<1x98x128x128xf32, #tpu.memory_space<vmem>>, vector<1x1x128x128xf32>,
    %slice3A_700 = vector.extract_strided_slice %get3A_3 {offsets = [0, 25600], sizes = [32, 512], strides = [1, 1]} : vector<32x50176xf32> to vector<32x512xf32>
    %slice3A_701 = vector.extract_strided_slice %slice3A_700 {offsets = [0, 0], sizes = [32, 128], strides = [1, 1]} : vector<32x512xf32> to vector<32x128xf32>
    %slice3A_702 = vector.extract_strided_slice %slice3A_700 {offsets = [0, 128], sizes = [32, 128], strides = [1, 1]} : vector<32x512xf32> to vector<32x128xf32>
    %slice3A_703 = vector.extract_strided_slice %slice3A_700 {offsets = [0, 256], sizes = [32, 128], strides = [1, 1]} : vector<32x512xf32> to vector<32x128xf32>
    %slice3A_704 = vector.extract_strided_slice %slice3A_700 {offsets = [0, 384], sizes = [32, 128], strides = [1, 1]} : vector<32x512xf32> to vector<32x128xf32>
    %concatenate3A_705 = tpu.concatenate %slice3A_701, %slice3A_702, %slice3A_703, %slice3A_704 in 0 : vector<32x128xf32>, vector<32x128xf32>, vector<32x128xf32>, vector<32x128xf32> -> vector<128x128xf32>
    %transpose3A_706 = tpu.transpose %concatenate3A_705, [1, 0] : vector<128x128xf32> -> vector<128x128xf32>
    %swap3A_707 = arith.constant 0 : index
    %swap3A_708 = arith.constant 50 : index
    %swap3A_709 = arith.constant 0 : index
    %swap3A_710 = arith.constant 0 : index
    %swap3A_711 = vector.load %arg3[%swap3A_707, %swap3A_708, %swap3A_709, %swap3A_710] : memref<1x98x128x128xf32, #tpu.memory_space<vmem>>, vector<1x1x128x128xf32>
    %swap3A_712 = vector.shape_cast %swap3A_711 : vector<1x1x128x128xf32> to vector<128x128xf32>
    %swap3A_713 = vector.shape_cast %transpose3A_706 : vector<128x128xf32> to vector<1x1x128x128xf32>
    tpu.vector_store %arg3[%swap3A_707, %swap3A_708, %swap3A_709, %swap3A_710], %swap3A_713 {strides = array<i32>} : memref<1x98x128x128xf32, #tpu.memory_space<vmem>>, vector<1x1x128x128xf32>,
    %slice3A_714 = vector.extract_strided_slice %get3A_3 {offsets = [0, 26112], sizes = [32, 512], strides = [1, 1]} : vector<32x50176xf32> to vector<32x512xf32>
    %slice3A_715 = vector.extract_strided_slice %slice3A_714 {offsets = [0, 0], sizes = [32, 128], strides = [1, 1]} : vector<32x512xf32> to vector<32x128xf32>
    %slice3A_716 = vector.extract_strided_slice %slice3A_714 {offsets = [0, 128], sizes = [32, 128], strides = [1, 1]} : vector<32x512xf32> to vector<32x128xf32>
    %slice3A_717 = vector.extract_strided_slice %slice3A_714 {offsets = [0, 256], sizes = [32, 128], strides = [1, 1]} : vector<32x512xf32> to vector<32x128xf32>
    %slice3A_718 = vector.extract_strided_slice %slice3A_714 {offsets = [0, 384], sizes = [32, 128], strides = [1, 1]} : vector<32x512xf32> to vector<32x128xf32>
    %concatenate3A_719 = tpu.concatenate %slice3A_715, %slice3A_716, %slice3A_717, %slice3A_718 in 0 : vector<32x128xf32>, vector<32x128xf32>, vector<32x128xf32>, vector<32x128xf32> -> vector<128x128xf32>
    %transpose3A_720 = tpu.transpose %concatenate3A_719, [1, 0] : vector<128x128xf32> -> vector<128x128xf32>
    %swap3A_721 = arith.constant 0 : index
    %swap3A_722 = arith.constant 51 : index
    %swap3A_723 = arith.constant 0 : index
    %swap3A_724 = arith.constant 0 : index
    %swap3A_725 = vector.load %arg3[%swap3A_721, %swap3A_722, %swap3A_723, %swap3A_724] : memref<1x98x128x128xf32, #tpu.memory_space<vmem>>, vector<1x1x128x128xf32>
    %swap3A_726 = vector.shape_cast %swap3A_725 : vector<1x1x128x128xf32> to vector<128x128xf32>
    %swap3A_727 = vector.shape_cast %transpose3A_720 : vector<128x128xf32> to vector<1x1x128x128xf32>
    tpu.vector_store %arg3[%swap3A_721, %swap3A_722, %swap3A_723, %swap3A_724], %swap3A_727 {strides = array<i32>} : memref<1x98x128x128xf32, #tpu.memory_space<vmem>>, vector<1x1x128x128xf32>,
    %slice3A_728 = vector.extract_strided_slice %get3A_3 {offsets = [0, 26624], sizes = [32, 512], strides = [1, 1]} : vector<32x50176xf32> to vector<32x512xf32>
    %slice3A_729 = vector.extract_strided_slice %slice3A_728 {offsets = [0, 0], sizes = [32, 128], strides = [1, 1]} : vector<32x512xf32> to vector<32x128xf32>
    %slice3A_730 = vector.extract_strided_slice %slice3A_728 {offsets = [0, 128], sizes = [32, 128], strides = [1, 1]} : vector<32x512xf32> to vector<32x128xf32>
    %slice3A_731 = vector.extract_strided_slice %slice3A_728 {offsets = [0, 256], sizes = [32, 128], strides = [1, 1]} : vector<32x512xf32> to vector<32x128xf32>
    %slice3A_732 = vector.extract_strided_slice %slice3A_728 {offsets = [0, 384], sizes = [32, 128], strides = [1, 1]} : vector<32x512xf32> to vector<32x128xf32>
    %concatenate3A_733 = tpu.concatenate %slice3A_729, %slice3A_730, %slice3A_731, %slice3A_732 in 0 : vector<32x128xf32>, vector<32x128xf32>, vector<32x128xf32>, vector<32x128xf32> -> vector<128x128xf32>
    %transpose3A_734 = tpu.transpose %concatenate3A_733, [1, 0] : vector<128x128xf32> -> vector<128x128xf32>
    %swap3A_735 = arith.constant 0 : index
    %swap3A_736 = arith.constant 52 : index
    %swap3A_737 = arith.constant 0 : index
    %swap3A_738 = arith.constant 0 : index
    %swap3A_739 = vector.load %arg3[%swap3A_735, %swap3A_736, %swap3A_737, %swap3A_738] : memref<1x98x128x128xf32, #tpu.memory_space<vmem>>, vector<1x1x128x128xf32>
    %swap3A_740 = vector.shape_cast %swap3A_739 : vector<1x1x128x128xf32> to vector<128x128xf32>
    %swap3A_741 = vector.shape_cast %transpose3A_734 : vector<128x128xf32> to vector<1x1x128x128xf32>
    tpu.vector_store %arg3[%swap3A_735, %swap3A_736, %swap3A_737, %swap3A_738], %swap3A_741 {strides = array<i32>} : memref<1x98x128x128xf32, #tpu.memory_space<vmem>>, vector<1x1x128x128xf32>,
    %slice3A_742 = vector.extract_strided_slice %get3A_3 {offsets = [0, 27136], sizes = [32, 512], strides = [1, 1]} : vector<32x50176xf32> to vector<32x512xf32>
    %slice3A_743 = vector.extract_strided_slice %slice3A_742 {offsets = [0, 0], sizes = [32, 128], strides = [1, 1]} : vector<32x512xf32> to vector<32x128xf32>
    %slice3A_744 = vector.extract_strided_slice %slice3A_742 {offsets = [0, 128], sizes = [32, 128], strides = [1, 1]} : vector<32x512xf32> to vector<32x128xf32>
    %slice3A_745 = vector.extract_strided_slice %slice3A_742 {offsets = [0, 256], sizes = [32, 128], strides = [1, 1]} : vector<32x512xf32> to vector<32x128xf32>
    %slice3A_746 = vector.extract_strided_slice %slice3A_742 {offsets = [0, 384], sizes = [32, 128], strides = [1, 1]} : vector<32x512xf32> to vector<32x128xf32>
    %concatenate3A_747 = tpu.concatenate %slice3A_743, %slice3A_744, %slice3A_745, %slice3A_746 in 0 : vector<32x128xf32>, vector<32x128xf32>, vector<32x128xf32>, vector<32x128xf32> -> vector<128x128xf32>
    %transpose3A_748 = tpu.transpose %concatenate3A_747, [1, 0] : vector<128x128xf32> -> vector<128x128xf32>
    %swap3A_749 = arith.constant 0 : index
    %swap3A_750 = arith.constant 53 : index
    %swap3A_751 = arith.constant 0 : index
    %swap3A_752 = arith.constant 0 : index
    %swap3A_753 = vector.load %arg3[%swap3A_749, %swap3A_750, %swap3A_751, %swap3A_752] : memref<1x98x128x128xf32, #tpu.memory_space<vmem>>, vector<1x1x128x128xf32>
    %swap3A_754 = vector.shape_cast %swap3A_753 : vector<1x1x128x128xf32> to vector<128x128xf32>
    %swap3A_755 = vector.shape_cast %transpose3A_748 : vector<128x128xf32> to vector<1x1x128x128xf32>
    tpu.vector_store %arg3[%swap3A_749, %swap3A_750, %swap3A_751, %swap3A_752], %swap3A_755 {strides = array<i32>} : memref<1x98x128x128xf32, #tpu.memory_space<vmem>>, vector<1x1x128x128xf32>,
    %slice3A_756 = vector.extract_strided_slice %get3A_3 {offsets = [0, 27648], sizes = [32, 512], strides = [1, 1]} : vector<32x50176xf32> to vector<32x512xf32>
    %slice3A_757 = vector.extract_strided_slice %slice3A_756 {offsets = [0, 0], sizes = [32, 128], strides = [1, 1]} : vector<32x512xf32> to vector<32x128xf32>
    %slice3A_758 = vector.extract_strided_slice %slice3A_756 {offsets = [0, 128], sizes = [32, 128], strides = [1, 1]} : vector<32x512xf32> to vector<32x128xf32>
    %slice3A_759 = vector.extract_strided_slice %slice3A_756 {offsets = [0, 256], sizes = [32, 128], strides = [1, 1]} : vector<32x512xf32> to vector<32x128xf32>
    %slice3A_760 = vector.extract_strided_slice %slice3A_756 {offsets = [0, 384], sizes = [32, 128], strides = [1, 1]} : vector<32x512xf32> to vector<32x128xf32>
    %concatenate3A_761 = tpu.concatenate %slice3A_757, %slice3A_758, %slice3A_759, %slice3A_760 in 0 : vector<32x128xf32>, vector<32x128xf32>, vector<32x128xf32>, vector<32x128xf32> -> vector<128x128xf32>
    %transpose3A_762 = tpu.transpose %concatenate3A_761, [1, 0] : vector<128x128xf32> -> vector<128x128xf32>
    %swap3A_763 = arith.constant 0 : index
    %swap3A_764 = arith.constant 54 : index
    %swap3A_765 = arith.constant 0 : index
    %swap3A_766 = arith.constant 0 : index
    %swap3A_767 = vector.load %arg3[%swap3A_763, %swap3A_764, %swap3A_765, %swap3A_766] : memref<1x98x128x128xf32, #tpu.memory_space<vmem>>, vector<1x1x128x128xf32>
    %swap3A_768 = vector.shape_cast %swap3A_767 : vector<1x1x128x128xf32> to vector<128x128xf32>
    %swap3A_769 = vector.shape_cast %transpose3A_762 : vector<128x128xf32> to vector<1x1x128x128xf32>
    tpu.vector_store %arg3[%swap3A_763, %swap3A_764, %swap3A_765, %swap3A_766], %swap3A_769 {strides = array<i32>} : memref<1x98x128x128xf32, #tpu.memory_space<vmem>>, vector<1x1x128x128xf32>,
    %slice3A_770 = vector.extract_strided_slice %get3A_3 {offsets = [0, 28160], sizes = [32, 512], strides = [1, 1]} : vector<32x50176xf32> to vector<32x512xf32>
    %slice3A_771 = vector.extract_strided_slice %slice3A_770 {offsets = [0, 0], sizes = [32, 128], strides = [1, 1]} : vector<32x512xf32> to vector<32x128xf32>
    %slice3A_772 = vector.extract_strided_slice %slice3A_770 {offsets = [0, 128], sizes = [32, 128], strides = [1, 1]} : vector<32x512xf32> to vector<32x128xf32>
    %slice3A_773 = vector.extract_strided_slice %slice3A_770 {offsets = [0, 256], sizes = [32, 128], strides = [1, 1]} : vector<32x512xf32> to vector<32x128xf32>
    %slice3A_774 = vector.extract_strided_slice %slice3A_770 {offsets = [0, 384], sizes = [32, 128], strides = [1, 1]} : vector<32x512xf32> to vector<32x128xf32>
    %concatenate3A_775 = tpu.concatenate %slice3A_771, %slice3A_772, %slice3A_773, %slice3A_774 in 0 : vector<32x128xf32>, vector<32x128xf32>, vector<32x128xf32>, vector<32x128xf32> -> vector<128x128xf32>
    %transpose3A_776 = tpu.transpose %concatenate3A_775, [1, 0] : vector<128x128xf32> -> vector<128x128xf32>
    %swap3A_777 = arith.constant 0 : index
    %swap3A_778 = arith.constant 55 : index
    %swap3A_779 = arith.constant 0 : index
    %swap3A_780 = arith.constant 0 : index
    %swap3A_781 = vector.load %arg3[%swap3A_777, %swap3A_778, %swap3A_779, %swap3A_780] : memref<1x98x128x128xf32, #tpu.memory_space<vmem>>, vector<1x1x128x128xf32>
    %swap3A_782 = vector.shape_cast %swap3A_781 : vector<1x1x128x128xf32> to vector<128x128xf32>
    %swap3A_783 = vector.shape_cast %transpose3A_776 : vector<128x128xf32> to vector<1x1x128x128xf32>
    tpu.vector_store %arg3[%swap3A_777, %swap3A_778, %swap3A_779, %swap3A_780], %swap3A_783 {strides = array<i32>} : memref<1x98x128x128xf32, #tpu.memory_space<vmem>>, vector<1x1x128x128xf32>,
    %slice3A_784 = vector.extract_strided_slice %get3A_3 {offsets = [0, 28672], sizes = [32, 512], strides = [1, 1]} : vector<32x50176xf32> to vector<32x512xf32>
    %slice3A_785 = vector.extract_strided_slice %slice3A_784 {offsets = [0, 0], sizes = [32, 128], strides = [1, 1]} : vector<32x512xf32> to vector<32x128xf32>
    %slice3A_786 = vector.extract_strided_slice %slice3A_784 {offsets = [0, 128], sizes = [32, 128], strides = [1, 1]} : vector<32x512xf32> to vector<32x128xf32>
    %slice3A_787 = vector.extract_strided_slice %slice3A_784 {offsets = [0, 256], sizes = [32, 128], strides = [1, 1]} : vector<32x512xf32> to vector<32x128xf32>
    %slice3A_788 = vector.extract_strided_slice %slice3A_784 {offsets = [0, 384], sizes = [32, 128], strides = [1, 1]} : vector<32x512xf32> to vector<32x128xf32>
    %concatenate3A_789 = tpu.concatenate %slice3A_785, %slice3A_786, %slice3A_787, %slice3A_788 in 0 : vector<32x128xf32>, vector<32x128xf32>, vector<32x128xf32>, vector<32x128xf32> -> vector<128x128xf32>
    %transpose3A_790 = tpu.transpose %concatenate3A_789, [1, 0] : vector<128x128xf32> -> vector<128x128xf32>
    %swap3A_791 = arith.constant 0 : index
    %swap3A_792 = arith.constant 56 : index
    %swap3A_793 = arith.constant 0 : index
    %swap3A_794 = arith.constant 0 : index
    %swap3A_795 = vector.load %arg3[%swap3A_791, %swap3A_792, %swap3A_793, %swap3A_794] : memref<1x98x128x128xf32, #tpu.memory_space<vmem>>, vector<1x1x128x128xf32>
    %swap3A_796 = vector.shape_cast %swap3A_795 : vector<1x1x128x128xf32> to vector<128x128xf32>
    %swap3A_797 = vector.shape_cast %transpose3A_790 : vector<128x128xf32> to vector<1x1x128x128xf32>
    tpu.vector_store %arg3[%swap3A_791, %swap3A_792, %swap3A_793, %swap3A_794], %swap3A_797 {strides = array<i32>} : memref<1x98x128x128xf32, #tpu.memory_space<vmem>>, vector<1x1x128x128xf32>,
    %slice3A_798 = vector.extract_strided_slice %get3A_3 {offsets = [0, 29184], sizes = [32, 512], strides = [1, 1]} : vector<32x50176xf32> to vector<32x512xf32>
    %slice3A_799 = vector.extract_strided_slice %slice3A_798 {offsets = [0, 0], sizes = [32, 128], strides = [1, 1]} : vector<32x512xf32> to vector<32x128xf32>
    %slice3A_800 = vector.extract_strided_slice %slice3A_798 {offsets = [0, 128], sizes = [32, 128], strides = [1, 1]} : vector<32x512xf32> to vector<32x128xf32>
    %slice3A_801 = vector.extract_strided_slice %slice3A_798 {offsets = [0, 256], sizes = [32, 128], strides = [1, 1]} : vector<32x512xf32> to vector<32x128xf32>
    %slice3A_802 = vector.extract_strided_slice %slice3A_798 {offsets = [0, 384], sizes = [32, 128], strides = [1, 1]} : vector<32x512xf32> to vector<32x128xf32>
    %concatenate3A_803 = tpu.concatenate %slice3A_799, %slice3A_800, %slice3A_801, %slice3A_802 in 0 : vector<32x128xf32>, vector<32x128xf32>, vector<32x128xf32>, vector<32x128xf32> -> vector<128x128xf32>
    %transpose3A_804 = tpu.transpose %concatenate3A_803, [1, 0] : vector<128x128xf32> -> vector<128x128xf32>
    %swap3A_805 = arith.constant 0 : index
    %swap3A_806 = arith.constant 57 : index
    %swap3A_807 = arith.constant 0 : index
    %swap3A_808 = arith.constant 0 : index
    %swap3A_809 = vector.load %arg3[%swap3A_805, %swap3A_806, %swap3A_807, %swap3A_808] : memref<1x98x128x128xf32, #tpu.memory_space<vmem>>, vector<1x1x128x128xf32>
    %swap3A_810 = vector.shape_cast %swap3A_809 : vector<1x1x128x128xf32> to vector<128x128xf32>
    %swap3A_811 = vector.shape_cast %transpose3A_804 : vector<128x128xf32> to vector<1x1x128x128xf32>
    tpu.vector_store %arg3[%swap3A_805, %swap3A_806, %swap3A_807, %swap3A_808], %swap3A_811 {strides = array<i32>} : memref<1x98x128x128xf32, #tpu.memory_space<vmem>>, vector<1x1x128x128xf32>,
    %slice3A_812 = vector.extract_strided_slice %get3A_3 {offsets = [0, 29696], sizes = [32, 512], strides = [1, 1]} : vector<32x50176xf32> to vector<32x512xf32>
    %slice3A_813 = vector.extract_strided_slice %slice3A_812 {offsets = [0, 0], sizes = [32, 128], strides = [1, 1]} : vector<32x512xf32> to vector<32x128xf32>
    %slice3A_814 = vector.extract_strided_slice %slice3A_812 {offsets = [0, 128], sizes = [32, 128], strides = [1, 1]} : vector<32x512xf32> to vector<32x128xf32>
    %slice3A_815 = vector.extract_strided_slice %slice3A_812 {offsets = [0, 256], sizes = [32, 128], strides = [1, 1]} : vector<32x512xf32> to vector<32x128xf32>
    %slice3A_816 = vector.extract_strided_slice %slice3A_812 {offsets = [0, 384], sizes = [32, 128], strides = [1, 1]} : vector<32x512xf32> to vector<32x128xf32>
    %concatenate3A_817 = tpu.concatenate %slice3A_813, %slice3A_814, %slice3A_815, %slice3A_816 in 0 : vector<32x128xf32>, vector<32x128xf32>, vector<32x128xf32>, vector<32x128xf32> -> vector<128x128xf32>
    %transpose3A_818 = tpu.transpose %concatenate3A_817, [1, 0] : vector<128x128xf32> -> vector<128x128xf32>
    %swap3A_819 = arith.constant 0 : index
    %swap3A_820 = arith.constant 58 : index
    %swap3A_821 = arith.constant 0 : index
    %swap3A_822 = arith.constant 0 : index
    %swap3A_823 = vector.load %arg3[%swap3A_819, %swap3A_820, %swap3A_821, %swap3A_822] : memref<1x98x128x128xf32, #tpu.memory_space<vmem>>, vector<1x1x128x128xf32>
    %swap3A_824 = vector.shape_cast %swap3A_823 : vector<1x1x128x128xf32> to vector<128x128xf32>
    %swap3A_825 = vector.shape_cast %transpose3A_818 : vector<128x128xf32> to vector<1x1x128x128xf32>
    tpu.vector_store %arg3[%swap3A_819, %swap3A_820, %swap3A_821, %swap3A_822], %swap3A_825 {strides = array<i32>} : memref<1x98x128x128xf32, #tpu.memory_space<vmem>>, vector<1x1x128x128xf32>,
    %slice3A_826 = vector.extract_strided_slice %get3A_3 {offsets = [0, 30208], sizes = [32, 512], strides = [1, 1]} : vector<32x50176xf32> to vector<32x512xf32>
    %slice3A_827 = vector.extract_strided_slice %slice3A_826 {offsets = [0, 0], sizes = [32, 128], strides = [1, 1]} : vector<32x512xf32> to vector<32x128xf32>
    %slice3A_828 = vector.extract_strided_slice %slice3A_826 {offsets = [0, 128], sizes = [32, 128], strides = [1, 1]} : vector<32x512xf32> to vector<32x128xf32>
    %slice3A_829 = vector.extract_strided_slice %slice3A_826 {offsets = [0, 256], sizes = [32, 128], strides = [1, 1]} : vector<32x512xf32> to vector<32x128xf32>
    %slice3A_830 = vector.extract_strided_slice %slice3A_826 {offsets = [0, 384], sizes = [32, 128], strides = [1, 1]} : vector<32x512xf32> to vector<32x128xf32>
    %concatenate3A_831 = tpu.concatenate %slice3A_827, %slice3A_828, %slice3A_829, %slice3A_830 in 0 : vector<32x128xf32>, vector<32x128xf32>, vector<32x128xf32>, vector<32x128xf32> -> vector<128x128xf32>
    %transpose3A_832 = tpu.transpose %concatenate3A_831, [1, 0] : vector<128x128xf32> -> vector<128x128xf32>
    %swap3A_833 = arith.constant 0 : index
    %swap3A_834 = arith.constant 59 : index
    %swap3A_835 = arith.constant 0 : index
    %swap3A_836 = arith.constant 0 : index
    %swap3A_837 = vector.load %arg3[%swap3A_833, %swap3A_834, %swap3A_835, %swap3A_836] : memref<1x98x128x128xf32, #tpu.memory_space<vmem>>, vector<1x1x128x128xf32>
    %swap3A_838 = vector.shape_cast %swap3A_837 : vector<1x1x128x128xf32> to vector<128x128xf32>
    %swap3A_839 = vector.shape_cast %transpose3A_832 : vector<128x128xf32> to vector<1x1x128x128xf32>
    tpu.vector_store %arg3[%swap3A_833, %swap3A_834, %swap3A_835, %swap3A_836], %swap3A_839 {strides = array<i32>} : memref<1x98x128x128xf32, #tpu.memory_space<vmem>>, vector<1x1x128x128xf32>,
    %slice3A_840 = vector.extract_strided_slice %get3A_3 {offsets = [0, 30720], sizes = [32, 512], strides = [1, 1]} : vector<32x50176xf32> to vector<32x512xf32>
    %slice3A_841 = vector.extract_strided_slice %slice3A_840 {offsets = [0, 0], sizes = [32, 128], strides = [1, 1]} : vector<32x512xf32> to vector<32x128xf32>
    %slice3A_842 = vector.extract_strided_slice %slice3A_840 {offsets = [0, 128], sizes = [32, 128], strides = [1, 1]} : vector<32x512xf32> to vector<32x128xf32>
    %slice3A_843 = vector.extract_strided_slice %slice3A_840 {offsets = [0, 256], sizes = [32, 128], strides = [1, 1]} : vector<32x512xf32> to vector<32x128xf32>
    %slice3A_844 = vector.extract_strided_slice %slice3A_840 {offsets = [0, 384], sizes = [32, 128], strides = [1, 1]} : vector<32x512xf32> to vector<32x128xf32>
    %concatenate3A_845 = tpu.concatenate %slice3A_841, %slice3A_842, %slice3A_843, %slice3A_844 in 0 : vector<32x128xf32>, vector<32x128xf32>, vector<32x128xf32>, vector<32x128xf32> -> vector<128x128xf32>
    %transpose3A_846 = tpu.transpose %concatenate3A_845, [1, 0] : vector<128x128xf32> -> vector<128x128xf32>
    %swap3A_847 = arith.constant 0 : index
    %swap3A_848 = arith.constant 60 : index
    %swap3A_849 = arith.constant 0 : index
    %swap3A_850 = arith.constant 0 : index
    %swap3A_851 = vector.load %arg3[%swap3A_847, %swap3A_848, %swap3A_849, %swap3A_850] : memref<1x98x128x128xf32, #tpu.memory_space<vmem>>, vector<1x1x128x128xf32>
    %swap3A_852 = vector.shape_cast %swap3A_851 : vector<1x1x128x128xf32> to vector<128x128xf32>
    %swap3A_853 = vector.shape_cast %transpose3A_846 : vector<128x128xf32> to vector<1x1x128x128xf32>
    tpu.vector_store %arg3[%swap3A_847, %swap3A_848, %swap3A_849, %swap3A_850], %swap3A_853 {strides = array<i32>} : memref<1x98x128x128xf32, #tpu.memory_space<vmem>>, vector<1x1x128x128xf32>,
    %slice3A_854 = vector.extract_strided_slice %get3A_3 {offsets = [0, 31232], sizes = [32, 512], strides = [1, 1]} : vector<32x50176xf32> to vector<32x512xf32>
    %slice3A_855 = vector.extract_strided_slice %slice3A_854 {offsets = [0, 0], sizes = [32, 128], strides = [1, 1]} : vector<32x512xf32> to vector<32x128xf32>
    %slice3A_856 = vector.extract_strided_slice %slice3A_854 {offsets = [0, 128], sizes = [32, 128], strides = [1, 1]} : vector<32x512xf32> to vector<32x128xf32>
    %slice3A_857 = vector.extract_strided_slice %slice3A_854 {offsets = [0, 256], sizes = [32, 128], strides = [1, 1]} : vector<32x512xf32> to vector<32x128xf32>
    %slice3A_858 = vector.extract_strided_slice %slice3A_854 {offsets = [0, 384], sizes = [32, 128], strides = [1, 1]} : vector<32x512xf32> to vector<32x128xf32>
    %concatenate3A_859 = tpu.concatenate %slice3A_855, %slice3A_856, %slice3A_857, %slice3A_858 in 0 : vector<32x128xf32>, vector<32x128xf32>, vector<32x128xf32>, vector<32x128xf32> -> vector<128x128xf32>
    %transpose3A_860 = tpu.transpose %concatenate3A_859, [1, 0] : vector<128x128xf32> -> vector<128x128xf32>
    %swap3A_861 = arith.constant 0 : index
    %swap3A_862 = arith.constant 61 : index
    %swap3A_863 = arith.constant 0 : index
    %swap3A_864 = arith.constant 0 : index
    %swap3A_865 = vector.load %arg3[%swap3A_861, %swap3A_862, %swap3A_863, %swap3A_864] : memref<1x98x128x128xf32, #tpu.memory_space<vmem>>, vector<1x1x128x128xf32>
    %swap3A_866 = vector.shape_cast %swap3A_865 : vector<1x1x128x128xf32> to vector<128x128xf32>
    %swap3A_867 = vector.shape_cast %transpose3A_860 : vector<128x128xf32> to vector<1x1x128x128xf32>
    tpu.vector_store %arg3[%swap3A_861, %swap3A_862, %swap3A_863, %swap3A_864], %swap3A_867 {strides = array<i32>} : memref<1x98x128x128xf32, #tpu.memory_space<vmem>>, vector<1x1x128x128xf32>,
    %slice3A_868 = vector.extract_strided_slice %get3A_3 {offsets = [0, 31744], sizes = [32, 512], strides = [1, 1]} : vector<32x50176xf32> to vector<32x512xf32>
    %slice3A_869 = vector.extract_strided_slice %slice3A_868 {offsets = [0, 0], sizes = [32, 128], strides = [1, 1]} : vector<32x512xf32> to vector<32x128xf32>
    %slice3A_870 = vector.extract_strided_slice %slice3A_868 {offsets = [0, 128], sizes = [32, 128], strides = [1, 1]} : vector<32x512xf32> to vector<32x128xf32>
    %slice3A_871 = vector.extract_strided_slice %slice3A_868 {offsets = [0, 256], sizes = [32, 128], strides = [1, 1]} : vector<32x512xf32> to vector<32x128xf32>
    %slice3A_872 = vector.extract_strided_slice %slice3A_868 {offsets = [0, 384], sizes = [32, 128], strides = [1, 1]} : vector<32x512xf32> to vector<32x128xf32>
    %concatenate3A_873 = tpu.concatenate %slice3A_869, %slice3A_870, %slice3A_871, %slice3A_872 in 0 : vector<32x128xf32>, vector<32x128xf32>, vector<32x128xf32>, vector<32x128xf32> -> vector<128x128xf32>
    %transpose3A_874 = tpu.transpose %concatenate3A_873, [1, 0] : vector<128x128xf32> -> vector<128x128xf32>
    %swap3A_875 = arith.constant 0 : index
    %swap3A_876 = arith.constant 62 : index
    %swap3A_877 = arith.constant 0 : index
    %swap3A_878 = arith.constant 0 : index
    %swap3A_879 = vector.load %arg3[%swap3A_875, %swap3A_876, %swap3A_877, %swap3A_878] : memref<1x98x128x128xf32, #tpu.memory_space<vmem>>, vector<1x1x128x128xf32>
    %swap3A_880 = vector.shape_cast %swap3A_879 : vector<1x1x128x128xf32> to vector<128x128xf32>
    %swap3A_881 = vector.shape_cast %transpose3A_874 : vector<128x128xf32> to vector<1x1x128x128xf32>
    tpu.vector_store %arg3[%swap3A_875, %swap3A_876, %swap3A_877, %swap3A_878], %swap3A_881 {strides = array<i32>} : memref<1x98x128x128xf32, #tpu.memory_space<vmem>>, vector<1x1x128x128xf32>,
    %slice3A_882 = vector.extract_strided_slice %get3A_3 {offsets = [0, 32256], sizes = [32, 512], strides = [1, 1]} : vector<32x50176xf32> to vector<32x512xf32>
    %slice3A_883 = vector.extract_strided_slice %slice3A_882 {offsets = [0, 0], sizes = [32, 128], strides = [1, 1]} : vector<32x512xf32> to vector<32x128xf32>
    %slice3A_884 = vector.extract_strided_slice %slice3A_882 {offsets = [0, 128], sizes = [32, 128], strides = [1, 1]} : vector<32x512xf32> to vector<32x128xf32>
    %slice3A_885 = vector.extract_strided_slice %slice3A_882 {offsets = [0, 256], sizes = [32, 128], strides = [1, 1]} : vector<32x512xf32> to vector<32x128xf32>
    %slice3A_886 = vector.extract_strided_slice %slice3A_882 {offsets = [0, 384], sizes = [32, 128], strides = [1, 1]} : vector<32x512xf32> to vector<32x128xf32>
    %concatenate3A_887 = tpu.concatenate %slice3A_883, %slice3A_884, %slice3A_885, %slice3A_886 in 0 : vector<32x128xf32>, vector<32x128xf32>, vector<32x128xf32>, vector<32x128xf32> -> vector<128x128xf32>
    %transpose3A_888 = tpu.transpose %concatenate3A_887, [1, 0] : vector<128x128xf32> -> vector<128x128xf32>
    %swap3A_889 = arith.constant 0 : index
    %swap3A_890 = arith.constant 63 : index
    %swap3A_891 = arith.constant 0 : index
    %swap3A_892 = arith.constant 0 : index
    %swap3A_893 = vector.load %arg3[%swap3A_889, %swap3A_890, %swap3A_891, %swap3A_892] : memref<1x98x128x128xf32, #tpu.memory_space<vmem>>, vector<1x1x128x128xf32>
    %swap3A_894 = vector.shape_cast %swap3A_893 : vector<1x1x128x128xf32> to vector<128x128xf32>
    %swap3A_895 = vector.shape_cast %transpose3A_888 : vector<128x128xf32> to vector<1x1x128x128xf32>
    tpu.vector_store %arg3[%swap3A_889, %swap3A_890, %swap3A_891, %swap3A_892], %swap3A_895 {strides = array<i32>} : memref<1x98x128x128xf32, #tpu.memory_space<vmem>>, vector<1x1x128x128xf32>,
    %slice3A_896 = vector.extract_strided_slice %get3A_3 {offsets = [0, 32768], sizes = [32, 512], strides = [1, 1]} : vector<32x50176xf32> to vector<32x512xf32>
    %slice3A_897 = vector.extract_strided_slice %slice3A_896 {offsets = [0, 0], sizes = [32, 128], strides = [1, 1]} : vector<32x512xf32> to vector<32x128xf32>
    %slice3A_898 = vector.extract_strided_slice %slice3A_896 {offsets = [0, 128], sizes = [32, 128], strides = [1, 1]} : vector<32x512xf32> to vector<32x128xf32>
    %slice3A_899 = vector.extract_strided_slice %slice3A_896 {offsets = [0, 256], sizes = [32, 128], strides = [1, 1]} : vector<32x512xf32> to vector<32x128xf32>
    %slice3A_900 = vector.extract_strided_slice %slice3A_896 {offsets = [0, 384], sizes = [32, 128], strides = [1, 1]} : vector<32x512xf32> to vector<32x128xf32>
    %concatenate3A_901 = tpu.concatenate %slice3A_897, %slice3A_898, %slice3A_899, %slice3A_900 in 0 : vector<32x128xf32>, vector<32x128xf32>, vector<32x128xf32>, vector<32x128xf32> -> vector<128x128xf32>
    %transpose3A_902 = tpu.transpose %concatenate3A_901, [1, 0] : vector<128x128xf32> -> vector<128x128xf32>
    %swap3A_903 = arith.constant 0 : index
    %swap3A_904 = arith.constant 64 : index
    %swap3A_905 = arith.constant 0 : index
    %swap3A_906 = arith.constant 0 : index
    %swap3A_907 = vector.load %arg3[%swap3A_903, %swap3A_904, %swap3A_905, %swap3A_906] : memref<1x98x128x128xf32, #tpu.memory_space<vmem>>, vector<1x1x128x128xf32>
    %swap3A_908 = vector.shape_cast %swap3A_907 : vector<1x1x128x128xf32> to vector<128x128xf32>
    %swap3A_909 = vector.shape_cast %transpose3A_902 : vector<128x128xf32> to vector<1x1x128x128xf32>
    tpu.vector_store %arg3[%swap3A_903, %swap3A_904, %swap3A_905, %swap3A_906], %swap3A_909 {strides = array<i32>} : memref<1x98x128x128xf32, #tpu.memory_space<vmem>>, vector<1x1x128x128xf32>,
    %slice3A_910 = vector.extract_strided_slice %get3A_3 {offsets = [0, 33280], sizes = [32, 512], strides = [1, 1]} : vector<32x50176xf32> to vector<32x512xf32>
    %slice3A_911 = vector.extract_strided_slice %slice3A_910 {offsets = [0, 0], sizes = [32, 128], strides = [1, 1]} : vector<32x512xf32> to vector<32x128xf32>
    %slice3A_912 = vector.extract_strided_slice %slice3A_910 {offsets = [0, 128], sizes = [32, 128], strides = [1, 1]} : vector<32x512xf32> to vector<32x128xf32>
    %slice3A_913 = vector.extract_strided_slice %slice3A_910 {offsets = [0, 256], sizes = [32, 128], strides = [1, 1]} : vector<32x512xf32> to vector<32x128xf32>
    %slice3A_914 = vector.extract_strided_slice %slice3A_910 {offsets = [0, 384], sizes = [32, 128], strides = [1, 1]} : vector<32x512xf32> to vector<32x128xf32>
    %concatenate3A_915 = tpu.concatenate %slice3A_911, %slice3A_912, %slice3A_913, %slice3A_914 in 0 : vector<32x128xf32>, vector<32x128xf32>, vector<32x128xf32>, vector<32x128xf32> -> vector<128x128xf32>
    %transpose3A_916 = tpu.transpose %concatenate3A_915, [1, 0] : vector<128x128xf32> -> vector<128x128xf32>
    %swap3A_917 = arith.constant 0 : index
    %swap3A_918 = arith.constant 65 : index
    %swap3A_919 = arith.constant 0 : index
    %swap3A_920 = arith.constant 0 : index
    %swap3A_921 = vector.load %arg3[%swap3A_917, %swap3A_918, %swap3A_919, %swap3A_920] : memref<1x98x128x128xf32, #tpu.memory_space<vmem>>, vector<1x1x128x128xf32>
    %swap3A_922 = vector.shape_cast %swap3A_921 : vector<1x1x128x128xf32> to vector<128x128xf32>
    %swap3A_923 = vector.shape_cast %transpose3A_916 : vector<128x128xf32> to vector<1x1x128x128xf32>
    tpu.vector_store %arg3[%swap3A_917, %swap3A_918, %swap3A_919, %swap3A_920], %swap3A_923 {strides = array<i32>} : memref<1x98x128x128xf32, #tpu.memory_space<vmem>>, vector<1x1x128x128xf32>,
    %slice3A_924 = vector.extract_strided_slice %get3A_3 {offsets = [0, 33792], sizes = [32, 512], strides = [1, 1]} : vector<32x50176xf32> to vector<32x512xf32>
    %slice3A_925 = vector.extract_strided_slice %slice3A_924 {offsets = [0, 0], sizes = [32, 128], strides = [1, 1]} : vector<32x512xf32> to vector<32x128xf32>
    %slice3A_926 = vector.extract_strided_slice %slice3A_924 {offsets = [0, 128], sizes = [32, 128], strides = [1, 1]} : vector<32x512xf32> to vector<32x128xf32>
    %slice3A_927 = vector.extract_strided_slice %slice3A_924 {offsets = [0, 256], sizes = [32, 128], strides = [1, 1]} : vector<32x512xf32> to vector<32x128xf32>
    %slice3A_928 = vector.extract_strided_slice %slice3A_924 {offsets = [0, 384], sizes = [32, 128], strides = [1, 1]} : vector<32x512xf32> to vector<32x128xf32>
    %concatenate3A_929 = tpu.concatenate %slice3A_925, %slice3A_926, %slice3A_927, %slice3A_928 in 0 : vector<32x128xf32>, vector<32x128xf32>, vector<32x128xf32>, vector<32x128xf32> -> vector<128x128xf32>
    %transpose3A_930 = tpu.transpose %concatenate3A_929, [1, 0] : vector<128x128xf32> -> vector<128x128xf32>
    %swap3A_931 = arith.constant 0 : index
    %swap3A_932 = arith.constant 66 : index
    %swap3A_933 = arith.constant 0 : index
    %swap3A_934 = arith.constant 0 : index
    %swap3A_935 = vector.load %arg3[%swap3A_931, %swap3A_932, %swap3A_933, %swap3A_934] : memref<1x98x128x128xf32, #tpu.memory_space<vmem>>, vector<1x1x128x128xf32>
    %swap3A_936 = vector.shape_cast %swap3A_935 : vector<1x1x128x128xf32> to vector<128x128xf32>
    %swap3A_937 = vector.shape_cast %transpose3A_930 : vector<128x128xf32> to vector<1x1x128x128xf32>
    tpu.vector_store %arg3[%swap3A_931, %swap3A_932, %swap3A_933, %swap3A_934], %swap3A_937 {strides = array<i32>} : memref<1x98x128x128xf32, #tpu.memory_space<vmem>>, vector<1x1x128x128xf32>,
    %slice3A_938 = vector.extract_strided_slice %get3A_3 {offsets = [0, 34304], sizes = [32, 512], strides = [1, 1]} : vector<32x50176xf32> to vector<32x512xf32>
    %slice3A_939 = vector.extract_strided_slice %slice3A_938 {offsets = [0, 0], sizes = [32, 128], strides = [1, 1]} : vector<32x512xf32> to vector<32x128xf32>
    %slice3A_940 = vector.extract_strided_slice %slice3A_938 {offsets = [0, 128], sizes = [32, 128], strides = [1, 1]} : vector<32x512xf32> to vector<32x128xf32>
    %slice3A_941 = vector.extract_strided_slice %slice3A_938 {offsets = [0, 256], sizes = [32, 128], strides = [1, 1]} : vector<32x512xf32> to vector<32x128xf32>
    %slice3A_942 = vector.extract_strided_slice %slice3A_938 {offsets = [0, 384], sizes = [32, 128], strides = [1, 1]} : vector<32x512xf32> to vector<32x128xf32>
    %concatenate3A_943 = tpu.concatenate %slice3A_939, %slice3A_940, %slice3A_941, %slice3A_942 in 0 : vector<32x128xf32>, vector<32x128xf32>, vector<32x128xf32>, vector<32x128xf32> -> vector<128x128xf32>
    %transpose3A_944 = tpu.transpose %concatenate3A_943, [1, 0] : vector<128x128xf32> -> vector<128x128xf32>
    %swap3A_945 = arith.constant 0 : index
    %swap3A_946 = arith.constant 67 : index
    %swap3A_947 = arith.constant 0 : index
    %swap3A_948 = arith.constant 0 : index
    %swap3A_949 = vector.load %arg3[%swap3A_945, %swap3A_946, %swap3A_947, %swap3A_948] : memref<1x98x128x128xf32, #tpu.memory_space<vmem>>, vector<1x1x128x128xf32>
    %swap3A_950 = vector.shape_cast %swap3A_949 : vector<1x1x128x128xf32> to vector<128x128xf32>
    %swap3A_951 = vector.shape_cast %transpose3A_944 : vector<128x128xf32> to vector<1x1x128x128xf32>
    tpu.vector_store %arg3[%swap3A_945, %swap3A_946, %swap3A_947, %swap3A_948], %swap3A_951 {strides = array<i32>} : memref<1x98x128x128xf32, #tpu.memory_space<vmem>>, vector<1x1x128x128xf32>,
    %slice3A_952 = vector.extract_strided_slice %get3A_3 {offsets = [0, 34816], sizes = [32, 512], strides = [1, 1]} : vector<32x50176xf32> to vector<32x512xf32>
    %slice3A_953 = vector.extract_strided_slice %slice3A_952 {offsets = [0, 0], sizes = [32, 128], strides = [1, 1]} : vector<32x512xf32> to vector<32x128xf32>
    %slice3A_954 = vector.extract_strided_slice %slice3A_952 {offsets = [0, 128], sizes = [32, 128], strides = [1, 1]} : vector<32x512xf32> to vector<32x128xf32>
    %slice3A_955 = vector.extract_strided_slice %slice3A_952 {offsets = [0, 256], sizes = [32, 128], strides = [1, 1]} : vector<32x512xf32> to vector<32x128xf32>
    %slice3A_956 = vector.extract_strided_slice %slice3A_952 {offsets = [0, 384], sizes = [32, 128], strides = [1, 1]} : vector<32x512xf32> to vector<32x128xf32>
    %concatenate3A_957 = tpu.concatenate %slice3A_953, %slice3A_954, %slice3A_955, %slice3A_956 in 0 : vector<32x128xf32>, vector<32x128xf32>, vector<32x128xf32>, vector<32x128xf32> -> vector<128x128xf32>
    %transpose3A_958 = tpu.transpose %concatenate3A_957, [1, 0] : vector<128x128xf32> -> vector<128x128xf32>
    %swap3A_959 = arith.constant 0 : index
    %swap3A_960 = arith.constant 68 : index
    %swap3A_961 = arith.constant 0 : index
    %swap3A_962 = arith.constant 0 : index
    %swap3A_963 = vector.load %arg3[%swap3A_959, %swap3A_960, %swap3A_961, %swap3A_962] : memref<1x98x128x128xf32, #tpu.memory_space<vmem>>, vector<1x1x128x128xf32>
    %swap3A_964 = vector.shape_cast %swap3A_963 : vector<1x1x128x128xf32> to vector<128x128xf32>
    %swap3A_965 = vector.shape_cast %transpose3A_958 : vector<128x128xf32> to vector<1x1x128x128xf32>
    tpu.vector_store %arg3[%swap3A_959, %swap3A_960, %swap3A_961, %swap3A_962], %swap3A_965 {strides = array<i32>} : memref<1x98x128x128xf32, #tpu.memory_space<vmem>>, vector<1x1x128x128xf32>,
    %slice3A_966 = vector.extract_strided_slice %get3A_3 {offsets = [0, 35328], sizes = [32, 512], strides = [1, 1]} : vector<32x50176xf32> to vector<32x512xf32>
    %slice3A_967 = vector.extract_strided_slice %slice3A_966 {offsets = [0, 0], sizes = [32, 128], strides = [1, 1]} : vector<32x512xf32> to vector<32x128xf32>
    %slice3A_968 = vector.extract_strided_slice %slice3A_966 {offsets = [0, 128], sizes = [32, 128], strides = [1, 1]} : vector<32x512xf32> to vector<32x128xf32>
    %slice3A_969 = vector.extract_strided_slice %slice3A_966 {offsets = [0, 256], sizes = [32, 128], strides = [1, 1]} : vector<32x512xf32> to vector<32x128xf32>
    %slice3A_970 = vector.extract_strided_slice %slice3A_966 {offsets = [0, 384], sizes = [32, 128], strides = [1, 1]} : vector<32x512xf32> to vector<32x128xf32>
    %concatenate3A_971 = tpu.concatenate %slice3A_967, %slice3A_968, %slice3A_969, %slice3A_970 in 0 : vector<32x128xf32>, vector<32x128xf32>, vector<32x128xf32>, vector<32x128xf32> -> vector<128x128xf32>
    %transpose3A_972 = tpu.transpose %concatenate3A_971, [1, 0] : vector<128x128xf32> -> vector<128x128xf32>
    %swap3A_973 = arith.constant 0 : index
    %swap3A_974 = arith.constant 69 : index
    %swap3A_975 = arith.constant 0 : index
    %swap3A_976 = arith.constant 0 : index
    %swap3A_977 = vector.load %arg3[%swap3A_973, %swap3A_974, %swap3A_975, %swap3A_976] : memref<1x98x128x128xf32, #tpu.memory_space<vmem>>, vector<1x1x128x128xf32>
    %swap3A_978 = vector.shape_cast %swap3A_977 : vector<1x1x128x128xf32> to vector<128x128xf32>
    %swap3A_979 = vector.shape_cast %transpose3A_972 : vector<128x128xf32> to vector<1x1x128x128xf32>
    tpu.vector_store %arg3[%swap3A_973, %swap3A_974, %swap3A_975, %swap3A_976], %swap3A_979 {strides = array<i32>} : memref<1x98x128x128xf32, #tpu.memory_space<vmem>>, vector<1x1x128x128xf32>,
    %slice3A_980 = vector.extract_strided_slice %get3A_3 {offsets = [0, 35840], sizes = [32, 512], strides = [1, 1]} : vector<32x50176xf32> to vector<32x512xf32>
    %slice3A_981 = vector.extract_strided_slice %slice3A_980 {offsets = [0, 0], sizes = [32, 128], strides = [1, 1]} : vector<32x512xf32> to vector<32x128xf32>
    %slice3A_982 = vector.extract_strided_slice %slice3A_980 {offsets = [0, 128], sizes = [32, 128], strides = [1, 1]} : vector<32x512xf32> to vector<32x128xf32>
    %slice3A_983 = vector.extract_strided_slice %slice3A_980 {offsets = [0, 256], sizes = [32, 128], strides = [1, 1]} : vector<32x512xf32> to vector<32x128xf32>
    %slice3A_984 = vector.extract_strided_slice %slice3A_980 {offsets = [0, 384], sizes = [32, 128], strides = [1, 1]} : vector<32x512xf32> to vector<32x128xf32>
    %concatenate3A_985 = tpu.concatenate %slice3A_981, %slice3A_982, %slice3A_983, %slice3A_984 in 0 : vector<32x128xf32>, vector<32x128xf32>, vector<32x128xf32>, vector<32x128xf32> -> vector<128x128xf32>
    %transpose3A_986 = tpu.transpose %concatenate3A_985, [1, 0] : vector<128x128xf32> -> vector<128x128xf32>
    %swap3A_987 = arith.constant 0 : index
    %swap3A_988 = arith.constant 70 : index
    %swap3A_989 = arith.constant 0 : index
    %swap3A_990 = arith.constant 0 : index
    %swap3A_991 = vector.load %arg3[%swap3A_987, %swap3A_988, %swap3A_989, %swap3A_990] : memref<1x98x128x128xf32, #tpu.memory_space<vmem>>, vector<1x1x128x128xf32>
    %swap3A_992 = vector.shape_cast %swap3A_991 : vector<1x1x128x128xf32> to vector<128x128xf32>
    %swap3A_993 = vector.shape_cast %transpose3A_986 : vector<128x128xf32> to vector<1x1x128x128xf32>
    tpu.vector_store %arg3[%swap3A_987, %swap3A_988, %swap3A_989, %swap3A_990], %swap3A_993 {strides = array<i32>} : memref<1x98x128x128xf32, #tpu.memory_space<vmem>>, vector<1x1x128x128xf32>,
    %slice3A_994 = vector.extract_strided_slice %get3A_3 {offsets = [0, 36352], sizes = [32, 512], strides = [1, 1]} : vector<32x50176xf32> to vector<32x512xf32>
    %slice3A_995 = vector.extract_strided_slice %slice3A_994 {offsets = [0, 0], sizes = [32, 128], strides = [1, 1]} : vector<32x512xf32> to vector<32x128xf32>
    %slice3A_996 = vector.extract_strided_slice %slice3A_994 {offsets = [0, 128], sizes = [32, 128], strides = [1, 1]} : vector<32x512xf32> to vector<32x128xf32>
    %slice3A_997 = vector.extract_strided_slice %slice3A_994 {offsets = [0, 256], sizes = [32, 128], strides = [1, 1]} : vector<32x512xf32> to vector<32x128xf32>
    %slice3A_998 = vector.extract_strided_slice %slice3A_994 {offsets = [0, 384], sizes = [32, 128], strides = [1, 1]} : vector<32x512xf32> to vector<32x128xf32>
    %concatenate3A_999 = tpu.concatenate %slice3A_995, %slice3A_996, %slice3A_997, %slice3A_998 in 0 : vector<32x128xf32>, vector<32x128xf32>, vector<32x128xf32>, vector<32x128xf32> -> vector<128x128xf32>
    %transpose3A_1000 = tpu.transpose %concatenate3A_999, [1, 0] : vector<128x128xf32> -> vector<128x128xf32>
    %swap3A_1001 = arith.constant 0 : index
    %swap3A_1002 = arith.constant 71 : index
    %swap3A_1003 = arith.constant 0 : index
    %swap3A_1004 = arith.constant 0 : index
    %swap3A_1005 = vector.load %arg3[%swap3A_1001, %swap3A_1002, %swap3A_1003, %swap3A_1004] : memref<1x98x128x128xf32, #tpu.memory_space<vmem>>, vector<1x1x128x128xf32>
    %swap3A_1006 = vector.shape_cast %swap3A_1005 : vector<1x1x128x128xf32> to vector<128x128xf32>
    %swap3A_1007 = vector.shape_cast %transpose3A_1000 : vector<128x128xf32> to vector<1x1x128x128xf32>
    tpu.vector_store %arg3[%swap3A_1001, %swap3A_1002, %swap3A_1003, %swap3A_1004], %swap3A_1007 {strides = array<i32>} : memref<1x98x128x128xf32, #tpu.memory_space<vmem>>, vector<1x1x128x128xf32>,
    %slice3A_1008 = vector.extract_strided_slice %get3A_3 {offsets = [0, 36864], sizes = [32, 512], strides = [1, 1]} : vector<32x50176xf32> to vector<32x512xf32>
    %slice3A_1009 = vector.extract_strided_slice %slice3A_1008 {offsets = [0, 0], sizes = [32, 128], strides = [1, 1]} : vector<32x512xf32> to vector<32x128xf32>
    %slice3A_1010 = vector.extract_strided_slice %slice3A_1008 {offsets = [0, 128], sizes = [32, 128], strides = [1, 1]} : vector<32x512xf32> to vector<32x128xf32>
    %slice3A_1011 = vector.extract_strided_slice %slice3A_1008 {offsets = [0, 256], sizes = [32, 128], strides = [1, 1]} : vector<32x512xf32> to vector<32x128xf32>
    %slice3A_1012 = vector.extract_strided_slice %slice3A_1008 {offsets = [0, 384], sizes = [32, 128], strides = [1, 1]} : vector<32x512xf32> to vector<32x128xf32>
    %concatenate3A_1013 = tpu.concatenate %slice3A_1009, %slice3A_1010, %slice3A_1011, %slice3A_1012 in 0 : vector<32x128xf32>, vector<32x128xf32>, vector<32x128xf32>, vector<32x128xf32> -> vector<128x128xf32>
    %transpose3A_1014 = tpu.transpose %concatenate3A_1013, [1, 0] : vector<128x128xf32> -> vector<128x128xf32>
    %swap3A_1015 = arith.constant 0 : index
    %swap3A_1016 = arith.constant 72 : index
    %swap3A_1017 = arith.constant 0 : index
    %swap3A_1018 = arith.constant 0 : index
    %swap3A_1019 = vector.load %arg3[%swap3A_1015, %swap3A_1016, %swap3A_1017, %swap3A_1018] : memref<1x98x128x128xf32, #tpu.memory_space<vmem>>, vector<1x1x128x128xf32>
    %swap3A_1020 = vector.shape_cast %swap3A_1019 : vector<1x1x128x128xf32> to vector<128x128xf32>
    %swap3A_1021 = vector.shape_cast %transpose3A_1014 : vector<128x128xf32> to vector<1x1x128x128xf32>
    tpu.vector_store %arg3[%swap3A_1015, %swap3A_1016, %swap3A_1017, %swap3A_1018], %swap3A_1021 {strides = array<i32>} : memref<1x98x128x128xf32, #tpu.memory_space<vmem>>, vector<1x1x128x128xf32>,
    %slice3A_1022 = vector.extract_strided_slice %get3A_3 {offsets = [0, 37376], sizes = [32, 512], strides = [1, 1]} : vector<32x50176xf32> to vector<32x512xf32>
    %slice3A_1023 = vector.extract_strided_slice %slice3A_1022 {offsets = [0, 0], sizes = [32, 128], strides = [1, 1]} : vector<32x512xf32> to vector<32x128xf32>
    %slice3A_1024 = vector.extract_strided_slice %slice3A_1022 {offsets = [0, 128], sizes = [32, 128], strides = [1, 1]} : vector<32x512xf32> to vector<32x128xf32>
    %slice3A_1025 = vector.extract_strided_slice %slice3A_1022 {offsets = [0, 256], sizes = [32, 128], strides = [1, 1]} : vector<32x512xf32> to vector<32x128xf32>
    %slice3A_1026 = vector.extract_strided_slice %slice3A_1022 {offsets = [0, 384], sizes = [32, 128], strides = [1, 1]} : vector<32x512xf32> to vector<32x128xf32>
    %concatenate3A_1027 = tpu.concatenate %slice3A_1023, %slice3A_1024, %slice3A_1025, %slice3A_1026 in 0 : vector<32x128xf32>, vector<32x128xf32>, vector<32x128xf32>, vector<32x128xf32> -> vector<128x128xf32>
    %transpose3A_1028 = tpu.transpose %concatenate3A_1027, [1, 0] : vector<128x128xf32> -> vector<128x128xf32>
    %swap3A_1029 = arith.constant 0 : index
    %swap3A_1030 = arith.constant 73 : index
    %swap3A_1031 = arith.constant 0 : index
    %swap3A_1032 = arith.constant 0 : index
    %swap3A_1033 = vector.load %arg3[%swap3A_1029, %swap3A_1030, %swap3A_1031, %swap3A_1032] : memref<1x98x128x128xf32, #tpu.memory_space<vmem>>, vector<1x1x128x128xf32>
    %swap3A_1034 = vector.shape_cast %swap3A_1033 : vector<1x1x128x128xf32> to vector<128x128xf32>
    %swap3A_1035 = vector.shape_cast %transpose3A_1028 : vector<128x128xf32> to vector<1x1x128x128xf32>
    tpu.vector_store %arg3[%swap3A_1029, %swap3A_1030, %swap3A_1031, %swap3A_1032], %swap3A_1035 {strides = array<i32>} : memref<1x98x128x128xf32, #tpu.memory_space<vmem>>, vector<1x1x128x128xf32>,
    %slice3A_1036 = vector.extract_strided_slice %get3A_3 {offsets = [0, 37888], sizes = [32, 512], strides = [1, 1]} : vector<32x50176xf32> to vector<32x512xf32>
    %slice3A_1037 = vector.extract_strided_slice %slice3A_1036 {offsets = [0, 0], sizes = [32, 128], strides = [1, 1]} : vector<32x512xf32> to vector<32x128xf32>
    %slice3A_1038 = vector.extract_strided_slice %slice3A_1036 {offsets = [0, 128], sizes = [32, 128], strides = [1, 1]} : vector<32x512xf32> to vector<32x128xf32>
    %slice3A_1039 = vector.extract_strided_slice %slice3A_1036 {offsets = [0, 256], sizes = [32, 128], strides = [1, 1]} : vector<32x512xf32> to vector<32x128xf32>
    %slice3A_1040 = vector.extract_strided_slice %slice3A_1036 {offsets = [0, 384], sizes = [32, 128], strides = [1, 1]} : vector<32x512xf32> to vector<32x128xf32>
    %concatenate3A_1041 = tpu.concatenate %slice3A_1037, %slice3A_1038, %slice3A_1039, %slice3A_1040 in 0 : vector<32x128xf32>, vector<32x128xf32>, vector<32x128xf32>, vector<32x128xf32> -> vector<128x128xf32>
    %transpose3A_1042 = tpu.transpose %concatenate3A_1041, [1, 0] : vector<128x128xf32> -> vector<128x128xf32>
    %swap3A_1043 = arith.constant 0 : index
    %swap3A_1044 = arith.constant 74 : index
    %swap3A_1045 = arith.constant 0 : index
    %swap3A_1046 = arith.constant 0 : index
    %swap3A_1047 = vector.load %arg3[%swap3A_1043, %swap3A_1044, %swap3A_1045, %swap3A_1046] : memref<1x98x128x128xf32, #tpu.memory_space<vmem>>, vector<1x1x128x128xf32>
    %swap3A_1048 = vector.shape_cast %swap3A_1047 : vector<1x1x128x128xf32> to vector<128x128xf32>
    %swap3A_1049 = vector.shape_cast %transpose3A_1042 : vector<128x128xf32> to vector<1x1x128x128xf32>
    tpu.vector_store %arg3[%swap3A_1043, %swap3A_1044, %swap3A_1045, %swap3A_1046], %swap3A_1049 {strides = array<i32>} : memref<1x98x128x128xf32, #tpu.memory_space<vmem>>, vector<1x1x128x128xf32>,
    %slice3A_1050 = vector.extract_strided_slice %get3A_3 {offsets = [0, 38400], sizes = [32, 512], strides = [1, 1]} : vector<32x50176xf32> to vector<32x512xf32>
    %slice3A_1051 = vector.extract_strided_slice %slice3A_1050 {offsets = [0, 0], sizes = [32, 128], strides = [1, 1]} : vector<32x512xf32> to vector<32x128xf32>
    %slice3A_1052 = vector.extract_strided_slice %slice3A_1050 {offsets = [0, 128], sizes = [32, 128], strides = [1, 1]} : vector<32x512xf32> to vector<32x128xf32>
    %slice3A_1053 = vector.extract_strided_slice %slice3A_1050 {offsets = [0, 256], sizes = [32, 128], strides = [1, 1]} : vector<32x512xf32> to vector<32x128xf32>
    %slice3A_1054 = vector.extract_strided_slice %slice3A_1050 {offsets = [0, 384], sizes = [32, 128], strides = [1, 1]} : vector<32x512xf32> to vector<32x128xf32>
    %concatenate3A_1055 = tpu.concatenate %slice3A_1051, %slice3A_1052, %slice3A_1053, %slice3A_1054 in 0 : vector<32x128xf32>, vector<32x128xf32>, vector<32x128xf32>, vector<32x128xf32> -> vector<128x128xf32>
    %transpose3A_1056 = tpu.transpose %concatenate3A_1055, [1, 0] : vector<128x128xf32> -> vector<128x128xf32>
    %swap3A_1057 = arith.constant 0 : index
    %swap3A_1058 = arith.constant 75 : index
    %swap3A_1059 = arith.constant 0 : index
    %swap3A_1060 = arith.constant 0 : index
    %swap3A_1061 = vector.load %arg3[%swap3A_1057, %swap3A_1058, %swap3A_1059, %swap3A_1060] : memref<1x98x128x128xf32, #tpu.memory_space<vmem>>, vector<1x1x128x128xf32>
    %swap3A_1062 = vector.shape_cast %swap3A_1061 : vector<1x1x128x128xf32> to vector<128x128xf32>
    %swap3A_1063 = vector.shape_cast %transpose3A_1056 : vector<128x128xf32> to vector<1x1x128x128xf32>
    tpu.vector_store %arg3[%swap3A_1057, %swap3A_1058, %swap3A_1059, %swap3A_1060], %swap3A_1063 {strides = array<i32>} : memref<1x98x128x128xf32, #tpu.memory_space<vmem>>, vector<1x1x128x128xf32>,
    %slice3A_1064 = vector.extract_strided_slice %get3A_3 {offsets = [0, 38912], sizes = [32, 512], strides = [1, 1]} : vector<32x50176xf32> to vector<32x512xf32>
    %slice3A_1065 = vector.extract_strided_slice %slice3A_1064 {offsets = [0, 0], sizes = [32, 128], strides = [1, 1]} : vector<32x512xf32> to vector<32x128xf32>
    %slice3A_1066 = vector.extract_strided_slice %slice3A_1064 {offsets = [0, 128], sizes = [32, 128], strides = [1, 1]} : vector<32x512xf32> to vector<32x128xf32>
    %slice3A_1067 = vector.extract_strided_slice %slice3A_1064 {offsets = [0, 256], sizes = [32, 128], strides = [1, 1]} : vector<32x512xf32> to vector<32x128xf32>
    %slice3A_1068 = vector.extract_strided_slice %slice3A_1064 {offsets = [0, 384], sizes = [32, 128], strides = [1, 1]} : vector<32x512xf32> to vector<32x128xf32>
    %concatenate3A_1069 = tpu.concatenate %slice3A_1065, %slice3A_1066, %slice3A_1067, %slice3A_1068 in 0 : vector<32x128xf32>, vector<32x128xf32>, vector<32x128xf32>, vector<32x128xf32> -> vector<128x128xf32>
    %transpose3A_1070 = tpu.transpose %concatenate3A_1069, [1, 0] : vector<128x128xf32> -> vector<128x128xf32>
    %swap3A_1071 = arith.constant 0 : index
    %swap3A_1072 = arith.constant 76 : index
    %swap3A_1073 = arith.constant 0 : index
    %swap3A_1074 = arith.constant 0 : index
    %swap3A_1075 = vector.load %arg3[%swap3A_1071, %swap3A_1072, %swap3A_1073, %swap3A_1074] : memref<1x98x128x128xf32, #tpu.memory_space<vmem>>, vector<1x1x128x128xf32>
    %swap3A_1076 = vector.shape_cast %swap3A_1075 : vector<1x1x128x128xf32> to vector<128x128xf32>
    %swap3A_1077 = vector.shape_cast %transpose3A_1070 : vector<128x128xf32> to vector<1x1x128x128xf32>
    tpu.vector_store %arg3[%swap3A_1071, %swap3A_1072, %swap3A_1073, %swap3A_1074], %swap3A_1077 {strides = array<i32>} : memref<1x98x128x128xf32, #tpu.memory_space<vmem>>, vector<1x1x128x128xf32>,
    %slice3A_1078 = vector.extract_strided_slice %get3A_3 {offsets = [0, 39424], sizes = [32, 512], strides = [1, 1]} : vector<32x50176xf32> to vector<32x512xf32>
    %slice3A_1079 = vector.extract_strided_slice %slice3A_1078 {offsets = [0, 0], sizes = [32, 128], strides = [1, 1]} : vector<32x512xf32> to vector<32x128xf32>
    %slice3A_1080 = vector.extract_strided_slice %slice3A_1078 {offsets = [0, 128], sizes = [32, 128], strides = [1, 1]} : vector<32x512xf32> to vector<32x128xf32>
    %slice3A_1081 = vector.extract_strided_slice %slice3A_1078 {offsets = [0, 256], sizes = [32, 128], strides = [1, 1]} : vector<32x512xf32> to vector<32x128xf32>
    %slice3A_1082 = vector.extract_strided_slice %slice3A_1078 {offsets = [0, 384], sizes = [32, 128], strides = [1, 1]} : vector<32x512xf32> to vector<32x128xf32>
    %concatenate3A_1083 = tpu.concatenate %slice3A_1079, %slice3A_1080, %slice3A_1081, %slice3A_1082 in 0 : vector<32x128xf32>, vector<32x128xf32>, vector<32x128xf32>, vector<32x128xf32> -> vector<128x128xf32>
    %transpose3A_1084 = tpu.transpose %concatenate3A_1083, [1, 0] : vector<128x128xf32> -> vector<128x128xf32>
    %swap3A_1085 = arith.constant 0 : index
    %swap3A_1086 = arith.constant 77 : index
    %swap3A_1087 = arith.constant 0 : index
    %swap3A_1088 = arith.constant 0 : index
    %swap3A_1089 = vector.load %arg3[%swap3A_1085, %swap3A_1086, %swap3A_1087, %swap3A_1088] : memref<1x98x128x128xf32, #tpu.memory_space<vmem>>, vector<1x1x128x128xf32>
    %swap3A_1090 = vector.shape_cast %swap3A_1089 : vector<1x1x128x128xf32> to vector<128x128xf32>
    %swap3A_1091 = vector.shape_cast %transpose3A_1084 : vector<128x128xf32> to vector<1x1x128x128xf32>
    tpu.vector_store %arg3[%swap3A_1085, %swap3A_1086, %swap3A_1087, %swap3A_1088], %swap3A_1091 {strides = array<i32>} : memref<1x98x128x128xf32, #tpu.memory_space<vmem>>, vector<1x1x128x128xf32>,
    %slice3A_1092 = vector.extract_strided_slice %get3A_3 {offsets = [0, 39936], sizes = [32, 512], strides = [1, 1]} : vector<32x50176xf32> to vector<32x512xf32>
    %slice3A_1093 = vector.extract_strided_slice %slice3A_1092 {offsets = [0, 0], sizes = [32, 128], strides = [1, 1]} : vector<32x512xf32> to vector<32x128xf32>
    %slice3A_1094 = vector.extract_strided_slice %slice3A_1092 {offsets = [0, 128], sizes = [32, 128], strides = [1, 1]} : vector<32x512xf32> to vector<32x128xf32>
    %slice3A_1095 = vector.extract_strided_slice %slice3A_1092 {offsets = [0, 256], sizes = [32, 128], strides = [1, 1]} : vector<32x512xf32> to vector<32x128xf32>
    %slice3A_1096 = vector.extract_strided_slice %slice3A_1092 {offsets = [0, 384], sizes = [32, 128], strides = [1, 1]} : vector<32x512xf32> to vector<32x128xf32>
    %concatenate3A_1097 = tpu.concatenate %slice3A_1093, %slice3A_1094, %slice3A_1095, %slice3A_1096 in 0 : vector<32x128xf32>, vector<32x128xf32>, vector<32x128xf32>, vector<32x128xf32> -> vector<128x128xf32>
    %transpose3A_1098 = tpu.transpose %concatenate3A_1097, [1, 0] : vector<128x128xf32> -> vector<128x128xf32>
    %swap3A_1099 = arith.constant 0 : index
    %swap3A_1100 = arith.constant 78 : index
    %swap3A_1101 = arith.constant 0 : index
    %swap3A_1102 = arith.constant 0 : index
    %swap3A_1103 = vector.load %arg3[%swap3A_1099, %swap3A_1100, %swap3A_1101, %swap3A_1102] : memref<1x98x128x128xf32, #tpu.memory_space<vmem>>, vector<1x1x128x128xf32>
    %swap3A_1104 = vector.shape_cast %swap3A_1103 : vector<1x1x128x128xf32> to vector<128x128xf32>
    %swap3A_1105 = vector.shape_cast %transpose3A_1098 : vector<128x128xf32> to vector<1x1x128x128xf32>
    tpu.vector_store %arg3[%swap3A_1099, %swap3A_1100, %swap3A_1101, %swap3A_1102], %swap3A_1105 {strides = array<i32>} : memref<1x98x128x128xf32, #tpu.memory_space<vmem>>, vector<1x1x128x128xf32>,
    %slice3A_1106 = vector.extract_strided_slice %get3A_3 {offsets = [0, 40448], sizes = [32, 512], strides = [1, 1]} : vector<32x50176xf32> to vector<32x512xf32>
    %slice3A_1107 = vector.extract_strided_slice %slice3A_1106 {offsets = [0, 0], sizes = [32, 128], strides = [1, 1]} : vector<32x512xf32> to vector<32x128xf32>
    %slice3A_1108 = vector.extract_strided_slice %slice3A_1106 {offsets = [0, 128], sizes = [32, 128], strides = [1, 1]} : vector<32x512xf32> to vector<32x128xf32>
    %slice3A_1109 = vector.extract_strided_slice %slice3A_1106 {offsets = [0, 256], sizes = [32, 128], strides = [1, 1]} : vector<32x512xf32> to vector<32x128xf32>
    %slice3A_1110 = vector.extract_strided_slice %slice3A_1106 {offsets = [0, 384], sizes = [32, 128], strides = [1, 1]} : vector<32x512xf32> to vector<32x128xf32>
    %concatenate3A_1111 = tpu.concatenate %slice3A_1107, %slice3A_1108, %slice3A_1109, %slice3A_1110 in 0 : vector<32x128xf32>, vector<32x128xf32>, vector<32x128xf32>, vector<32x128xf32> -> vector<128x128xf32>
    %transpose3A_1112 = tpu.transpose %concatenate3A_1111, [1, 0] : vector<128x128xf32> -> vector<128x128xf32>
    %swap3A_1113 = arith.constant 0 : index
    %swap3A_1114 = arith.constant 79 : index
    %swap3A_1115 = arith.constant 0 : index
    %swap3A_1116 = arith.constant 0 : index
    %swap3A_1117 = vector.load %arg3[%swap3A_1113, %swap3A_1114, %swap3A_1115, %swap3A_1116] : memref<1x98x128x128xf32, #tpu.memory_space<vmem>>, vector<1x1x128x128xf32>
    %swap3A_1118 = vector.shape_cast %swap3A_1117 : vector<1x1x128x128xf32> to vector<128x128xf32>
    %swap3A_1119 = vector.shape_cast %transpose3A_1112 : vector<128x128xf32> to vector<1x1x128x128xf32>
    tpu.vector_store %arg3[%swap3A_1113, %swap3A_1114, %swap3A_1115, %swap3A_1116], %swap3A_1119 {strides = array<i32>} : memref<1x98x128x128xf32, #tpu.memory_space<vmem>>, vector<1x1x128x128xf32>,
    %slice3A_1120 = vector.extract_strided_slice %get3A_3 {offsets = [0, 40960], sizes = [32, 512], strides = [1, 1]} : vector<32x50176xf32> to vector<32x512xf32>
    %slice3A_1121 = vector.extract_strided_slice %slice3A_1120 {offsets = [0, 0], sizes = [32, 128], strides = [1, 1]} : vector<32x512xf32> to vector<32x128xf32>
    %slice3A_1122 = vector.extract_strided_slice %slice3A_1120 {offsets = [0, 128], sizes = [32, 128], strides = [1, 1]} : vector<32x512xf32> to vector<32x128xf32>
    %slice3A_1123 = vector.extract_strided_slice %slice3A_1120 {offsets = [0, 256], sizes = [32, 128], strides = [1, 1]} : vector<32x512xf32> to vector<32x128xf32>
    %slice3A_1124 = vector.extract_strided_slice %slice3A_1120 {offsets = [0, 384], sizes = [32, 128], strides = [1, 1]} : vector<32x512xf32> to vector<32x128xf32>
    %concatenate3A_1125 = tpu.concatenate %slice3A_1121, %slice3A_1122, %slice3A_1123, %slice3A_1124 in 0 : vector<32x128xf32>, vector<32x128xf32>, vector<32x128xf32>, vector<32x128xf32> -> vector<128x128xf32>
    %transpose3A_1126 = tpu.transpose %concatenate3A_1125, [1, 0] : vector<128x128xf32> -> vector<128x128xf32>
    %swap3A_1127 = arith.constant 0 : index
    %swap3A_1128 = arith.constant 80 : index
    %swap3A_1129 = arith.constant 0 : index
    %swap3A_1130 = arith.constant 0 : index
    %swap3A_1131 = vector.load %arg3[%swap3A_1127, %swap3A_1128, %swap3A_1129, %swap3A_1130] : memref<1x98x128x128xf32, #tpu.memory_space<vmem>>, vector<1x1x128x128xf32>
    %swap3A_1132 = vector.shape_cast %swap3A_1131 : vector<1x1x128x128xf32> to vector<128x128xf32>
    %swap3A_1133 = vector.shape_cast %transpose3A_1126 : vector<128x128xf32> to vector<1x1x128x128xf32>
    tpu.vector_store %arg3[%swap3A_1127, %swap3A_1128, %swap3A_1129, %swap3A_1130], %swap3A_1133 {strides = array<i32>} : memref<1x98x128x128xf32, #tpu.memory_space<vmem>>, vector<1x1x128x128xf32>,
    %slice3A_1134 = vector.extract_strided_slice %get3A_3 {offsets = [0, 41472], sizes = [32, 512], strides = [1, 1]} : vector<32x50176xf32> to vector<32x512xf32>
    %slice3A_1135 = vector.extract_strided_slice %slice3A_1134 {offsets = [0, 0], sizes = [32, 128], strides = [1, 1]} : vector<32x512xf32> to vector<32x128xf32>
    %slice3A_1136 = vector.extract_strided_slice %slice3A_1134 {offsets = [0, 128], sizes = [32, 128], strides = [1, 1]} : vector<32x512xf32> to vector<32x128xf32>
    %slice3A_1137 = vector.extract_strided_slice %slice3A_1134 {offsets = [0, 256], sizes = [32, 128], strides = [1, 1]} : vector<32x512xf32> to vector<32x128xf32>
    %slice3A_1138 = vector.extract_strided_slice %slice3A_1134 {offsets = [0, 384], sizes = [32, 128], strides = [1, 1]} : vector<32x512xf32> to vector<32x128xf32>
    %concatenate3A_1139 = tpu.concatenate %slice3A_1135, %slice3A_1136, %slice3A_1137, %slice3A_1138 in 0 : vector<32x128xf32>, vector<32x128xf32>, vector<32x128xf32>, vector<32x128xf32> -> vector<128x128xf32>
    %transpose3A_1140 = tpu.transpose %concatenate3A_1139, [1, 0] : vector<128x128xf32> -> vector<128x128xf32>
    %swap3A_1141 = arith.constant 0 : index
    %swap3A_1142 = arith.constant 81 : index
    %swap3A_1143 = arith.constant 0 : index
    %swap3A_1144 = arith.constant 0 : index
    %swap3A_1145 = vector.load %arg3[%swap3A_1141, %swap3A_1142, %swap3A_1143, %swap3A_1144] : memref<1x98x128x128xf32, #tpu.memory_space<vmem>>, vector<1x1x128x128xf32>
    %swap3A_1146 = vector.shape_cast %swap3A_1145 : vector<1x1x128x128xf32> to vector<128x128xf32>
    %swap3A_1147 = vector.shape_cast %transpose3A_1140 : vector<128x128xf32> to vector<1x1x128x128xf32>
    tpu.vector_store %arg3[%swap3A_1141, %swap3A_1142, %swap3A_1143, %swap3A_1144], %swap3A_1147 {strides = array<i32>} : memref<1x98x128x128xf32, #tpu.memory_space<vmem>>, vector<1x1x128x128xf32>,
    %slice3A_1148 = vector.extract_strided_slice %get3A_3 {offsets = [0, 41984], sizes = [32, 512], strides = [1, 1]} : vector<32x50176xf32> to vector<32x512xf32>
    %slice3A_1149 = vector.extract_strided_slice %slice3A_1148 {offsets = [0, 0], sizes = [32, 128], strides = [1, 1]} : vector<32x512xf32> to vector<32x128xf32>
    %slice3A_1150 = vector.extract_strided_slice %slice3A_1148 {offsets = [0, 128], sizes = [32, 128], strides = [1, 1]} : vector<32x512xf32> to vector<32x128xf32>
    %slice3A_1151 = vector.extract_strided_slice %slice3A_1148 {offsets = [0, 256], sizes = [32, 128], strides = [1, 1]} : vector<32x512xf32> to vector<32x128xf32>
    %slice3A_1152 = vector.extract_strided_slice %slice3A_1148 {offsets = [0, 384], sizes = [32, 128], strides = [1, 1]} : vector<32x512xf32> to vector<32x128xf32>
    %concatenate3A_1153 = tpu.concatenate %slice3A_1149, %slice3A_1150, %slice3A_1151, %slice3A_1152 in 0 : vector<32x128xf32>, vector<32x128xf32>, vector<32x128xf32>, vector<32x128xf32> -> vector<128x128xf32>
    %transpose3A_1154 = tpu.transpose %concatenate3A_1153, [1, 0] : vector<128x128xf32> -> vector<128x128xf32>
    %swap3A_1155 = arith.constant 0 : index
    %swap3A_1156 = arith.constant 82 : index
    %swap3A_1157 = arith.constant 0 : index
    %swap3A_1158 = arith.constant 0 : index
    %swap3A_1159 = vector.load %arg3[%swap3A_1155, %swap3A_1156, %swap3A_1157, %swap3A_1158] : memref<1x98x128x128xf32, #tpu.memory_space<vmem>>, vector<1x1x128x128xf32>
    %swap3A_1160 = vector.shape_cast %swap3A_1159 : vector<1x1x128x128xf32> to vector<128x128xf32>
    %swap3A_1161 = vector.shape_cast %transpose3A_1154 : vector<128x128xf32> to vector<1x1x128x128xf32>
    tpu.vector_store %arg3[%swap3A_1155, %swap3A_1156, %swap3A_1157, %swap3A_1158], %swap3A_1161 {strides = array<i32>} : memref<1x98x128x128xf32, #tpu.memory_space<vmem>>, vector<1x1x128x128xf32>,
    %slice3A_1162 = vector.extract_strided_slice %get3A_3 {offsets = [0, 42496], sizes = [32, 512], strides = [1, 1]} : vector<32x50176xf32> to vector<32x512xf32>
    %slice3A_1163 = vector.extract_strided_slice %slice3A_1162 {offsets = [0, 0], sizes = [32, 128], strides = [1, 1]} : vector<32x512xf32> to vector<32x128xf32>
    %slice3A_1164 = vector.extract_strided_slice %slice3A_1162 {offsets = [0, 128], sizes = [32, 128], strides = [1, 1]} : vector<32x512xf32> to vector<32x128xf32>
    %slice3A_1165 = vector.extract_strided_slice %slice3A_1162 {offsets = [0, 256], sizes = [32, 128], strides = [1, 1]} : vector<32x512xf32> to vector<32x128xf32>
    %slice3A_1166 = vector.extract_strided_slice %slice3A_1162 {offsets = [0, 384], sizes = [32, 128], strides = [1, 1]} : vector<32x512xf32> to vector<32x128xf32>
    %concatenate3A_1167 = tpu.concatenate %slice3A_1163, %slice3A_1164, %slice3A_1165, %slice3A_1166 in 0 : vector<32x128xf32>, vector<32x128xf32>, vector<32x128xf32>, vector<32x128xf32> -> vector<128x128xf32>
    %transpose3A_1168 = tpu.transpose %concatenate3A_1167, [1, 0] : vector<128x128xf32> -> vector<128x128xf32>
    %swap3A_1169 = arith.constant 0 : index
    %swap3A_1170 = arith.constant 83 : index
    %swap3A_1171 = arith.constant 0 : index
    %swap3A_1172 = arith.constant 0 : index
    %swap3A_1173 = vector.load %arg3[%swap3A_1169, %swap3A_1170, %swap3A_1171, %swap3A_1172] : memref<1x98x128x128xf32, #tpu.memory_space<vmem>>, vector<1x1x128x128xf32>
    %swap3A_1174 = vector.shape_cast %swap3A_1173 : vector<1x1x128x128xf32> to vector<128x128xf32>
    %swap3A_1175 = vector.shape_cast %transpose3A_1168 : vector<128x128xf32> to vector<1x1x128x128xf32>
    tpu.vector_store %arg3[%swap3A_1169, %swap3A_1170, %swap3A_1171, %swap3A_1172], %swap3A_1175 {strides = array<i32>} : memref<1x98x128x128xf32, #tpu.memory_space<vmem>>, vector<1x1x128x128xf32>,
    %slice3A_1176 = vector.extract_strided_slice %get3A_3 {offsets = [0, 43008], sizes = [32, 512], strides = [1, 1]} : vector<32x50176xf32> to vector<32x512xf32>
    %slice3A_1177 = vector.extract_strided_slice %slice3A_1176 {offsets = [0, 0], sizes = [32, 128], strides = [1, 1]} : vector<32x512xf32> to vector<32x128xf32>
    %slice3A_1178 = vector.extract_strided_slice %slice3A_1176 {offsets = [0, 128], sizes = [32, 128], strides = [1, 1]} : vector<32x512xf32> to vector<32x128xf32>
    %slice3A_1179 = vector.extract_strided_slice %slice3A_1176 {offsets = [0, 256], sizes = [32, 128], strides = [1, 1]} : vector<32x512xf32> to vector<32x128xf32>
    %slice3A_1180 = vector.extract_strided_slice %slice3A_1176 {offsets = [0, 384], sizes = [32, 128], strides = [1, 1]} : vector<32x512xf32> to vector<32x128xf32>
    %concatenate3A_1181 = tpu.concatenate %slice3A_1177, %slice3A_1178, %slice3A_1179, %slice3A_1180 in 0 : vector<32x128xf32>, vector<32x128xf32>, vector<32x128xf32>, vector<32x128xf32> -> vector<128x128xf32>
    %transpose3A_1182 = tpu.transpose %concatenate3A_1181, [1, 0] : vector<128x128xf32> -> vector<128x128xf32>
    %swap3A_1183 = arith.constant 0 : index
    %swap3A_1184 = arith.constant 84 : index
    %swap3A_1185 = arith.constant 0 : index
    %swap3A_1186 = arith.constant 0 : index
    %swap3A_1187 = vector.load %arg3[%swap3A_1183, %swap3A_1184, %swap3A_1185, %swap3A_1186] : memref<1x98x128x128xf32, #tpu.memory_space<vmem>>, vector<1x1x128x128xf32>
    %swap3A_1188 = vector.shape_cast %swap3A_1187 : vector<1x1x128x128xf32> to vector<128x128xf32>
    %swap3A_1189 = vector.shape_cast %transpose3A_1182 : vector<128x128xf32> to vector<1x1x128x128xf32>
    tpu.vector_store %arg3[%swap3A_1183, %swap3A_1184, %swap3A_1185, %swap3A_1186], %swap3A_1189 {strides = array<i32>} : memref<1x98x128x128xf32, #tpu.memory_space<vmem>>, vector<1x1x128x128xf32>,
    %slice3A_1190 = vector.extract_strided_slice %get3A_3 {offsets = [0, 43520], sizes = [32, 512], strides = [1, 1]} : vector<32x50176xf32> to vector<32x512xf32>
    %slice3A_1191 = vector.extract_strided_slice %slice3A_1190 {offsets = [0, 0], sizes = [32, 128], strides = [1, 1]} : vector<32x512xf32> to vector<32x128xf32>
    %slice3A_1192 = vector.extract_strided_slice %slice3A_1190 {offsets = [0, 128], sizes = [32, 128], strides = [1, 1]} : vector<32x512xf32> to vector<32x128xf32>
    %slice3A_1193 = vector.extract_strided_slice %slice3A_1190 {offsets = [0, 256], sizes = [32, 128], strides = [1, 1]} : vector<32x512xf32> to vector<32x128xf32>
    %slice3A_1194 = vector.extract_strided_slice %slice3A_1190 {offsets = [0, 384], sizes = [32, 128], strides = [1, 1]} : vector<32x512xf32> to vector<32x128xf32>
    %concatenate3A_1195 = tpu.concatenate %slice3A_1191, %slice3A_1192, %slice3A_1193, %slice3A_1194 in 0 : vector<32x128xf32>, vector<32x128xf32>, vector<32x128xf32>, vector<32x128xf32> -> vector<128x128xf32>
    %transpose3A_1196 = tpu.transpose %concatenate3A_1195, [1, 0] : vector<128x128xf32> -> vector<128x128xf32>
    %swap3A_1197 = arith.constant 0 : index
    %swap3A_1198 = arith.constant 85 : index
    %swap3A_1199 = arith.constant 0 : index
    %swap3A_1200 = arith.constant 0 : index
    %swap3A_1201 = vector.load %arg3[%swap3A_1197, %swap3A_1198, %swap3A_1199, %swap3A_1200] : memref<1x98x128x128xf32, #tpu.memory_space<vmem>>, vector<1x1x128x128xf32>
    %swap3A_1202 = vector.shape_cast %swap3A_1201 : vector<1x1x128x128xf32> to vector<128x128xf32>
    %swap3A_1203 = vector.shape_cast %transpose3A_1196 : vector<128x128xf32> to vector<1x1x128x128xf32>
    tpu.vector_store %arg3[%swap3A_1197, %swap3A_1198, %swap3A_1199, %swap3A_1200], %swap3A_1203 {strides = array<i32>} : memref<1x98x128x128xf32, #tpu.memory_space<vmem>>, vector<1x1x128x128xf32>,
    %slice3A_1204 = vector.extract_strided_slice %get3A_3 {offsets = [0, 44032], sizes = [32, 512], strides = [1, 1]} : vector<32x50176xf32> to vector<32x512xf32>
    %slice3A_1205 = vector.extract_strided_slice %slice3A_1204 {offsets = [0, 0], sizes = [32, 128], strides = [1, 1]} : vector<32x512xf32> to vector<32x128xf32>
    %slice3A_1206 = vector.extract_strided_slice %slice3A_1204 {offsets = [0, 128], sizes = [32, 128], strides = [1, 1]} : vector<32x512xf32> to vector<32x128xf32>
    %slice3A_1207 = vector.extract_strided_slice %slice3A_1204 {offsets = [0, 256], sizes = [32, 128], strides = [1, 1]} : vector<32x512xf32> to vector<32x128xf32>
    %slice3A_1208 = vector.extract_strided_slice %slice3A_1204 {offsets = [0, 384], sizes = [32, 128], strides = [1, 1]} : vector<32x512xf32> to vector<32x128xf32>
    %concatenate3A_1209 = tpu.concatenate %slice3A_1205, %slice3A_1206, %slice3A_1207, %slice3A_1208 in 0 : vector<32x128xf32>, vector<32x128xf32>, vector<32x128xf32>, vector<32x128xf32> -> vector<128x128xf32>
    %transpose3A_1210 = tpu.transpose %concatenate3A_1209, [1, 0] : vector<128x128xf32> -> vector<128x128xf32>
    %swap3A_1211 = arith.constant 0 : index
    %swap3A_1212 = arith.constant 86 : index
    %swap3A_1213 = arith.constant 0 : index
    %swap3A_1214 = arith.constant 0 : index
    %swap3A_1215 = vector.load %arg3[%swap3A_1211, %swap3A_1212, %swap3A_1213, %swap3A_1214] : memref<1x98x128x128xf32, #tpu.memory_space<vmem>>, vector<1x1x128x128xf32>
    %swap3A_1216 = vector.shape_cast %swap3A_1215 : vector<1x1x128x128xf32> to vector<128x128xf32>
    %swap3A_1217 = vector.shape_cast %transpose3A_1210 : vector<128x128xf32> to vector<1x1x128x128xf32>
    tpu.vector_store %arg3[%swap3A_1211, %swap3A_1212, %swap3A_1213, %swap3A_1214], %swap3A_1217 {strides = array<i32>} : memref<1x98x128x128xf32, #tpu.memory_space<vmem>>, vector<1x1x128x128xf32>,
    %slice3A_1218 = vector.extract_strided_slice %get3A_3 {offsets = [0, 44544], sizes = [32, 512], strides = [1, 1]} : vector<32x50176xf32> to vector<32x512xf32>
    %slice3A_1219 = vector.extract_strided_slice %slice3A_1218 {offsets = [0, 0], sizes = [32, 128], strides = [1, 1]} : vector<32x512xf32> to vector<32x128xf32>
    %slice3A_1220 = vector.extract_strided_slice %slice3A_1218 {offsets = [0, 128], sizes = [32, 128], strides = [1, 1]} : vector<32x512xf32> to vector<32x128xf32>
    %slice3A_1221 = vector.extract_strided_slice %slice3A_1218 {offsets = [0, 256], sizes = [32, 128], strides = [1, 1]} : vector<32x512xf32> to vector<32x128xf32>
    %slice3A_1222 = vector.extract_strided_slice %slice3A_1218 {offsets = [0, 384], sizes = [32, 128], strides = [1, 1]} : vector<32x512xf32> to vector<32x128xf32>
    %concatenate3A_1223 = tpu.concatenate %slice3A_1219, %slice3A_1220, %slice3A_1221, %slice3A_1222 in 0 : vector<32x128xf32>, vector<32x128xf32>, vector<32x128xf32>, vector<32x128xf32> -> vector<128x128xf32>
    %transpose3A_1224 = tpu.transpose %concatenate3A_1223, [1, 0] : vector<128x128xf32> -> vector<128x128xf32>
    %swap3A_1225 = arith.constant 0 : index
    %swap3A_1226 = arith.constant 87 : index
    %swap3A_1227 = arith.constant 0 : index
    %swap3A_1228 = arith.constant 0 : index
    %swap3A_1229 = vector.load %arg3[%swap3A_1225, %swap3A_1226, %swap3A_1227, %swap3A_1228] : memref<1x98x128x128xf32, #tpu.memory_space<vmem>>, vector<1x1x128x128xf32>
    %swap3A_1230 = vector.shape_cast %swap3A_1229 : vector<1x1x128x128xf32> to vector<128x128xf32>
    %swap3A_1231 = vector.shape_cast %transpose3A_1224 : vector<128x128xf32> to vector<1x1x128x128xf32>
    tpu.vector_store %arg3[%swap3A_1225, %swap3A_1226, %swap3A_1227, %swap3A_1228], %swap3A_1231 {strides = array<i32>} : memref<1x98x128x128xf32, #tpu.memory_space<vmem>>, vector<1x1x128x128xf32>,
    %slice3A_1232 = vector.extract_strided_slice %get3A_3 {offsets = [0, 45056], sizes = [32, 512], strides = [1, 1]} : vector<32x50176xf32> to vector<32x512xf32>
    %slice3A_1233 = vector.extract_strided_slice %slice3A_1232 {offsets = [0, 0], sizes = [32, 128], strides = [1, 1]} : vector<32x512xf32> to vector<32x128xf32>
    %slice3A_1234 = vector.extract_strided_slice %slice3A_1232 {offsets = [0, 128], sizes = [32, 128], strides = [1, 1]} : vector<32x512xf32> to vector<32x128xf32>
    %slice3A_1235 = vector.extract_strided_slice %slice3A_1232 {offsets = [0, 256], sizes = [32, 128], strides = [1, 1]} : vector<32x512xf32> to vector<32x128xf32>
    %slice3A_1236 = vector.extract_strided_slice %slice3A_1232 {offsets = [0, 384], sizes = [32, 128], strides = [1, 1]} : vector<32x512xf32> to vector<32x128xf32>
    %concatenate3A_1237 = tpu.concatenate %slice3A_1233, %slice3A_1234, %slice3A_1235, %slice3A_1236 in 0 : vector<32x128xf32>, vector<32x128xf32>, vector<32x128xf32>, vector<32x128xf32> -> vector<128x128xf32>
    %transpose3A_1238 = tpu.transpose %concatenate3A_1237, [1, 0] : vector<128x128xf32> -> vector<128x128xf32>
    %swap3A_1239 = arith.constant 0 : index
    %swap3A_1240 = arith.constant 88 : index
    %swap3A_1241 = arith.constant 0 : index
    %swap3A_1242 = arith.constant 0 : index
    %swap3A_1243 = vector.load %arg3[%swap3A_1239, %swap3A_1240, %swap3A_1241, %swap3A_1242] : memref<1x98x128x128xf32, #tpu.memory_space<vmem>>, vector<1x1x128x128xf32>
    %swap3A_1244 = vector.shape_cast %swap3A_1243 : vector<1x1x128x128xf32> to vector<128x128xf32>
    %swap3A_1245 = vector.shape_cast %transpose3A_1238 : vector<128x128xf32> to vector<1x1x128x128xf32>
    tpu.vector_store %arg3[%swap3A_1239, %swap3A_1240, %swap3A_1241, %swap3A_1242], %swap3A_1245 {strides = array<i32>} : memref<1x98x128x128xf32, #tpu.memory_space<vmem>>, vector<1x1x128x128xf32>,
    %slice3A_1246 = vector.extract_strided_slice %get3A_3 {offsets = [0, 45568], sizes = [32, 512], strides = [1, 1]} : vector<32x50176xf32> to vector<32x512xf32>
    %slice3A_1247 = vector.extract_strided_slice %slice3A_1246 {offsets = [0, 0], sizes = [32, 128], strides = [1, 1]} : vector<32x512xf32> to vector<32x128xf32>
    %slice3A_1248 = vector.extract_strided_slice %slice3A_1246 {offsets = [0, 128], sizes = [32, 128], strides = [1, 1]} : vector<32x512xf32> to vector<32x128xf32>
    %slice3A_1249 = vector.extract_strided_slice %slice3A_1246 {offsets = [0, 256], sizes = [32, 128], strides = [1, 1]} : vector<32x512xf32> to vector<32x128xf32>
    %slice3A_1250 = vector.extract_strided_slice %slice3A_1246 {offsets = [0, 384], sizes = [32, 128], strides = [1, 1]} : vector<32x512xf32> to vector<32x128xf32>
    %concatenate3A_1251 = tpu.concatenate %slice3A_1247, %slice3A_1248, %slice3A_1249, %slice3A_1250 in 0 : vector<32x128xf32>, vector<32x128xf32>, vector<32x128xf32>, vector<32x128xf32> -> vector<128x128xf32>
    %transpose3A_1252 = tpu.transpose %concatenate3A_1251, [1, 0] : vector<128x128xf32> -> vector<128x128xf32>
    %swap3A_1253 = arith.constant 0 : index
    %swap3A_1254 = arith.constant 89 : index
    %swap3A_1255 = arith.constant 0 : index
    %swap3A_1256 = arith.constant 0 : index
    %swap3A_1257 = vector.load %arg3[%swap3A_1253, %swap3A_1254, %swap3A_1255, %swap3A_1256] : memref<1x98x128x128xf32, #tpu.memory_space<vmem>>, vector<1x1x128x128xf32>
    %swap3A_1258 = vector.shape_cast %swap3A_1257 : vector<1x1x128x128xf32> to vector<128x128xf32>
    %swap3A_1259 = vector.shape_cast %transpose3A_1252 : vector<128x128xf32> to vector<1x1x128x128xf32>
    tpu.vector_store %arg3[%swap3A_1253, %swap3A_1254, %swap3A_1255, %swap3A_1256], %swap3A_1259 {strides = array<i32>} : memref<1x98x128x128xf32, #tpu.memory_space<vmem>>, vector<1x1x128x128xf32>,
    %slice3A_1260 = vector.extract_strided_slice %get3A_3 {offsets = [0, 46080], sizes = [32, 512], strides = [1, 1]} : vector<32x50176xf32> to vector<32x512xf32>
    %slice3A_1261 = vector.extract_strided_slice %slice3A_1260 {offsets = [0, 0], sizes = [32, 128], strides = [1, 1]} : vector<32x512xf32> to vector<32x128xf32>
    %slice3A_1262 = vector.extract_strided_slice %slice3A_1260 {offsets = [0, 128], sizes = [32, 128], strides = [1, 1]} : vector<32x512xf32> to vector<32x128xf32>
    %slice3A_1263 = vector.extract_strided_slice %slice3A_1260 {offsets = [0, 256], sizes = [32, 128], strides = [1, 1]} : vector<32x512xf32> to vector<32x128xf32>
    %slice3A_1264 = vector.extract_strided_slice %slice3A_1260 {offsets = [0, 384], sizes = [32, 128], strides = [1, 1]} : vector<32x512xf32> to vector<32x128xf32>
    %concatenate3A_1265 = tpu.concatenate %slice3A_1261, %slice3A_1262, %slice3A_1263, %slice3A_1264 in 0 : vector<32x128xf32>, vector<32x128xf32>, vector<32x128xf32>, vector<32x128xf32> -> vector<128x128xf32>
    %transpose3A_1266 = tpu.transpose %concatenate3A_1265, [1, 0] : vector<128x128xf32> -> vector<128x128xf32>
    %swap3A_1267 = arith.constant 0 : index
    %swap3A_1268 = arith.constant 90 : index
    %swap3A_1269 = arith.constant 0 : index
    %swap3A_1270 = arith.constant 0 : index
    %swap3A_1271 = vector.load %arg3[%swap3A_1267, %swap3A_1268, %swap3A_1269, %swap3A_1270] : memref<1x98x128x128xf32, #tpu.memory_space<vmem>>, vector<1x1x128x128xf32>
    %swap3A_1272 = vector.shape_cast %swap3A_1271 : vector<1x1x128x128xf32> to vector<128x128xf32>
    %swap3A_1273 = vector.shape_cast %transpose3A_1266 : vector<128x128xf32> to vector<1x1x128x128xf32>
    tpu.vector_store %arg3[%swap3A_1267, %swap3A_1268, %swap3A_1269, %swap3A_1270], %swap3A_1273 {strides = array<i32>} : memref<1x98x128x128xf32, #tpu.memory_space<vmem>>, vector<1x1x128x128xf32>,
    %slice3A_1274 = vector.extract_strided_slice %get3A_3 {offsets = [0, 46592], sizes = [32, 512], strides = [1, 1]} : vector<32x50176xf32> to vector<32x512xf32>
    %slice3A_1275 = vector.extract_strided_slice %slice3A_1274 {offsets = [0, 0], sizes = [32, 128], strides = [1, 1]} : vector<32x512xf32> to vector<32x128xf32>
    %slice3A_1276 = vector.extract_strided_slice %slice3A_1274 {offsets = [0, 128], sizes = [32, 128], strides = [1, 1]} : vector<32x512xf32> to vector<32x128xf32>
    %slice3A_1277 = vector.extract_strided_slice %slice3A_1274 {offsets = [0, 256], sizes = [32, 128], strides = [1, 1]} : vector<32x512xf32> to vector<32x128xf32>
    %slice3A_1278 = vector.extract_strided_slice %slice3A_1274 {offsets = [0, 384], sizes = [32, 128], strides = [1, 1]} : vector<32x512xf32> to vector<32x128xf32>
    %concatenate3A_1279 = tpu.concatenate %slice3A_1275, %slice3A_1276, %slice3A_1277, %slice3A_1278 in 0 : vector<32x128xf32>, vector<32x128xf32>, vector<32x128xf32>, vector<32x128xf32> -> vector<128x128xf32>
    %transpose3A_1280 = tpu.transpose %concatenate3A_1279, [1, 0] : vector<128x128xf32> -> vector<128x128xf32>
    %swap3A_1281 = arith.constant 0 : index
    %swap3A_1282 = arith.constant 91 : index
    %swap3A_1283 = arith.constant 0 : index
    %swap3A_1284 = arith.constant 0 : index
    %swap3A_1285 = vector.load %arg3[%swap3A_1281, %swap3A_1282, %swap3A_1283, %swap3A_1284] : memref<1x98x128x128xf32, #tpu.memory_space<vmem>>, vector<1x1x128x128xf32>
    %swap3A_1286 = vector.shape_cast %swap3A_1285 : vector<1x1x128x128xf32> to vector<128x128xf32>
    %swap3A_1287 = vector.shape_cast %transpose3A_1280 : vector<128x128xf32> to vector<1x1x128x128xf32>
    tpu.vector_store %arg3[%swap3A_1281, %swap3A_1282, %swap3A_1283, %swap3A_1284], %swap3A_1287 {strides = array<i32>} : memref<1x98x128x128xf32, #tpu.memory_space<vmem>>, vector<1x1x128x128xf32>,
    %slice3A_1288 = vector.extract_strided_slice %get3A_3 {offsets = [0, 47104], sizes = [32, 512], strides = [1, 1]} : vector<32x50176xf32> to vector<32x512xf32>
    %slice3A_1289 = vector.extract_strided_slice %slice3A_1288 {offsets = [0, 0], sizes = [32, 128], strides = [1, 1]} : vector<32x512xf32> to vector<32x128xf32>
    %slice3A_1290 = vector.extract_strided_slice %slice3A_1288 {offsets = [0, 128], sizes = [32, 128], strides = [1, 1]} : vector<32x512xf32> to vector<32x128xf32>
    %slice3A_1291 = vector.extract_strided_slice %slice3A_1288 {offsets = [0, 256], sizes = [32, 128], strides = [1, 1]} : vector<32x512xf32> to vector<32x128xf32>
    %slice3A_1292 = vector.extract_strided_slice %slice3A_1288 {offsets = [0, 384], sizes = [32, 128], strides = [1, 1]} : vector<32x512xf32> to vector<32x128xf32>
    %concatenate3A_1293 = tpu.concatenate %slice3A_1289, %slice3A_1290, %slice3A_1291, %slice3A_1292 in 0 : vector<32x128xf32>, vector<32x128xf32>, vector<32x128xf32>, vector<32x128xf32> -> vector<128x128xf32>
    %transpose3A_1294 = tpu.transpose %concatenate3A_1293, [1, 0] : vector<128x128xf32> -> vector<128x128xf32>
    %swap3A_1295 = arith.constant 0 : index
    %swap3A_1296 = arith.constant 92 : index
    %swap3A_1297 = arith.constant 0 : index
    %swap3A_1298 = arith.constant 0 : index
    %swap3A_1299 = vector.load %arg3[%swap3A_1295, %swap3A_1296, %swap3A_1297, %swap3A_1298] : memref<1x98x128x128xf32, #tpu.memory_space<vmem>>, vector<1x1x128x128xf32>
    %swap3A_1300 = vector.shape_cast %swap3A_1299 : vector<1x1x128x128xf32> to vector<128x128xf32>
    %swap3A_1301 = vector.shape_cast %transpose3A_1294 : vector<128x128xf32> to vector<1x1x128x128xf32>
    tpu.vector_store %arg3[%swap3A_1295, %swap3A_1296, %swap3A_1297, %swap3A_1298], %swap3A_1301 {strides = array<i32>} : memref<1x98x128x128xf32, #tpu.memory_space<vmem>>, vector<1x1x128x128xf32>,
    %slice3A_1302 = vector.extract_strided_slice %get3A_3 {offsets = [0, 47616], sizes = [32, 512], strides = [1, 1]} : vector<32x50176xf32> to vector<32x512xf32>
    %slice3A_1303 = vector.extract_strided_slice %slice3A_1302 {offsets = [0, 0], sizes = [32, 128], strides = [1, 1]} : vector<32x512xf32> to vector<32x128xf32>
    %slice3A_1304 = vector.extract_strided_slice %slice3A_1302 {offsets = [0, 128], sizes = [32, 128], strides = [1, 1]} : vector<32x512xf32> to vector<32x128xf32>
    %slice3A_1305 = vector.extract_strided_slice %slice3A_1302 {offsets = [0, 256], sizes = [32, 128], strides = [1, 1]} : vector<32x512xf32> to vector<32x128xf32>
    %slice3A_1306 = vector.extract_strided_slice %slice3A_1302 {offsets = [0, 384], sizes = [32, 128], strides = [1, 1]} : vector<32x512xf32> to vector<32x128xf32>
    %concatenate3A_1307 = tpu.concatenate %slice3A_1303, %slice3A_1304, %slice3A_1305, %slice3A_1306 in 0 : vector<32x128xf32>, vector<32x128xf32>, vector<32x128xf32>, vector<32x128xf32> -> vector<128x128xf32>
    %transpose3A_1308 = tpu.transpose %concatenate3A_1307, [1, 0] : vector<128x128xf32> -> vector<128x128xf32>
    %swap3A_1309 = arith.constant 0 : index
    %swap3A_1310 = arith.constant 93 : index
    %swap3A_1311 = arith.constant 0 : index
    %swap3A_1312 = arith.constant 0 : index
    %swap3A_1313 = vector.load %arg3[%swap3A_1309, %swap3A_1310, %swap3A_1311, %swap3A_1312] : memref<1x98x128x128xf32, #tpu.memory_space<vmem>>, vector<1x1x128x128xf32>
    %swap3A_1314 = vector.shape_cast %swap3A_1313 : vector<1x1x128x128xf32> to vector<128x128xf32>
    %swap3A_1315 = vector.shape_cast %transpose3A_1308 : vector<128x128xf32> to vector<1x1x128x128xf32>
    tpu.vector_store %arg3[%swap3A_1309, %swap3A_1310, %swap3A_1311, %swap3A_1312], %swap3A_1315 {strides = array<i32>} : memref<1x98x128x128xf32, #tpu.memory_space<vmem>>, vector<1x1x128x128xf32>,
    %slice3A_1316 = vector.extract_strided_slice %get3A_3 {offsets = [0, 48128], sizes = [32, 512], strides = [1, 1]} : vector<32x50176xf32> to vector<32x512xf32>
    %slice3A_1317 = vector.extract_strided_slice %slice3A_1316 {offsets = [0, 0], sizes = [32, 128], strides = [1, 1]} : vector<32x512xf32> to vector<32x128xf32>
    %slice3A_1318 = vector.extract_strided_slice %slice3A_1316 {offsets = [0, 128], sizes = [32, 128], strides = [1, 1]} : vector<32x512xf32> to vector<32x128xf32>
    %slice3A_1319 = vector.extract_strided_slice %slice3A_1316 {offsets = [0, 256], sizes = [32, 128], strides = [1, 1]} : vector<32x512xf32> to vector<32x128xf32>
    %slice3A_1320 = vector.extract_strided_slice %slice3A_1316 {offsets = [0, 384], sizes = [32, 128], strides = [1, 1]} : vector<32x512xf32> to vector<32x128xf32>
    %concatenate3A_1321 = tpu.concatenate %slice3A_1317, %slice3A_1318, %slice3A_1319, %slice3A_1320 in 0 : vector<32x128xf32>, vector<32x128xf32>, vector<32x128xf32>, vector<32x128xf32> -> vector<128x128xf32>
    %transpose3A_1322 = tpu.transpose %concatenate3A_1321, [1, 0] : vector<128x128xf32> -> vector<128x128xf32>
    %swap3A_1323 = arith.constant 0 : index
    %swap3A_1324 = arith.constant 94 : index
    %swap3A_1325 = arith.constant 0 : index
    %swap3A_1326 = arith.constant 0 : index
    %swap3A_1327 = vector.load %arg3[%swap3A_1323, %swap3A_1324, %swap3A_1325, %swap3A_1326] : memref<1x98x128x128xf32, #tpu.memory_space<vmem>>, vector<1x1x128x128xf32>
    %swap3A_1328 = vector.shape_cast %swap3A_1327 : vector<1x1x128x128xf32> to vector<128x128xf32>
    %swap3A_1329 = vector.shape_cast %transpose3A_1322 : vector<128x128xf32> to vector<1x1x128x128xf32>
    tpu.vector_store %arg3[%swap3A_1323, %swap3A_1324, %swap3A_1325, %swap3A_1326], %swap3A_1329 {strides = array<i32>} : memref<1x98x128x128xf32, #tpu.memory_space<vmem>>, vector<1x1x128x128xf32>,
    %slice3A_1330 = vector.extract_strided_slice %get3A_3 {offsets = [0, 48640], sizes = [32, 512], strides = [1, 1]} : vector<32x50176xf32> to vector<32x512xf32>
    %slice3A_1331 = vector.extract_strided_slice %slice3A_1330 {offsets = [0, 0], sizes = [32, 128], strides = [1, 1]} : vector<32x512xf32> to vector<32x128xf32>
    %slice3A_1332 = vector.extract_strided_slice %slice3A_1330 {offsets = [0, 128], sizes = [32, 128], strides = [1, 1]} : vector<32x512xf32> to vector<32x128xf32>
    %slice3A_1333 = vector.extract_strided_slice %slice3A_1330 {offsets = [0, 256], sizes = [32, 128], strides = [1, 1]} : vector<32x512xf32> to vector<32x128xf32>
    %slice3A_1334 = vector.extract_strided_slice %slice3A_1330 {offsets = [0, 384], sizes = [32, 128], strides = [1, 1]} : vector<32x512xf32> to vector<32x128xf32>
    %concatenate3A_1335 = tpu.concatenate %slice3A_1331, %slice3A_1332, %slice3A_1333, %slice3A_1334 in 0 : vector<32x128xf32>, vector<32x128xf32>, vector<32x128xf32>, vector<32x128xf32> -> vector<128x128xf32>
    %transpose3A_1336 = tpu.transpose %concatenate3A_1335, [1, 0] : vector<128x128xf32> -> vector<128x128xf32>
    %swap3A_1337 = arith.constant 0 : index
    %swap3A_1338 = arith.constant 95 : index
    %swap3A_1339 = arith.constant 0 : index
    %swap3A_1340 = arith.constant 0 : index
    %swap3A_1341 = vector.load %arg3[%swap3A_1337, %swap3A_1338, %swap3A_1339, %swap3A_1340] : memref<1x98x128x128xf32, #tpu.memory_space<vmem>>, vector<1x1x128x128xf32>
    %swap3A_1342 = vector.shape_cast %swap3A_1341 : vector<1x1x128x128xf32> to vector<128x128xf32>
    %swap3A_1343 = vector.shape_cast %transpose3A_1336 : vector<128x128xf32> to vector<1x1x128x128xf32>
    tpu.vector_store %arg3[%swap3A_1337, %swap3A_1338, %swap3A_1339, %swap3A_1340], %swap3A_1343 {strides = array<i32>} : memref<1x98x128x128xf32, #tpu.memory_space<vmem>>, vector<1x1x128x128xf32>,
    %slice3A_1344 = vector.extract_strided_slice %get3A_3 {offsets = [0, 49152], sizes = [32, 512], strides = [1, 1]} : vector<32x50176xf32> to vector<32x512xf32>
    %slice3A_1345 = vector.extract_strided_slice %slice3A_1344 {offsets = [0, 0], sizes = [32, 128], strides = [1, 1]} : vector<32x512xf32> to vector<32x128xf32>
    %slice3A_1346 = vector.extract_strided_slice %slice3A_1344 {offsets = [0, 128], sizes = [32, 128], strides = [1, 1]} : vector<32x512xf32> to vector<32x128xf32>
    %slice3A_1347 = vector.extract_strided_slice %slice3A_1344 {offsets = [0, 256], sizes = [32, 128], strides = [1, 1]} : vector<32x512xf32> to vector<32x128xf32>
    %slice3A_1348 = vector.extract_strided_slice %slice3A_1344 {offsets = [0, 384], sizes = [32, 128], strides = [1, 1]} : vector<32x512xf32> to vector<32x128xf32>
    %concatenate3A_1349 = tpu.concatenate %slice3A_1345, %slice3A_1346, %slice3A_1347, %slice3A_1348 in 0 : vector<32x128xf32>, vector<32x128xf32>, vector<32x128xf32>, vector<32x128xf32> -> vector<128x128xf32>
    %transpose3A_1350 = tpu.transpose %concatenate3A_1349, [1, 0] : vector<128x128xf32> -> vector<128x128xf32>
    %swap3A_1351 = arith.constant 0 : index
    %swap3A_1352 = arith.constant 96 : index
    %swap3A_1353 = arith.constant 0 : index
    %swap3A_1354 = arith.constant 0 : index
    %swap3A_1355 = vector.load %arg3[%swap3A_1351, %swap3A_1352, %swap3A_1353, %swap3A_1354] : memref<1x98x128x128xf32, #tpu.memory_space<vmem>>, vector<1x1x128x128xf32>
    %swap3A_1356 = vector.shape_cast %swap3A_1355 : vector<1x1x128x128xf32> to vector<128x128xf32>
    %swap3A_1357 = vector.shape_cast %transpose3A_1350 : vector<128x128xf32> to vector<1x1x128x128xf32>
    tpu.vector_store %arg3[%swap3A_1351, %swap3A_1352, %swap3A_1353, %swap3A_1354], %swap3A_1357 {strides = array<i32>} : memref<1x98x128x128xf32, #tpu.memory_space<vmem>>, vector<1x1x128x128xf32>,
    %slice3A_1358 = vector.extract_strided_slice %get3A_3 {offsets = [0, 49664], sizes = [32, 512], strides = [1, 1]} : vector<32x50176xf32> to vector<32x512xf32>
    %slice3A_1359 = vector.extract_strided_slice %slice3A_1358 {offsets = [0, 0], sizes = [32, 128], strides = [1, 1]} : vector<32x512xf32> to vector<32x128xf32>
    %slice3A_1360 = vector.extract_strided_slice %slice3A_1358 {offsets = [0, 128], sizes = [32, 128], strides = [1, 1]} : vector<32x512xf32> to vector<32x128xf32>
    %slice3A_1361 = vector.extract_strided_slice %slice3A_1358 {offsets = [0, 256], sizes = [32, 128], strides = [1, 1]} : vector<32x512xf32> to vector<32x128xf32>
    %slice3A_1362 = vector.extract_strided_slice %slice3A_1358 {offsets = [0, 384], sizes = [32, 128], strides = [1, 1]} : vector<32x512xf32> to vector<32x128xf32>
    %concatenate3A_1363 = tpu.concatenate %slice3A_1359, %slice3A_1360, %slice3A_1361, %slice3A_1362 in 0 : vector<32x128xf32>, vector<32x128xf32>, vector<32x128xf32>, vector<32x128xf32> -> vector<128x128xf32>
    %transpose3A_1364 = tpu.transpose %concatenate3A_1363, [1, 0] : vector<128x128xf32> -> vector<128x128xf32>
    %swap3A_1365 = arith.constant 0 : index
    %swap3A_1366 = arith.constant 97 : index
    %swap3A_1367 = arith.constant 0 : index
    %swap3A_1368 = arith.constant 0 : index
    %swap3A_1369 = vector.load %arg3[%swap3A_1365, %swap3A_1366, %swap3A_1367, %swap3A_1368] : memref<1x98x128x128xf32, #tpu.memory_space<vmem>>, vector<1x1x128x128xf32>
    %swap3A_1370 = vector.shape_cast %swap3A_1369 : vector<1x1x128x128xf32> to vector<128x128xf32>
    %swap3A_1371 = vector.shape_cast %transpose3A_1364 : vector<128x128xf32> to vector<1x1x128x128xf32>
    tpu.vector_store %arg3[%swap3A_1365, %swap3A_1366, %swap3A_1367, %swap3A_1368], %swap3A_1371 {strides = array<i32>} : memref<1x98x128x128xf32, #tpu.memory_space<vmem>>, vector<1x1x128x128xf32>,
    return
  }
  func.func @transform_0(%arg0: i32, %arg1: i32) -> (i32, i32, i32) {
    %c0_i32 = arith.constant 0 : i32
    %c0_i32_0 = arith.constant 0 : i32
    return %arg0, %c0_i32, %arg1 : i32, i32, i32
  }
  func.func @transform_1(%arg0: i32, %arg1: i32) -> (i32, i32, i32, i32) {
    %c0_i32 = arith.constant 0 : i32
    %c0_i32_0 = arith.constant 0 : i32
    %c0_i32_1 = arith.constant 0 : i32
    return %arg0, %arg1, %c0_i32, %c0_i32_0 : i32, i32, i32, i32
  }
}

</mosaic_0001>

<sc_bundles>
// kernel: kernel.4.cloned.1.call-start
scs
__scs_entry_jumppad:
0x0: {  	(pc) =	sbr.rel $0x88, $3  }
0x1: {  	(tag) =	ssettag $0x0;
	lr =	simm.s32 $0x1  }
0x2: {  	[smem:$0x3F9F] =	sst lr;
	_ =	strace $0xD0000000  }
0x3: {  	_ = 	snop  }
0x4: {  	_ = 	snop  }
0x5: {  	_ = 	snop  }
0x6: {  	_ = 	snop  }
0x7: {  	_ = 	snop  }
__scs_overlays_trampoline_lowered:
0x8: {  	[smem:$0x3FAE] =	sst s0  }
0x9: {  	[smem:$0x3FAF] =	sst s1  }
0xa: {  	[smem:$0x3FB0] =	sst s2  }
0xb: {  	[smem:$0x3FB1] =	sst s3  }
0xc: {  	[smem:$0x3FB2] =	sst s4  }
0xd: {  	[smem:$0x3FB3] =	sst s5  }
0xe: {  	[smem:$0x3FB4] =	sst s6  }
0xf: {  	[smem:$0x3FB5] =	sst s7  }
0x10: {  	[smem:$0x3FB6] =	sst s8  }
0x11: {  	[smem:$0x3FB7] =	sst s9;
	s0 =	simm.s32 @!p0 $0x0  }
0x12: {  	s1 =	sld [smem:$0x3F9D];
	s0 =	simm.s32 @p0 $0x1  }
0x13: {  	[smem:$0x3FB8] =	sst s0;
	s0 =	simm.s32 @!p1 $0x0  }
0x14: {  	s2 =	sld [smem:$0x3F9C];
	s0 =	simm.s32 @p1 $0x1  }
0x15: {  	[smem:$0x3FB9] =	sst s0;
	s0 =	simm.s32 @!p2 $0x0  }
0x16: {  	s3 =	sld [smem:$0x3FDB];
	s0 =	simm.s32 @p2 $0x1  }
0x17: {  	s4 =	simm.s32 $0x1BF5;
	[smem:$0x3FBB] =	sst s0  }
0x18: {  	s0 =	sld [smem:$0x3F9E];
	_ =	swait.ge [sflag:s4], $0x0  }
0x19: {  	s7 =	sld [smem:$0x3F9F]  }
0x1a: {  	s8 =	sadd.s32 $0xFFFFE003, lr  }
0x1b: {  	s9 =	sadd.s32 $0xFFFFFEF7, lr;
	s5 =	simm.s32 $0xFFFFFFFF;
	p2 =	slt.u32 s8, $0xFFFFF086  }
0x1c: {  	p1 =	slt.u32 s9, $0xF7A;
	s5 =	simm.s32 @!p2 $0x0  }
0x1d: {  	s5 =	simm.s32 @p1 $0x1;
	p0 =	seq.s32 s7, s2  }
0x1e: {  	s7 =	smul.u32 @!p0 $0xF7A, s2;
	p2 =	seq.s32 @!p0 s5, $0x0  }
0x1f: {  	s9 =	smul.u32 $0xF7A, s1;
	s8 =	simm.s32 @!p0 $0x1BF5;
	p2 =	por !p2, p0  }
0x20: {  	[sflag:s8] =	ssyncset.s32 @!p0 $0xFFFFF086;
	s6 =	sadd.s32 @!p0 s3, s7;
	s7 =	simm.s32 @!p0 $0x108  }
0x21: {  	s3 =	sadd.s32 s3, s9;
	s6 =	sadd.s32 @!p0 $0x88, s6;
	s7 =	simm.s32 @p2 $0x1082  }
0x22: {  	[simem:s7], [sflag:s8] =	dma.local @!p0 [hbm:s6], $0xF7A  }
0x23: {  	s9 =	sor.u32 $0xD0000000, s2;
	s6 =	simm.s32 $0x108;
	_ =	swait.ge @!p0 [sflag:s8], $0x0  }
0x24: {  	s3 =	sadd.s32 $0x88, s3;
	s6 =	simm.s32 @!p1 $0x1082;
	[sflag:s4] =	ssyncset.s32 $0xFFFFF086  }
0x25: {  	[simem:s6], [sflag:s4] =	dma.local [hbm:s3], $0xF7A  }
0x26: {  	[smem:$0x3F9F] =	sst s1;
	(tag) =	ssettag s2;
	_ =	strace s9  }
0x27: {  	s1 =	sld [smem:$0x3FAF]  }
0x28: {  	s2 =	sld [smem:$0x3FB0]  }
0x29: {  	s4 =	sld [smem:$0x3FB2]  }
0x2a: {  	p0 =	seq.s32 s5, $0x0;
	s5 =	sld [smem:$0x3FB3]  }
0x2b: {  	s6 =	sld [smem:$0x3FB4]  }
0x2c: {  	s7 =	sld [smem:$0x3FB5]  }
0x2d: {  	s3 =	simm.s32 $0x108;
	s8 =	sld [smem:$0x3FB6]  }
0x2e: {  	s3 =	simm.s32 @!p0 $0x1082;
	s9 =	sld [smem:$0x3FB7]  }
0x2f: {  	lr =	sadd.s32 s0, s3;
	s0 =	sld [smem:$0x3FAE]  }
0x30: {  	s3 =	sld [smem:$0x3FB1]  }
0x31: {  	[smem:$0x3FBA] =	sst s10  }
0x32: {  	s10 =	sld [smem:$0x3FB8];
	_ =	sdelay $0x3  }
0x33: {  	p0 =	seq.s32 s10, $0x1;
	s10 =	sld [smem:$0x3FBA];
	_ =	sdelay $0x3  }
0x34: {  	[smem:$0x3FBA] =	sst s10  }
0x35: {  	s10 =	sld [smem:$0x3FB9];
	_ =	sdelay $0x3  }
0x36: {  	p1 =	seq.s32 s10, $0x1;
	s10 =	sld [smem:$0x3FBA];
	_ =	sdelay $0x3  }
0x37: {  	[smem:$0x3FBA] =	sst s10  }
0x38: {  	s10 =	sld [smem:$0x3FBB]  }
0x39: {  	_ = 	snop;
	(pc) =	sbr.ind lr, $3  }
0x3a: {  	_ = 	snop  }
0x3b: {  	_ = 	snop  }
0x3c: {  	p2 =	seq.s32 s10, $0x1;
	s10 =	sld [smem:$0x3FBA]  }
0x3d: {  	_ =	shalt  }
0x3e: {  	_ =	shalt  }
0x3f: {  	_ =	shalt  }
0x40: {  	_ =	shalt  }
0x41: {  	_ =	shalt  }
0x42: {  	_ =	shalt  }
0x43: {  	_ =	shalt  }
0x44: {  	_ =	shalt  }
0x45: {  	_ =	shalt  }
0x46: {  	_ =	shalt  }
0x47: {  	_ =	shalt  }
0x48: {  	_ =	shalt  }
0x49: {  	_ =	shalt  }
0x4a: {  	_ =	shalt  }
0x4b: {  	_ =	shalt  }
0x4c: {  	_ =	shalt  }
0x4d: {  	_ =	shalt  }
0x4e: {  	_ =	shalt  }
0x4f: {  	_ =	shalt  }
0x50: {  	_ =	shalt  }
0x51: {  	_ =	shalt  }
0x52: {  	_ =	shalt  }
0x53: {  	_ =	shalt  }
0x54: {  	_ =	shalt  }
0x55: {  	_ =	shalt  }
0x56: {  	_ =	shalt  }
0x57: {  	_ =	shalt  }
0x58: {  	_ =	shalt  }
0x59: {  	_ =	shalt  }
0x5a: {  	_ =	shalt  }
0x5b: {  	_ =	shalt  }
0x5c: {  	_ =	shalt  }
0x5d: {  	_ =	shalt  }
0x5e: {  	_ =	shalt  }
0x5f: {  	_ =	shalt  }
0x60: {  	_ =	shalt  }
0x61: {  	_ =	shalt  }
0x62: {  	_ =	shalt  }
0x63: {  	_ =	shalt  }
0x64: {  	_ =	shalt  }
0x65: {  	_ =	shalt  }
0x66: {  	_ =	shalt  }
0x67: {  	_ =	shalt  }
0x68: {  	_ =	shalt  }
0x69: {  	_ =	shalt  }
0x6a: {  	_ =	shalt  }
0x6b: {  	_ =	shalt  }
0x6c: {  	_ =	shalt  }
0x6d: {  	_ =	shalt  }
0x6e: {  	_ =	shalt  }
0x6f: {  	_ =	shalt  }
0x70: {  	_ =	shalt  }
0x71: {  	_ =	shalt  }
0x72: {  	_ =	shalt  }
0x73: {  	_ =	shalt  }
0x74: {  	_ =	shalt  }
0x75: {  	_ =	shalt  }
0x76: {  	_ =	shalt  }
0x77: {  	_ =	shalt  }
0x78: {  	_ =	shalt  }
0x79: {  	_ =	shalt  }
0x7a: {  	_ =	shalt  }
0x7b: {  	_ =	shalt  }
0x7c: {  	_ =	shalt  }
0x7d: {  	_ =	shalt  }
0x7e: {  	_ =	shalt  }
0x7f: {  	_ =	shalt  }
0x80: {  	_ =	shalt  }
0x81: {  	_ =	shalt  }
0x82: {  	_ =	shalt  }
0x83: {  	_ =	shalt  }
0x84: {  	_ =	shalt  }
0x85: {  	_ =	shalt  }
0x86: {  	_ =	shalt  }
0x87: {  	_ =	shalt  }
.Lfunc_end0:
.L_simem_size_0:
called_computation.1_lowered:
.L_overlay_start_0:
0x88: {  	s2 =	sld [smem:$0x3FD9]  }
0x89: {  	s3 =	sld [smem:$0x3FFE];
	_ =	sdelay $0x1  }
0x8a: {  	s1 =	srdreg.scid  }
0x8b: {  	s0 =	sand.u32 $0x1, s1  }
0x8c: {  	s17 =	sshll.u32 s0, $0xA;
	s2 =	sadd.s32 s3, s2  }
0x8d: {  	s2 =	sadd.s32 s2, s17  }
0x8e: {  	[smem:$0x3FC6] =	sst s2  }
0x8f: {  	_ = 	snop  }
0x90: {  	s2 =	sld [smem:$0x3FD0];
	(tm) =	ssettm $0x1  }
0x91: {  	s18 =	sld [smem:$0x3FFB];
	_ =	sdelay $0x3  }
0x92: {  	_ =	strace s18  }
0x93: {  	s3 =	sld [smem:$0x3FFC];
	_ =	sdelay $0x3  }
0x94: {  	_ =	strace s3  }
0x95: {  	s3 =	sld [smem:$0x3FFD];
	_ =	sdelay $0x3  }
0x96: {  	_ =	strace s3  }
0x97: {  	_ =	strace $0x8FFFFFFF  }
0x98: {  	s19 =	sld [smem:$0x3FDB];
	_ =	sdelay $0x1  }
0x99: {  	s4 =	simm.s32 $_scs_section_size  }
0x9a: {  	s5 =	simm.s32 $_size__tile_overlayer_lowered;
	s6 =	simm.s32 $_tile_overlayer_lowered  }
0x9b: {  	s22 =	simm.s32 $0x1BFF;
	s21 =	sshll.u32 s6, $0x1;
	s3 =	sadd.s32 s4, s19  }
0x9c: {  	s7 =	simm.s32 $0x0;
	s20 =	sshll.u32 s5, $0x1;
	s5 =	sadd.s32 s21, s3  }
0x9d: {  	[timem:s7], [sflag:s22] =	dma.local [hbm:s5], s20  }
0x9e: {  	_ =	swait.ge [sflag:s22], s20  }
0x9f: {  	s4 =	ssub.s32 $0x0, s20;
	[sflag:s22] =	ssyncset.done $0x0  }
0xa0: {  	[sflag:s22] =	ssyncadd.s32 s4;
	_ =	sdelay $0x1  }
0xa1: {  	s23 =	simm.s32 $0x1B8B  }
0xa2: {  	_ =	swait.ge [sflag:s23], $0x1  }
0xa3: {  	[sflag:s23] =	ssyncset.done $0x0  }
0xa4: {  	s25 =	simm.s32 $0x1B8E;
	s24 =	sld [smem:$0x3FFE];
	[sflag:s23] =	ssyncadd.s32 $0xFFFFFFFF  }
0xa5: {  	s26 =	simm.s32 $execute0_lowered;
	[smem:$0x3FD2] =	sst s25  }
0xa6: {  	s5 =	sshll.u32 s26, $0x1;
	_ =	strace $0x80000046;
	[dreg:$0x1] =	wrdreg $0xFFFFFFFF  }
0xa7: {  	s28 =	simm.s32 $_size_execute0_lowered;
	s3 =	sadd.s32 s3, s5;
	[dreg:$0x0] =	wrdreg $0x0  }
0xa8: {  	s5 =	sshll.u32 s28, $0x1;
	[dreg:$0x2] =	wrdreg s3  }
0xa9: {  	[dreg:$0x3] =	wrdreg s5  }
0xaa: {  	[dreg:$0x4] =	wrdreg $0xC0  }
0xab: {  	_ =	task [dreg:s7], $0x5FFFF  }
0xac: {  	[dreg:$0x1] =	wrdreg $0xFFFFFFFF  }
0xad: {  	[dreg:$0x0] =	wrdreg $0x60  }
0xae: {  	[dreg:$0x2] =	wrdreg s24  }
0xaf: {  	[dreg:$0x3] =	wrdreg s2  }
0xb0: {  	[dreg:$0x4] =	wrdreg $0x9  }
0xb1: {  	_ =	task.clear_ibuf [dreg:s7], $0x5FFFF;
	_ =	strace $0x90000046  }
0xb2: {  	s29 =	simm.s32 $0x9;
	_ =	strace $0x80000048  }
0xb3: {  	_ =	swait.ge [sflag:s29], $0x1  }
0xb4: {  	[sflag:s29] =	ssyncadd.s32 $0xFFFFFFFF  }
0xb5: {  	_ =	strace $0x90000048  }
0xb6: {  	_ =	sfence  }
0xb7: {  	s30 =	sld [smem:$0x0];
	_ =	sdelay $0x2  }
0xb8: {  	s31 =	sshll.u32 s1, $0xD;
	s1 =	sshrl.u32 s1, $0x2  }
0xb9: {  	s3 =	sand.u32 $0x4000, s31;
	s1 =	sadd.s32 s1, s30  }
0xba: {  	s0 =	sor.u32 s3, s0;
	s1 =	sshll.u32 s1, $0x11  }
0xbb: {  	s0 =	sor.u32 s1, s0  }
0xbc: {  	s0 =	sadd.s32 $0x8F2B, s0  }
0xbd: {  	[sflag:s0] =	ssyncadd.remote.s32 $0x1  }
0xbe: {  	_ =	sfence.sel $0xFFFF  }
0xbf: {  	[dreg:$0x0] =	wrdreg $0xFFFFFFFF;
	(pc) =	sbr.abs _section_cstart, $3  }
0xc0: {  	[dreg:$0x1] =	wrdreg $0xFFFFFFFF  }
0xc1: {  	_ =	task.clear_ibuf [dreg:s7], $0x2FFFF;
	_ =	strace $0x9FFFFFFF  }
0xc2: {  	(tm) =	ssettm $0x7FFFFFFF  }
0xc3: {  	_ =	shalt  }
tec
execute0_lowered:
.L_overlay_start_1:
0x0: {  	(tag) =	ssettag $0x1  }
0x1: {  	s4 =	rddreg [dreg:$0x0];
	s1 =	srdreg.scid  }
0x2: {  	s0 =	stileid.u32;
	s5 =	rddreg [dreg:$0x1]  }
0x3: {  	s2 =	simm.s32 $0x0;
	s11 =	simm.s32 $0x100;
	s12 =	simm.s32 $0x2400  }
0x4: {  	s13 =	simm.s32 $0x180;
	s14 =	simm.s32 $0x3400;
	s15 =	simm.s32 $0x200  }
0x5: {  	s16 =	simm.s32 $0x4400;
	s17 =	simm.s32 $0x280;
	s18 =	simm.s32 $0x5400  }
0x6: {  	s19 =	simm.s32 $0x300;
	s20 =	simm.s32 $0x6400;
	s21 =	simm.s32 $0x380  }
0x7: {  	s22 =	simm.s32 $0x7400;
	s23 =	simm.s32 $0x1;
	s7 =	smul.u32 $0x6800, s0  }
0x8: {  	s6 =	sand.u32 $0x1, s1;
	s1 =	rddreg [dreg:$0x2];
	s9 =	smul.u32 $0xD0000, s0  }
0x9: {  	s24 =	simm.s32 $0x0;
	[smem:$0x7FF] =	sst s2;
	s8 =	smul.u32 $0x3400, s6  }
0xa: {  	s3 =	sadd.s32 $0xD800, s4;
	s10 =	smul.u32 $0x68000, s6;
	s6 =	ssub.s32 $0x2, s6  }
0xb: {  	_ =	strace $0x80000047;
	s29 =	sshrl.u32 s6, $0x1;
	s7 =	sadd.s32 s8, s7  }
0xc: {  	s9 =	sadd.s32 s10, s9;
	s30 =	ssub.s32 s6, s29;
	s8 =	simm.s32 $0x80  }
0xd: {  	s10 =	simm.s32 $0x1400;
	s7 =	sshrl.u32 s7, $0x3;
	s31 =	sshrl.u32 s9, $0x3  }
0xe: {  	s9 =	simm.s32 $0x400;
	s7 =	sadd.s32 s7, s4;
	s4 =	smax.u32 s30, $0x1  }
0xf: {  	s5 =	sadd.s32 s31, s5;
	s6 =	sadd.s32 $0x800, s7;
	s7 =	simm.s32 $0x2  }
.LBB2_1:
0x10: {  	s25 =	sadd.s32 $0x0, s6  }
0x11: {  	[tilespmem:s2], [sflag:$0x2] =	stream.linear.gather [hbm4b:s25+s2], $0x400, $0x38;
	[tilespmem:$0x8400] =	vst v63  }
0x12: {  	_ =	swait.ge [sflag:s7], $0x400  }
0x13: {  	[sflag:s7] =	ssyncset.done $0x0  }
0x14: {  	[sflag:s7] =	ssyncadd.s32 $0xFFFFFC00  }
0x15: {  	[tilespmem:s9], [sflag:$0x1] =	stream.indirect.gather [hbm4b:s3+s8], $0x20, s2, s8, $0xb8;
	[tilespmem:$0x8400] =	vst v63  }
0x16: {  	_ = 	snop  }
0x17: {  	[tilespmem:s10], [sflag:$0x1] =	stream.indirect.gather [hbm4b:s3+s8], $0x20, s8, s8, $0xb8;
	[tilespmem:$0x8400] =	vst v63  }
0x18: {  	_ = 	snop  }
0x19: {  	[tilespmem:s12], [sflag:$0x1] =	stream.indirect.gather [hbm4b:s3+s8], $0x20, s11, s8, $0xb8;
	[tilespmem:$0x8400] =	vst v63  }
0x1a: {  	_ = 	snop  }
0x1b: {  	[tilespmem:s14], [sflag:$0x1] =	stream.indirect.gather [hbm4b:s3+s8], $0x20, s13, s8, $0xb8;
	[tilespmem:$0x8400] =	vst v63  }
0x1c: {  	_ = 	snop  }
0x1d: {  	[tilespmem:s16], [sflag:$0x1] =	stream.indirect.gather [hbm4b:s3+s8], $0x20, s15, s8, $0xb8;
	[tilespmem:$0x8400] =	vst v63  }
0x1e: {  	_ = 	snop  }
0x1f: {  	[tilespmem:s18], [sflag:$0x1] =	stream.indirect.gather [hbm4b:s3+s8], $0x20, s17, s8, $0xb8;
	[tilespmem:$0x8400] =	vst v63  }
0x20: {  	_ = 	snop  }
0x21: {  	[tilespmem:s20], [sflag:$0x1] =	stream.indirect.gather [hbm4b:s3+s8], $0x20, s19, s8, $0xb8;
	[tilespmem:$0x8400] =	vst v63  }
0x22: {  	_ = 	snop  }
0x23: {  	[tilespmem:s22], [sflag:$0x1] =	stream.indirect.gather [hbm4b:s3+s8], $0x20, s21, s8, $0xb8;
	[tilespmem:$0x8400] =	vst v63  }
0x24: {  	_ =	swait.ge [sflag:s23], $0x1000  }
0x25: {  	[sflag:s23] =	ssyncset.done $0x0  }
0x26: {  	[sflag:s23] =	ssyncadd.s32 $0xFFFFF000  }
0x27: {  	_ =	swait.ge [sflag:s23], $0x1000  }
0x28: {  	[sflag:s23] =	ssyncset.done $0x0  }
0x29: {  	[sflag:s23] =	ssyncadd.s32 $0xFFFFF000  }
0x2a: {  	_ =	swait.ge [sflag:s23], $0x1000  }
0x2b: {  	[sflag:s23] =	ssyncset.done $0x0  }
0x2c: {  	[sflag:s23] =	ssyncadd.s32 $0xFFFFF000  }
0x2d: {  	_ =	swait.ge [sflag:s23], $0x1000  }
0x2e: {  	[sflag:s23] =	ssyncset.done $0x0  }
0x2f: {  	[sflag:s23] =	ssyncadd.s32 $0xFFFFF000  }
0x30: {  	_ =	swait.ge [sflag:s23], $0x1000  }
0x31: {  	[sflag:s23] =	ssyncset.done $0x0  }
0x32: {  	[sflag:s23] =	ssyncadd.s32 $0xFFFFF000  }
0x33: {  	_ =	swait.ge [sflag:s23], $0x1000  }
0x34: {  	[sflag:s23] =	ssyncset.done $0x0  }
0x35: {  	[sflag:s23] =	ssyncadd.s32 $0xFFFFF000  }
0x36: {  	_ =	swait.ge [sflag:s23], $0x1000  }
0x37: {  	[sflag:s23] =	ssyncset.done $0x0  }
0x38: {  	[sflag:s23] =	ssyncadd.s32 $0xFFFFF000  }
0x39: {  	_ =	swait.ge [sflag:s23], $0x1000  }
0x3a: {  	[sflag:s23] =	ssyncset.done $0x0  }
0x3b: {  	[sflag:s23] =	ssyncadd.s32 $0xFFFFF000  }
0x3c: {  	[hbm4b:s5+s2] =	stream.linear.scatter [tilespmem:s9], [sflag:$0x2], $0x8000, $0x38;
	[tilespmem:$0x8400] =	vst v63  }
0x3d: {  	s26 =	simm.s32 $0x80;
	_ =	swait.ge [sflag:s7], $0x8000  }
0x3e: {  	s29 =	simm.s32 $0x100;
	s25 =	sadd.s32 $0x1000, s5;
	[sflag:s7] =	ssyncset.done $0x0  }
.LBB2_2:
0x3f: {  	s30 =	sadd.s32 s26, s6  }
0x40: {  	[sflag:s7] =	ssyncadd.s32 $0xFFFF8000;
	s26 =	smov.u32 s29;
	s28 =	sadd.s32 $0x80, s29  }
0x41: {  	[tilespmem:s2], [sflag:$0x2] =	stream.linear.gather [hbm4b:s30+s2], $0x400, $0x38;
	[tilespmem:$0x8400] =	vst v63  }
0x42: {  	p0 =	sne.s32 s29, $0x600;
	_ =	swait.ge [sflag:s7], $0x400  }
0x43: {  	[sflag:s7] =	ssyncset.done $0x0  }
0x44: {  	[sflag:s7] =	ssyncadd.s32 $0xFFFFFC00  }
0x45: {  	[tilespmem:s9], [sflag:$0x1] =	stream.indirect.gather [hbm4b:s3+s8], $0x20, s2, s8, $0xb8;
	[tilespmem:$0x8400] =	vst v63  }
0x46: {  	_ = 	snop  }
0x47: {  	[tilespmem:s10], [sflag:$0x1] =	stream.indirect.gather [hbm4b:s3+s8], $0x20, s8, s8, $0xb8;
	[tilespmem:$0x8400] =	vst v63  }
0x48: {  	_ = 	snop  }
0x49: {  	[tilespmem:s12], [sflag:$0x1] =	stream.indirect.gather [hbm4b:s3+s8], $0x20, s11, s8, $0xb8;
	[tilespmem:$0x8400] =	vst v63  }
0x4a: {  	_ = 	snop  }
0x4b: {  	[tilespmem:s14], [sflag:$0x1] =	stream.indirect.gather [hbm4b:s3+s8], $0x20, s13, s8, $0xb8;
	[tilespmem:$0x8400] =	vst v63  }
0x4c: {  	_ = 	snop  }
0x4d: {  	[tilespmem:s16], [sflag:$0x1] =	stream.indirect.gather [hbm4b:s3+s8], $0x20, s15, s8, $0xb8;
	[tilespmem:$0x8400] =	vst v63  }
0x4e: {  	_ = 	snop  }
0x4f: {  	[tilespmem:s18], [sflag:$0x1] =	stream.indirect.gather [hbm4b:s3+s8], $0x20, s17, s8, $0xb8;
	[tilespmem:$0x8400] =	vst v63  }
0x50: {  	_ = 	snop  }
0x51: {  	[tilespmem:s20], [sflag:$0x1] =	stream.indirect.gather [hbm4b:s3+s8], $0x20, s19, s8, $0xb8;
	[tilespmem:$0x8400] =	vst v63  }
0x52: {  	_ = 	snop  }
0x53: {  	[tilespmem:s22], [sflag:$0x1] =	stream.indirect.gather [hbm4b:s3+s8], $0x20, s21, s8, $0xb8;
	[tilespmem:$0x8400] =	vst v63  }
0x54: {  	_ =	swait.ge [sflag:s23], $0x1000  }
0x55: {  	[sflag:s23] =	ssyncset.done $0x0  }
0x56: {  	[sflag:s23] =	ssyncadd.s32 $0xFFFFF000  }
0x57: {  	_ =	swait.ge [sflag:s23], $0x1000  }
0x58: {  	[sflag:s23] =	ssyncset.done $0x0  }
0x59: {  	[sflag:s23] =	ssyncadd.s32 $0xFFFFF000  }
0x5a: {  	_ =	swait.ge [sflag:s23], $0x1000  }
0x5b: {  	[sflag:s23] =	ssyncset.done $0x0  }
0x5c: {  	[sflag:s23] =	ssyncadd.s32 $0xFFFFF000  }
0x5d: {  	_ =	swait.ge [sflag:s23], $0x1000  }
0x5e: {  	[sflag:s23] =	ssyncset.done $0x0  }
0x5f: {  	[sflag:s23] =	ssyncadd.s32 $0xFFFFF000  }
0x60: {  	_ =	swait.ge [sflag:s23], $0x1000  }
0x61: {  	[sflag:s23] =	ssyncset.done $0x0  }
0x62: {  	[sflag:s23] =	ssyncadd.s32 $0xFFFFF000  }
0x63: {  	_ =	swait.ge [sflag:s23], $0x1000  }
0x64: {  	[sflag:s23] =	ssyncset.done $0x0  }
0x65: {  	[sflag:s23] =	ssyncadd.s32 $0xFFFFF000  }
0x66: {  	_ =	swait.ge [sflag:s23], $0x1000  }
0x67: {  	[sflag:s23] =	ssyncset.done $0x0  }
0x68: {  	[sflag:s23] =	ssyncadd.s32 $0xFFFFF000  }
0x69: {  	_ =	swait.ge [sflag:s23], $0x1000  }
.Ltmp0:
0x6a: {  	[sflag:s23] =	ssyncset.done $0x0;
	(pc) =	sbr.rel @p0 .LBB2_2-.Ltmp0, $4  }
0x6b: {  	[sflag:s23] =	ssyncadd.s32 $0xFFFFF000  }
0x6c: {  	[hbm4b:s25+s2] =	stream.linear.scatter [tilespmem:s9], [sflag:$0x2], $0x8000, $0x38;
	[tilespmem:$0x8400] =	vst v63  }
0x6d: {  	_ =	swait.ge [sflag:s7], $0x8000  }
0x6e: {  	s29 =	smov.u32 s28;
	s25 =	sadd.s32 $0x1000, s25;
	[sflag:s7] =	ssyncset.done $0x0  }
0x6f: {  	s26 =	sadd.s32 s26, s6;
	[sflag:s7] =	ssyncadd.s32 $0xFFFF8000  }
0x70: {  	[tilespmem:s2], [sflag:$0x2] =	stream.linear.gather [hbm4b:s26+s2], $0x400, $0x38;
	[tilespmem:$0x8400] =	vst v63  }
0x71: {  	_ =	swait.ge [sflag:s7], $0x400  }
0x72: {  	[sflag:s7] =	ssyncset.done $0x0  }
0x73: {  	[sflag:s7] =	ssyncadd.s32 $0xFFFFFC00  }
0x74: {  	[tilespmem:s9], [sflag:$0x1] =	stream.indirect.gather [hbm4b:s3+s8], $0x20, s2, s8, $0xb8;
	[tilespmem:$0x8400] =	vst v63  }
0x75: {  	_ = 	snop  }
0x76: {  	[tilespmem:s10], [sflag:$0x1] =	stream.indirect.gather [hbm4b:s3+s8], $0x20, s8, s8, $0xb8;
	[tilespmem:$0x8400] =	vst v63  }
0x77: {  	_ = 	snop  }
0x78: {  	[tilespmem:s12], [sflag:$0x1] =	stream.indirect.gather [hbm4b:s3+s8], $0x20, s11, s8, $0xb8;
	[tilespmem:$0x8400] =	vst v63  }
0x79: {  	_ = 	snop  }
0x7a: {  	[tilespmem:s14], [sflag:$0x1] =	stream.indirect.gather [hbm4b:s3+s8], $0x20, s13, s8, $0xb8;
	[tilespmem:$0x8400] =	vst v63  }
0x7b: {  	_ = 	snop  }
0x7c: {  	[tilespmem:s16], [sflag:$0x1] =	stream.indirect.gather [hbm4b:s3+s8], $0x20, s15, s8, $0xb8;
	[tilespmem:$0x8400] =	vst v63  }
0x7d: {  	_ = 	snop  }
0x7e: {  	[tilespmem:s18], [sflag:$0x1] =	stream.indirect.gather [hbm4b:s3+s8], $0x20, s17, s8, $0xb8;
	[tilespmem:$0x8400] =	vst v63  }
0x7f: {  	_ = 	snop  }
0x80: {  	[tilespmem:s20], [sflag:$0x1] =	stream.indirect.gather [hbm4b:s3+s8], $0x20, s19, s8, $0xb8;
	[tilespmem:$0x8400] =	vst v63  }
0x81: {  	_ = 	snop  }
0x82: {  	[tilespmem:s22], [sflag:$0x1] =	stream.indirect.gather [hbm4b:s3+s8], $0x20, s21, s8, $0xb8;
	[tilespmem:$0x8400] =	vst v63  }
0x83: {  	_ =	swait.ge [sflag:s23], $0x1000  }
0x84: {  	[sflag:s23] =	ssyncset.done $0x0  }
0x85: {  	[sflag:s23] =	ssyncadd.s32 $0xFFFFF000  }
0x86: {  	_ =	swait.ge [sflag:s23], $0x1000  }
0x87: {  	[sflag:s23] =	ssyncset.done $0x0  }
0x88: {  	[sflag:s23] =	ssyncadd.s32 $0xFFFFF000  }
0x89: {  	_ =	swait.ge [sflag:s23], $0x1000  }
0x8a: {  	[sflag:s23] =	ssyncset.done $0x0  }
0x8b: {  	[sflag:s23] =	ssyncadd.s32 $0xFFFFF000  }
0x8c: {  	_ =	swait.ge [sflag:s23], $0x1000  }
0x8d: {  	[sflag:s23] =	ssyncset.done $0x0  }
0x8e: {  	[sflag:s23] =	ssyncadd.s32 $0xFFFFF000  }
0x8f: {  	_ =	swait.ge [sflag:s23], $0x1000  }
0x90: {  	[sflag:s23] =	ssyncset.done $0x0  }
0x91: {  	[sflag:s23] =	ssyncadd.s32 $0xFFFFF000  }
0x92: {  	_ =	swait.ge [sflag:s23], $0x1000  }
0x93: {  	[sflag:s23] =	ssyncset.done $0x0  }
0x94: {  	[sflag:s23] =	ssyncadd.s32 $0xFFFFF000  }
0x95: {  	_ =	swait.ge [sflag:s23], $0x1000  }
0x96: {  	[sflag:s23] =	ssyncset.done $0x0  }
0x97: {  	[sflag:s23] =	ssyncadd.s32 $0xFFFFF000  }
0x98: {  	s24 =	sadd.s32 $0x1, s24;
	_ =	swait.ge [sflag:s23], $0x1000  }
0x99: {  	p0 =	sne.s32 s24, s4;
	[sflag:s23] =	ssyncset.done $0x0  }
.Ltmp1:
0x9a: {  	[sflag:s23] =	ssyncadd.s32 $0xFFFFF000;
	(pc) =	sbr.rel @p0 .LBB2_1-.Ltmp1, $4  }
0x9b: {  	[hbm4b:s25+s2] =	stream.linear.scatter [tilespmem:s9], [sflag:$0x2], $0x8000, $0x38;
	[tilespmem:$0x8400] =	vst v63  }
0x9c: {  	_ =	swait.ge [sflag:s7], $0x8000  }
0x9d: {  	[sflag:s7] =	ssyncset.done $0x0  }
0x9e: {  	[sflag:s7] =	ssyncadd.s32 $0xFFFF8000  }
0x9f: {  	_ =	sfence.sel $0x180000  }
0xa0: {  	[bflag:$0x0] =	sbarrier.arrive $0xFFFF  }
0xa1: {  	p0 =	sne.s32 s0, $0x0;
	_ =	strace $0x90000047  }
0xa2: {  	s0 =	sadd.s32 @!p0 $0x100000, s1;
	[bflag:$0x2] =	sbarrier.arrive $0xFFFF  }
0xa3: {  	[sflag:s0] =	ssyncadd.tile.s32 @!p0 $0x1;
	_ =	shalt  }
.Lfunc_end2:
_tile_overlayer_lowered:
.L_overlay_start_2:
0xa4: {  	(tag) =	ssettag $0x2  }
0xa5: {  	s0 =	rddreg [dreg:$0x0];
	s2 =	stileid.u32  }
0xa6: {  	s1 =	rddreg [dreg:$0x1];
	p0 =	sne.s32 s2, $0x0  }
0xa7: {  	s3 =	rddreg [dreg:$0x2];
	[bflag:$0x3] =	sbarrier.arrive $0xFFFF;
	s2 =	simm.s32 @!p0 $0x1C02  }
0xa8: {  	[timem:s3], [sflag:s2] =	dma.local @!p0 [hbm:s0], s1  }
0xa9: {  	s0 =	simm.s32 @!p0 $0x2  }
0xaa: {  	_ =	swait.ge @!p0 [sflag:s0], s1  }
0xab: {  	s1 =	ssub.s32 @!p0 $0x0, s1;
	[sflag:s0] =	ssyncset.done @!p0 $0x0  }
0xac: {  	[sflag:s0] =	ssyncadd.s32 @!p0 s1  }
0xad: {  	[bflag:$0x3] =	sbarrier.arrive $0xFFFF  }
0xae: {  	_ =	shalt  }

// kernel: sparse-core-data-format-call.cloned.1.call-start
scs
called_computation_lowered:
.L_overlay_start_0:
0x0: {  	s2 =	sld [smem:$0x3FD9]  }
0x1: {  	s3 =	sld [smem:$0x3FFE];
	_ =	sdelay $0x1  }
0x2: {  	s1 =	srdreg.scid  }
0x3: {  	s0 =	sand.u32 $0x1, s1  }
0x4: {  	s18 =	sshll.u32 s0, $0xA;
	s2 =	sadd.s32 s3, s2  }
0x5: {  	s2 =	sadd.s32 s2, s18  }
0x6: {  	[smem:$0x3FC6] =	sst s2  }
0x7: {  	_ = 	snop  }
0x8: {  	s2 =	sld [smem:$0x3FD0];
	(tm) =	ssettm $0x1  }
0x9: {  	s19 =	sld [smem:$0x3FFB];
	_ =	sdelay $0x3  }
0xa: {  	_ =	strace s19  }
0xb: {  	s3 =	sld [smem:$0x3FFC];
	_ =	sdelay $0x3  }
0xc: {  	_ =	strace s3  }
0xd: {  	s3 =	sld [smem:$0x3FFD];
	_ =	sdelay $0x3  }
0xe: {  	_ =	strace s3  }
0xf: {  	_ =	strace $0x8FFFFFFF  }
0x10: {  	s20 =	sld [smem:$0x3FDB];
	_ =	sdelay $0x1  }
0x11: {  	s4 =	simm.s32 $_scs_section_size  }
0x12: {  	s5 =	simm.s32 $_size__tile_overlayer_lowered;
	s6 =	simm.s32 $_tile_overlayer_lowered  }
0x13: {  	s23 =	simm.s32 $0x1BFF;
	s22 =	sshll.u32 s6, $0x1;
	s3 =	sadd.s32 s4, s20  }
0x14: {  	s7 =	simm.s32 $0x0;
	s21 =	sshll.u32 s5, $0x1;
	s5 =	sadd.s32 s22, s3  }
0x15: {  	[timem:s7], [sflag:s23] =	dma.local [hbm:s5], s21  }
0x16: {  	_ =	swait.ge [sflag:s23], s21  }
0x17: {  	s4 =	ssub.s32 $0x0, s21;
	[sflag:s23] =	ssyncset.done $0x0  }
0x18: {  	[sflag:s23] =	ssyncadd.s32 s4;
	_ =	sdelay $0x1  }
0x19: {  	s24 =	simm.s32 $0x1B8B  }
0x1a: {  	_ =	swait.ge [sflag:s24], $0x1  }
0x1b: {  	[sflag:s24] =	ssyncset.done $0x0  }
0x1c: {  	s26 =	simm.s32 $0x1B8E;
	s25 =	sld [smem:$0x3FFE];
	[sflag:s24] =	ssyncadd.s32 $0xFFFFFFFF  }
0x1d: {  	s27 =	simm.s32 $execute0_lowered;
	[smem:$0x3FD2] =	sst s26  }
0x1e: {  	s5 =	sshll.u32 s27, $0x1;
	_ =	strace $0x80000049;
	[dreg:$0x1] =	wrdreg $0xFFFFFFFF  }
0x1f: {  	s28 =	simm.s32 $_size_execute0_lowered;
	s3 =	sadd.s32 s3, s5;
	[dreg:$0x0] =	wrdreg $0x0  }
0x20: {  	s5 =	sshll.u32 s28, $0x1;
	[dreg:$0x2] =	wrdreg s3  }
0x21: {  	[dreg:$0x3] =	wrdreg s5  }
0x22: {  	[dreg:$0x4] =	wrdreg $0xC0  }
0x23: {  	_ =	task [dreg:s7], $0x5FFFF  }
0x24: {  	[dreg:$0x1] =	wrdreg $0xFFFFFFFF  }
0x25: {  	[dreg:$0x0] =	wrdreg $0x60  }
0x26: {  	[dreg:$0x2] =	wrdreg s25  }
0x27: {  	[dreg:$0x3] =	wrdreg s2  }
0x28: {  	[dreg:$0x4] =	wrdreg $0x9  }
0x29: {  	_ =	task.clear_ibuf [dreg:s7], $0x5FFFF;
	_ =	strace $0x90000049  }
0x2a: {  	s29 =	simm.s32 $0x9;
	_ =	strace $0x8000004B  }
0x2b: {  	_ =	swait.ge [sflag:s29], $0x1  }
0x2c: {  	[sflag:s29] =	ssyncadd.s32 $0xFFFFFFFF  }
0x2d: {  	_ =	strace $0x9000004B  }
0x2e: {  	_ =	sfence  }
0x2f: {  	s30 =	sld [smem:$0x0];
	_ =	sdelay $0x2  }
0x30: {  	s31 =	sshll.u32 s1, $0xD;
	s1 =	sshrl.u32 s1, $0x2  }
0x31: {  	s3 =	sand.u32 $0x4000, s31;
	s1 =	sadd.s32 s1, s30  }
0x32: {  	s0 =	sor.u32 s3, s0;
	s1 =	sshll.u32 s1, $0x11  }
0x33: {  	s0 =	sor.u32 s1, s0  }
0x34: {  	s0 =	sadd.s32 $0x8F2B, s0  }
0x35: {  	[sflag:s0] =	ssyncadd.remote.s32 $0x1  }
0x36: {  	_ =	sfence.sel $0xFFFF  }
0x37: {  	[dreg:$0x0] =	wrdreg $0xFFFFFFFF;
	(pc) =	sbr.abs _section_cstart, $3  }
0x38: {  	[dreg:$0x1] =	wrdreg $0xFFFFFFFF  }
0x39: {  	_ =	task.clear_ibuf [dreg:s7], $0x2FFFF;
	_ =	strace $0x9FFFFFFF  }
0x3a: {  	(tm) =	ssettm $0x7FFFFFFF  }
0x3b: {  	_ =	shalt  }
tec
execute0_lowered:
.L_overlay_start_1:
0x0: {  	(tag) =	ssettag $0x1  }
0x1: {  	s0 =	srdreg.scid  }
0x2: {  	s1 =	sshll.u32 s0, $0x4  }
0x3: {  	s6 =	rddreg [dreg:$0x0];
	s0 =	stileid.u32;
	s1 =	sand.u32 $0x10, s1  }
0x4: {  	s3 =	rddreg [dreg:$0x1];
	s1 =	sor.u32 s0, s1  }
0x5: {  	s5 =	simm.s32 $0x1;
	s31 =	simm.s32 $0x2;
	s2 =	sshll.u32 s1, $0x7  }
0x6: {  	s15 =	simm.s32 $0x0;
	s8 =	simm.s32 $0x20000;
	s4 =	ssub.s32 $0x4000, s2  }
0x7: {  	s14 =	simm.s32 $0x0;
	s9 =	simm.s32 $0x0;
	s30 =	sand.u32 $0xF80, s4  }
0x8: {  	s10 =	simm.s32 $0x0;
	s11 =	simm.s32 $0x0;
	p0 =	sne.s32 s30, $0x0  }
.Ltmp0:
0x9: {  	s7 =	sshrl.u32 s4, $0xC;
	s5 =	simm.s32 @!p0 $0x0;
	(pc) =	sbr.rel .LBB1_1-.Ltmp0, $4  }
0xa: {  	s13 =	simm.s32 $0x0;
	s1 =	rddreg [dreg:$0x2];
	s5 =	sadd.s32 s5, s7  }
0xb: {  	_ =	strace $0x8000004A;
	s4 =	simm.s32 $0x1;
	s5 =	smul.u32 $0x7, s5  }
0xc: {  	s6 =	sadd.s32 $0x800, s6;
	s12 =	smov.u32 s2;
	[sflag:s4] =	ssyncpa.u1 $0x0  }
0xd: {  	[sflag:s31] =	ssyncpa.u1 $0x0;
	p0 =	por $0x0, $0x0;
	s7 =	sadd.s32 $0x1, s5  }
.LBB1_4:
0xe: {  	s20 =	sshra.s32 s20, $0x2  }
0xf: {  	s28 =	sand.u32 $0x78, s10;
	s21 =	sshll.u32 s9, $0xE;
	s22 =	sshll.u32 s10, $0x3  }
0x10: {  	s24 =	sshll.u32 s9, $0x7;
	p1 =	sgt.s32 s9, $0x2C0;
	s30 =	sshra.s32 s9, $0x1F  }
0x11: {  	s26 =	sshra.s32 s10, $0x1F;
	s19 =	sadd.s32 s20, s19;
	s21 =	sand.u32 $0xFFFE0000, s21  }
0x12: {  	v5 =	vld [tilespmem:s17+$0xFFFFFFD0];
	[tilespmem:s18+$0x2040 ss:$0x81] =	vst.msk $0xffff, v4;
	s23 =	sand.u32 $0xFFFFFC00, s22;
	s29 =	sand.u32 $0x380, s24;
	s22 =	sand.u32 $0x3C00, s22  }
0x13: {  	v58 =	vld [tilespmem:s17+$0xFFFFFFE0];
	[tilespmem:s18+$0x2850 ss:$0x81] =	vst.msk $0xffff, v3;
	s21 =	sadd.s32 s23, s21;
	s20 =	sor.u32 s28, s22;
	s22 =	smov.u32 s9  }
0x14: {  	v59 =	vld [tilespmem:s17+$0xFFFFFFF0];
	[tilespmem:s18+$0x3060 ss:$0x81] =	vst.msk $0xffff, v2;
	s24 =	sand.u32 s30, s9;
	s21 =	sshrl.u32 s21, $0xE;
	s22 =	simm.s32 @!p1 $0x2C0  }
0x15: {  	v60 =	vld [tilespmem:s17+$0x0];
	[tilespmem:s18+$0x0 ss:$0x81] =	vst.msk $0xffff, v1;
	p1 =	sgt.s32 s10, $0x3F80;
	s31 =	ssub.s32 s22, s24;
	s22 =	smov.u32 s10  }
0x16: {  	v61 =	vld [tilespmem:s17+$0x10];
	[tilespmem:s19+$0x3870 ss:$0x81] =	vst.msk $0xffff, v0;
	s25 =	smulhi.u32 $0x4EC4ED, s21;
	s24 =	sand.u32 s26, s10;
	s22 =	simm.s32 @!p1 $0x3F80  }
0x17: {  	v62 =	vld [tilespmem:s17+$0x20];
	s20 =	sor.u32 s29, s20;
	[tilespmem:s19+$0x810 ss:$0x81] =	vst.msk $0xffff, v5;
	s27 =	sadd.s32 $0xFFFFFD40, s31;
	s22 =	ssub.s32 s22, s24  }
0x18: {  	v63 =	vld [tilespmem:s17+$0xFFFFFFC0];
	[tilespmem:s19+$0x1020 ss:$0x81] =	vst.msk $0xffff, v58;
	s18 =	ssub.s32 $0x340, s31;
	s28 =	smul.u32 $0x340, s25;
	s29 =	sadd.s32 $0xFFFFC080, s22  }
0x19: {  	[tilespmem:s19+$0x1830 ss:$0x81] =	vst.msk $0xffff, v59;
	p1 =	sgt.s32 s27, $0x7F;
	s22 =	ssub.s32 $0x4000, s22;
	p2 =	sgt.s32 s29, $0x7F  }
0x1a: {  	s30 =	sand.u32 $0x7, s10;
	[tilespmem:s19+$0x2040 ss:$0x81] =	vst.msk $0xffff, v60;
	s18 =	simm.s32 @p1 $0x0;
	s22 =	simm.s32 @p2 $0x0  }
0x1b: {  	s20 =	sshrl.u32 s20, $0x3;
	[tilespmem:s19+$0x2850 ss:$0x81] =	vst.msk $0xffff, v61;
	s17 =	ssub.s32 s21, s28;
	s18 =	smul.u32 s22, s18  }
0x1c: {  	[tilespmem:s19+$0x3060 ss:$0x81] =	vst.msk $0xffff, v62;
	s20 =	sadd.s32 s3, s20;
	s21 =	sshll.u32 s30, $0x12;
	s17 =	sshll.u32 s17, $0xB  }
0x1d: {  	[tilespmem:s19+$0x0 ss:$0x81] =	vst.msk $0xffff, v63;
	s31 =	sor.u32 $0x400, s21;
	s17 =	sadd.s32 s17, s20;
	s18 =	sand.u32 $0x3FFFFFFF, s18  }
0x1e: {  	[hbm4b:s17+s31] =	stream.strided.scatter [tilespmem:s16], [sflag:$0x2], s18, s8, s31, $0x20;
	[tilespmem:$0x10100] =	vst v63  }
.LBB1_5:
0x1f: {  	p1 =	slt.u32 s13, $0x2  }
0x20: {  	s17 =	smov.u32 s15;
	p2 =	sgt.s32 @!p1 s15, $0x2C0;
	s16 =	sshra.s32 @!p1 s15, $0x1F  }
0x21: {  	p3 =	sgt.s32 @!p1 s14, $0x3F80;
	s18 =	sshra.s32 @!p1 s14, $0x1F;
	p2 =	por !p2, p1  }
0x22: {  	s15 =	sand.u32 @!p1 s16, s15;
	p3 =	por !p3, p1;
	s16 =	smov.u32 s14  }
0x23: {  	s14 =	sand.u32 @!p1 s18, s14;
	s17 =	simm.s32 @p2 $0x2C0;
	s16 =	simm.s32 @p3 $0x3F80  }
0x24: {  	s15 =	ssub.s32 @!p1 s17, s15;
	s14 =	ssub.s32 @!p1 s16, s14  }
0x25: {  	s18 =	smov.u32 s12;
	s16 =	sadd.s32 @!p1 $0xFFFFFD40, s15;
	s17 =	sadd.s32 @!p1 $0xFFFFC080, s14  }
0x26: {  	s15 =	ssub.s32 @!p1 $0x340, s15;
	p2 =	sgt.s32 @!p1 s16, $0x7F;
	p3 =	sgt.s32 @!p1 s17, $0x7F  }
0x27: {  	s14 =	ssub.s32 @!p1 $0x4000, s14;
	p2 =	por !p2, p1;
	p3 =	por !p3, p1  }
0x28: {  	s16 =	sadd.s32 $0x80, s11;
	s15 =	simm.s32 @!p2 $0x0;
	s14 =	simm.s32 @!p3 $0x0  }
0x29: {  	p2 =	sgt.s32 s16, $0x33F;
	s14 =	smul.u32 @!p1 s14, s15;
	s15 =	sadd.s32 $0x1000, s12  }
0x2a: {  	s18 =	smov.u32 @p2 s15  }
0x2b: {  	s16 =	simm.s32 @p2 $0x0;
	p2 =	sgt.s32 s18, $0x3FFF  }
0x2c: {  	s18 =	smov.u32 @p2 s2;
	p2 =	sne.s32 s13, s7  }
.Ltmp1:
0x2d: {  	p0 =	por !p0, !p0;
	s17 =	simm.s32 @!p1 $0x2;
	(pc) =	sbr.rel @!p2 .LBB1_6-.Ltmp1, $4  }
0x2e: {  	s15 =	smov.u32 s9;
	s9 =	smov.u32 s11;
	s14 =	sand.u32 @!p1 $0x3FFFFFFF, s14  }
0x2f: {  	s11 =	smov.u32 s16;
	_ =	swait.ge @!p1 [sflag:s17], s14;
	s19 =	ssub.s32 @!p1 $0x0, s14  }
0x30: {  	s14 =	smov.u32 s10;
	s13 =	sadd.s32 $0x1, s13;
	[sflag:s17] =	ssyncset.done @!p1 $0x0  }
0x31: {  	s10 =	smov.u32 s12;
	s12 =	smov.u32 s18;
	[sflag:s17] =	ssyncadd.s32 @!p1 s19  }
.LBB1_1:
0x32: {  	p1 =	sge.u32 s13, s5  }
0x33: {  	s16 =	sshrl.u32 @!p1 s12, $0x3  }
0x34: {  	s17 =	sshll.u32 @!p1 s11, $0x3;
	s16 =	smul.u32 @!p1 $0x1C00, s16  }
0x35: {  	s18 =	sshll.u32 @!p1 s12, $0x7;
	s17 =	sand.u32 @!p1 $0xFFFFFC00, s17  }
0x36: {  	s16 =	sadd.s32 @!p1 s16, s17;
	s17 =	sand.u32 @!p1 $0x380, s18  }
0x37: {  	s16 =	sor.u32 @!p1 s17, s16  }
0x38: {  	s17 =	sshrl.u32 @!p1 s16, $0x7  }
0x39: {  	s17 =	smulhi.u32 @!p1 $0x24924925, s17;
	_ =	sdelay $0x1  }
0x3a: {  	s18 =	sand.u32 @!p1 $0x7F, s11;
	s19 =	smul.u32 @!p1 $0x380, s17  }
0x3b: {  	s31 =	sadd.s32 $0xFFFFFFFF, s13;
	s16 =	sor.u32 @!p1 s18, s16;
	s18 =	sxor.u32 @!p1 $0xFFFFFFFF, s13  }
0x3c: {  	s18 =	sshll.u32 @!p1 s18, $0xE;
	s17 =	sand.u32 @!p1 $0x3FFF, s17;
	s16 =	ssub.s32 @!p1 s16, s19  }
0x3d: {  	s17 =	smul.u32 @!p1 $0x70, s17;
	s19 =	sshrl.u32 @!p1 s16, $0x3;
	s16 =	sand.u32 @!p1 $0x7, s16  }
0x3e: {  	s18 =	sand.u32 @!p1 $0x4000, s18;
	s19 =	sadd.s32 @!p1 s6, s19;
	s16 =	sshll.u32 @!p1 s16, $0x12  }
0x3f: {  	s17 =	sadd.s32 @!p1 s17, s19;
	s16 =	sor.u32 @!p1 $0x400, s16;
	s19 =	simm.s32 @!p1 $0x1C00  }
0x40: {  	[tilespmem:s18], [sflag:$0x1] =	stream.strided.gather @!p1 [hbm4b:s17+s16], $0x4000, s19, s16, $0x38;
	[tilespmem:$0x10100] =	vst v63  }
0x41: {  	p1 =	sge.u32 s31, s5  }
.Ltmp2:
0x42: {  	_ = 	snop;
	(pc) =	sbr.rel @p1 .LBB1_5-.Ltmp2, $1  }
0x43: {  	_ =	sdelay $0x3  }
0x44: {  	s16 =	simm.s32 $0x1  }
0x45: {  	_ =	swait.ge [sflag:s4], $0x4000;
	s16 =	simm.s32 @!p0 $0x0  }
0x46: {  	[sflag:s4] =	ssyncset.done $0x0;
	s17 =	sshll.u32 s16, $0xE  }
0x47: {  	[sflag:s4] =	ssyncadd.s32 $0xFFFFC000;
	s17 =	sor.u32 $0x40, s17  }
0x48: {  	s16 =	smul.u32 $0x10200, s16;
	v0 =	vld [tilespmem:s17+$0x30]  }
0x49: {  	v1 =	vld [tilespmem:s17+$0xFFFFFFD0]  }
0x4a: {  	s16 =	sshrl.u32 s16, $0x2;
	v5 =	vld [tilespmem:s17+$0xFFFFFFE0]  }
0x4b: {  	v6 =	vld [tilespmem:s17+$0xFFFFFFF0];
	s19 =	sor.u32 $0x8000, s16  }
0x4c: {  	s31 =	sand.u32 $0x1, s13;
	v4 =	vld [tilespmem:s17+$0x0];
	s18 =	sadd.s32 $0x0, s19  }
0x4d: {  	v3 =	vld [tilespmem:s17+$0x10];
	s16 =	smul.u32 $0x10200, s31;
	[tilespmem:s18+$0x3870 ss:$0x81] =	vst.msk $0xffff, v0  }
0x4e: {  	v2 =	vld [tilespmem:s17+$0x20];
	[tilespmem:s18+$0x810 ss:$0x81] =	vst.msk $0xffff, v1  }
0x4f: {  	s16 =	sshrl.u32 s16, $0x2;
	v1 =	vld [tilespmem:s17+$0xFFFFFFC0];
	[tilespmem:s18+$0x1020 ss:$0x81] =	vst.msk $0xffff, v5;
	s17 =	sadd.s32 $0x80, s17  }
0x50: {  	s20 =	simm.s32 $0x4;
	s21 =	simm.s32 $0x8;
	s16 =	sor.u32 $0x8000, s16;
	[tilespmem:s18+$0x1830 ss:$0x81] =	vst.msk $0xffff, v6;
	v0 =	vld [tilespmem:s17+$0x30]  }
.LBB1_3:
0x51: {  	p1 =	sne.s32 s21, $0x1FC;
	v5 =	vld [tilespmem:s17+$0xFFFFFFD0];
	[tilespmem:s18+$0x2040 ss:$0x81] =	vst.msk $0xffff, v4  }
0x52: {  	v6 =	vld [tilespmem:s17+$0xFFFFFFE0];
	[tilespmem:s18+$0x2850 ss:$0x81] =	vst.msk $0xffff, v3  }
0x53: {  	s22 =	sshra.s32 s20, $0x2;
	s20 =	smov.u32 s21;
	v7 =	vld [tilespmem:s17+$0xFFFFFFF0];
	[tilespmem:s18+$0x3060 ss:$0x81] =	vst.msk $0xffff, v2  }
.Ltmp3:
0x54: {  	v4 =	vld [tilespmem:s17+$0x0];
	[tilespmem:s18+$0x0 ss:$0x81] =	vst.msk $0xffff, v1;
	s18 =	sadd.s32 s22, s19;
	(pc) =	sbr.rel @p1 .LBB1_3-.Ltmp3, $4  }
0x55: {  	v3 =	vld [tilespmem:s17+$0x10];
	[tilespmem:s18+$0x3870 ss:$0x81] =	vst.msk $0xffff, v0  }
0x56: {  	[tilespmem:s18+$0x810 ss:$0x81] =	vst.msk $0xffff, v5;
	v2 =	vld [tilespmem:s17+$0x20]  }
0x57: {  	v1 =	vld [tilespmem:s17+$0xFFFFFFC0];
	[tilespmem:s18+$0x1020 ss:$0x81] =	vst.msk $0xffff, v6;
	s17 =	sadd.s32 $0x80, s17  }
0x58: {  	s21 =	sadd.s32 $0x4, s21;
	v0 =	vld [tilespmem:s17+$0x30];
	[tilespmem:s18+$0x1830 ss:$0x81] =	vst.msk $0xffff, v7  }
.Ltmp4:
0x59: {  	_ = 	snop;
	(pc) =	sbr.rel .LBB1_4-.Ltmp4, $1  }
0x5a: {  	_ =	sdelay $0x3  }
.LBB1_6:
0x5b: {  	_ =	sfence.sel $0x180000  }
0x5c: {  	s2 =	simm.s32 $0x1;
	[bflag:$0x0] =	sbarrier.arrive $0xFFFF  }
0x5d: {  	s31 =	simm.s32 $0x2;
	[sflag:s2] =	ssyncpa.u1 $0x1  }
0x5e: {  	[sflag:s31] =	ssyncpa.u1 $0x1  }
0x5f: {  	p0 =	sne.s32 s0, $0x0;
	_ =	strace $0x9000004A  }
0x60: {  	s0 =	sadd.s32 @!p0 $0x100000, s1;
	[bflag:$0x2] =	sbarrier.arrive $0xFFFF  }
0x61: {  	[sflag:s0] =	ssyncadd.tile.s32 @!p0 $0x1;
	_ =	shalt  }
.Lfunc_end1:
_tile_overlayer_lowered:
.L_overlay_start_2:
0x62: {  	(tag) =	ssettag $0x2  }
0x63: {  	s0 =	rddreg [dreg:$0x0];
	s2 =	stileid.u32  }
0x64: {  	s1 =	rddreg [dreg:$0x1];
	p0 =	sne.s32 s2, $0x0  }
0x65: {  	s3 =	rddreg [dreg:$0x2];
	[bflag:$0x3] =	sbarrier.arrive $0xFFFF;
	s2 =	simm.s32 @!p0 $0x1C01  }
0x66: {  	[timem:s3], [sflag:s2] =	dma.local @!p0 [hbm:s0], s1  }
0x67: {  	s0 =	simm.s32 @!p0 $0x1  }
0x68: {  	_ =	swait.ge @!p0 [sflag:s0], s1  }
0x69: {  	s1 =	ssub.s32 @!p0 $0x0, s1;
	[sflag:s0] =	ssyncset.done @!p0 $0x0  }
0x6a: {  	[sflag:s0] =	ssyncadd.s32 @!p0 s1  }
0x6b: {  	[bflag:$0x3] =	sbarrier.arrive $0xFFFF  }
0x6c: {  	_ =	shalt  }

</sc_bundles>
